<compile_context>
chip_gen: v7x
topology: tpu7x:2x2x1
jax: 0.10.2.dev20260603
libtpu: 0.0.44.dev20260713+nightly
codegen_flags: <defaults>
</compile_context>

<pallas_src>
import functools

import jax
import jax.numpy as jnp
from jax import lax
from jax.experimental import pallas as pl
from jax.experimental.pallas import tpu as pltpu
from jax.experimental.pallas import tpu_sc as plsc

T = 16384
D = 1024
S = 512

A1N, A2N, A3N, A4N = 2048, 256, 32, 4
OFF_A1 = 8
OFF_Q1 = OFF_A1 + A1N
OFF_P1 = OFF_Q1 + A1N
OFF_A2 = OFF_P1 + A1N
OFF_Q2 = OFF_A2 + A2N
OFF_P2 = OFF_Q2 + A2N
OFF_A3 = OFF_P2 + A2N
OFF_Q3 = OFF_A3 + A3N
OFF_P3 = OFF_Q3 + A3N
OFF_A4 = OFF_P3 + A3N
SENT = OFF_A4 + 8
G_ROWS = SENT + 32

NC, NS, L = 2, 16, 16
NW = NC * NS
SEG_PER_W = S // NW
N0 = 16
NG = 24
NROWS = N0 + NG


def _psa(a, n):
    x3 = a.reshape(n, 8, 128)
    pres = [x3[:, 0]]
    for i in range(1, 8):
        pres.append(jnp.maximum(pres[-1], x3[:, i]))
    sufs = [x3[:, 7]]
    for i in range(6, -1, -1):
        sufs.insert(0, jnp.maximum(sufs[0], x3[:, i]))
    p = jnp.stack(pres, axis=1).reshape(n * 8, 128)
    q = jnp.stack(sufs, axis=1).reshape(n * 8, 128)
    return p, q, pres[-1]


def _build_body(f_ref, g_ref):
    x = f_ref[...]
    a1 = jnp.max(x.reshape(A1N, 8, 128), axis=1)
    p1, q1, a2 = _psa(a1, A2N)
    p2, q2, a3 = _psa(a2, A3N)
    p3, q3, a4 = _psa(a3, A4N)
    neg8 = jnp.full((8, 128), -jnp.inf, jnp.float32)
    g_ref[0:OFF_A1, :] = neg8
    g_ref[OFF_A1:OFF_Q1, :] = a1
    g_ref[OFF_Q1:OFF_P1, :] = q1
    g_ref[OFF_P1:OFF_A2, :] = p1
    g_ref[OFF_A2:OFF_Q2, :] = a2
    g_ref[OFF_Q2:OFF_P2, :] = q2
    g_ref[OFF_P2:OFF_A3, :] = p2
    g_ref[OFF_A3:OFF_Q3, :] = a3
    g_ref[OFF_Q3:OFF_P3, :] = q3
    g_ref[OFF_P3:OFF_A4, :] = p3
    g_ref[OFF_A4:G_ROWS, :] = jnp.concatenate(
        [a4, jnp.full((G_ROWS - OFF_A4 - A4N, 128), -jnp.inf, jnp.float32)],
        axis=0)


def _build_table(frame_features):
    return pl.pallas_call(
        _build_body,
        grid=(D // 128,),
        in_specs=[pl.BlockSpec((T, 128), lambda i: (0, i))],
        out_specs=pl.BlockSpec((G_ROWS, 128), lambda i: (0, i)),
        out_shape=jax.ShapeDtypeStruct((G_ROWS, D), jnp.float32),
    )(frame_features)


_LEVELS = ((OFF_A1, OFF_Q1, OFF_P1),
           (OFF_A2, OFF_Q2, OFF_P2))


def _segmax_body(f_hbm, g_hbm, s_hbm, e_hbm, out_hbm,
                 sv, ev, idx0, idxg, rows, outs,
                 semA0, semB0, semA1, semB1):
    wid = lax.axis_index("s") * NC + lax.axis_index("c")
    base = wid * SEG_PER_W

    pltpu.sync_copy(s_hbm.at[pl.ds(base, SEG_PER_W)], sv)
    pltpu.sync_copy(e_hbm.at[pl.ds(base, SEG_PER_W)], ev)
    s0 = sv[...]
    e0 = ev[...]
    lane = lax.iota(jnp.int32, L)

    def snt(pos_off):
        return SENT + ((pos_off + lane * 8) & 31)

    for t in range(8):
        plsc.store_scatter(idx0, [lane * N0 + t], jnp.minimum(s0 + t, e0))
        plsc.store_scatter(idx0, [lane * N0 + (15 - t)], jnp.maximum(e0 - t, s0))

    sk = (s0 + 7) >> 3
    ek = ((e0 + 1) >> 3) - 1
    pos = 0
    for offA, offQ, offP in _LEVELS:
        nonempty = sk <= ek
        be_s = ((sk >> 3) << 3) + 7
        bs_e = (ek >> 3) << 3
        qv = jnp.logical_and(nonempty, be_s <= ek)
        pv = jnp.logical_and(nonempty, bs_e >= sk)
        interior = jnp.logical_and(
            nonempty,
            jnp.logical_and(jnp.logical_not(qv), jnp.logical_not(pv)))
        l0 = jnp.where(qv, offQ + sk, snt(pos))
        l1 = jnp.where(pv, offP + ek, snt(pos + 1))
        plsc.store_scatter(idxg, [lane * NG + pos], l0)
        plsc.store_scatter(idxg, [lane * NG + pos + 1], l1)
        for t in range(6):
            ok = jnp.logical_and(interior, sk + t <= ek)
            it = jnp.where(ok, offA + sk + t, snt(pos + 2 + t))
            plsc.store_scatter(idxg, [lane * NG + pos + 2 + t], it)
        sk = (sk >> 3) + 1
        ek = (ek >> 3) - 1
        pos += 8

    s3, e3 = sk, ek
    nonempty3 = s3 <= e3
    be_s = ((s3 >> 3) << 3) + 7
    bs_e = (e3 >> 3) << 3
    qv3 = jnp.logical_and(nonempty3, be_s <= e3)
    pv3 = jnp.logical_and(nonempty3, bs_e >= s3)
    interior3 = jnp.logical_and(
        nonempty3,
        jnp.logical_and(jnp.logical_not(qv3), jnp.logical_not(pv3)))
    l0 = jnp.where(qv3, OFF_Q3 + s3, snt(pos))
    l1 = jnp.where(pv3, OFF_P3 + e3, snt(pos + 1))
    plsc.store_scatter(idxg, [lane * NG + pos], l0)
    plsc.store_scatter(idxg, [lane * NG + pos + 1], l1)
    s4 = (s3 >> 3) + 1
    e4 = (e3 >> 3) - 1
    nonempty4 = s4 <= e4
    for t in range(6):
        ok3 = jnp.logical_and(interior3, s3 + t <= e3)
        it = snt(pos + 2 + t)
        if t < 4:
            ok4 = jnp.logical_and(nonempty4, s4 + t <= e4)
            it = jnp.where(ok4, OFF_A4 + s4 + t, it)
        it = jnp.where(ok3, OFF_A3 + s3 + t, it)
        plsc.store_scatter(idxg, [lane * NG + pos + 2 + t], it)

    semsA = (semA0, semA1)
    semsB = (semB0, semB1)

    def copies(j, p):
        cf = pltpu.make_async_copy(
            f_hbm.at[idx0.at[pl.ds(j * N0, N0)]],
            rows.at[p, pl.ds(0, N0)], semsA[p])
        cg = pltpu.make_async_copy(
            g_hbm.at[idxg.at[pl.ds(j * NG, NG)]],
            rows.at[p, pl.ds(N0, NG)], semsB[p])
        return cf, cg

    def start(j, p):
        cf, cg = copies(j, p)
        cf.start()
        cg.start()

    def _tree_max(vals):
        while len(vals) > 1:
            nxt = [jnp.maximum(vals[i], vals[i + 1])
                   for i in range(0, len(vals) - 1, 2)]
            if len(vals) % 2:
                nxt.append(vals[-1])
            vals = nxt
        return vals[0]

    def reduce_seg(j, p):
        cf, cg = copies(j, p)
        cf.wait()

        def vf_body(v, c):
            vals = [rows[p, r, pl.ds(v * L, L)] for r in range(N0)]
            outs[j, pl.ds(v * L, L)] = _tree_max(vals)
            return c
        lax.fori_loop(0, D // L, vf_body, 0)

        cg.wait()

        def vg_body(v, c):
            vals = [rows[p, r, pl.ds(v * L, L)] for r in range(N0, NROWS)]
            vals.append(outs[j, pl.ds(v * L, L)])
            outs[j, pl.ds(v * L, L)] = _tree_max(vals)
            return c
        lax.fori_loop(0, D // L, vg_body, 0)

    start(0, 0)

    def body(i, c):
        j0 = 2 * i
        start(j0 + 1, 1)
        reduce_seg(j0, 0)

        @pl.when(i < SEG_PER_W // 2 - 1)
        def _():
            start(j0 + 2, 0)

        reduce_seg(j0 + 1, 1)
        return c

    lax.fori_loop(0, SEG_PER_W // 2, body, 0)
    pltpu.sync_copy(outs, out_hbm.at[pl.ds(base, SEG_PER_W)])


def _segmax(frame_features, g, s_arr, e_arr):
    mesh = plsc.VectorSubcoreMesh(core_axis_name="c", subcore_axis_name="s")
    run = functools.partial(
        pl.kernel,
        out_type=jax.ShapeDtypeStruct((S, D), jnp.float32),
        mesh=mesh,
        compiler_params=pltpu.CompilerParams(needs_layout_passes=False),
        scratch_types=[
            pltpu.VMEM((SEG_PER_W,), jnp.int32),
            pltpu.VMEM((SEG_PER_W,), jnp.int32),
            pltpu.VMEM((SEG_PER_W * N0,), jnp.int32),
            pltpu.VMEM((SEG_PER_W * NG,), jnp.int32),
            pltpu.VMEM((2, NROWS, D), jnp.float32),
            pltpu.VMEM((SEG_PER_W, D), jnp.float32),
            pltpu.SemaphoreType.DMA,
            pltpu.SemaphoreType.DMA,
            pltpu.SemaphoreType.DMA,
            pltpu.SemaphoreType.DMA,
        ],
    )(_segmax_body)
    return run(frame_features, g, s_arr, e_arr)


def _ln(x, gamma, beta):
    mu = jnp.mean(x, axis=-1, keepdims=True)
    var = jnp.mean((x - mu) ** 2, axis=-1, keepdims=True)
    return (x - mu) / jnp.sqrt(var + 1e-6) * gamma + beta


def _mlp_body(x_ref, w1_ref, b1_ref, w2_ref, b2_ref,
              gy_ref, by_ref, gl_ref, bl_ref, out_ref):
    x = x_ref[...]
    y = _ln(x, gy_ref[...], by_ref[...])
    h = jnp.dot(y, w1_ref[...], preferred_element_type=jnp.float32)
    h = jax.nn.relu(h + b1_ref[...])
    h = _ln(h, gl_ref[...], bl_ref[...])
    logits = jnp.sum(h * w2_ref[...], axis=-1) + b2_ref[0, 0]
    out_ref[...] = jax.nn.sigmoid(logits)[None, :]


def _mlp(segs, W1, b1, W2, b2, gamma_y, beta_y, gamma_l, beta_l):
    full = lambda i: (0, 0)
    return pl.pallas_call(
        _mlp_body,
        grid=(S // 128,),
        in_specs=[
            pl.BlockSpec((128, D), lambda i: (i, 0)),
            pl.BlockSpec((D, D), full),
            pl.BlockSpec((1, D), full),
            pl.BlockSpec((1, D), full),
            pl.BlockSpec((1, 1), full),
            pl.BlockSpec((1, D), full),
            pl.BlockSpec((1, D), full),
            pl.BlockSpec((1, D), full),
            pl.BlockSpec((1, D), full),
        ],
        out_specs=pl.BlockSpec((1, 128), lambda i: (0, i)),
        out_shape=jax.ShapeDtypeStruct((1, S), jnp.float32),
    )(segs, W1, b1.reshape(1, D), W2.reshape(1, D), b2.reshape(1, 1),
      gamma_y.reshape(1, D), beta_y.reshape(1, D),
      gamma_l.reshape(1, D), beta_l.reshape(1, D))


def kernel(frame_features, W1, b1, W2, b2,
           gamma_y, beta_y, gamma_l, beta_l, change_point):
    cp = change_point.astype(jnp.int32)
    s_arr = cp[:, 0]
    e_arr = cp[:, 1]
    g = _build_table(frame_features)
    segs = _segmax(frame_features, g, s_arr, e_arr)
    return _mlp(segs, W1, b1, W2, b2, gamma_y, beta_y, gamma_l, beta_l)

# --- scband reference (transcript-rebuilt; emitter-appended) ---
"""Pipeline reference for scband-sum-59030030516242 (READ-ONLY COPY).

The authoritative reference and input builder live on the scoring server;
editing this copy changes nothing except your own understanding.
"""

import jax, jax.numpy as jnp
import numpy as np


def _layernorm(x, gamma, beta, eps=1e-6):
    mu = jnp.mean(x, axis=-1, keepdims=True)
    var = jnp.mean((x - mu) ** 2, axis=-1, keepdims=True)
    return (x - mu) / jnp.sqrt(var + eps) * gamma + beta


def setup_inputs(seed: int = 0) -> dict:
    key = jax.random.key(seed)
    ks = jax.random.split(key, 6)
    T, D, S = 16384, 1024, 512
    frame_features = jax.random.normal(ks[0], (T, D), dtype=jnp.float32)
    change_point = jnp.sort(jax.random.randint(ks[1], (S, 2), 0, T), axis=-1).astype(jnp.int64)
    W1 = jax.random.normal(ks[2], (D, D), dtype=jnp.float32) * 0.02
    b1 = jnp.zeros((D,), dtype=jnp.float32)
    W2 = jax.random.normal(ks[3], (D, 1), dtype=jnp.float32) * 0.02
    b2 = jnp.zeros((1,), dtype=jnp.float32)
    gamma_y = jnp.ones((D,), dtype=jnp.float32)
    beta_y = jnp.zeros((D,), dtype=jnp.float32)
    gamma_l = jnp.ones((D,), dtype=jnp.float32)
    beta_l = jnp.zeros((D,), dtype=jnp.float32)
    return {
        "frame_features": frame_features,
        "W1": W1, "b1": b1, "W2": W2, "b2": b2,
        "gamma_y": gamma_y, "beta_y": beta_y,
        "gamma_l": gamma_l, "beta_l": beta_l,
        "change_point": change_point,
    }


def reference(frame_features, W1, b1, W2, b2, gamma_y, beta_y, gamma_l, beta_l, change_point):
    # change_point is squeezed in the torch code; here it is already [S, 2].
    T = frame_features.shape[0]
    t_idx = jnp.arange(T)

    # seg_method == 'max': per-segment max pooling over variable-length frame ranges.
    def _seg_max(carry, cp):
        s = cp[0]
        e = cp[1]
        mask = (t_idx >= s) & (t_idx <= e)
        seg = jnp.max(
            jnp.where(mask[:, None], frame_features, -jnp.inf), axis=0
        )
        return carry, seg

    _, segments = jax.lax.scan(_seg_max, None, change_point)  # [S, D]
    # attn_mechanism=False -> y = segments; dropout is identity in eval mode.
    y = _layernorm(segments, gamma_y, beta_y, eps=1e-6)
    y = y @ W1 + b1
    y = jax.nn.relu(y)
    y = _layernorm(y, gamma_l, beta_l, eps=1e-6)
    y = y @ W2 + b2
    y = jax.nn.sigmoid(y)
    return y.reshape(1, -1)

if __name__ == "__main__":
    import jax
    _d = setup_inputs()
    print(jax.jit(kernel)(*tuple(_d.values())))

</pallas_src>

<mosaic_0001>
#map = affine_map<(d0, d1) -> (0, 0)>
#map1 = affine_map<(d0, d1) -> (0)>
module attributes {stable_mosaic.version = 14 : i64} {
  func.func @_segmax_body(%arg0: i32, %arg1: i32, %arg2: memref<16384x1024xf32, #tpu.memory_space<hbm>>, %arg3: memref<7056x1024xf32, #tpu.memory_space<hbm>>, %arg4: memref<512xi32, #tpu.memory_space<hbm>>, %arg5: memref<512xi32, #tpu.memory_space<hbm>>, %arg6: memref<512x1024xf32, #tpu.memory_space<hbm>>, %arg7: memref<16xi32, #tpu.memory_space<vmem>>, %arg8: memref<16xi32, #tpu.memory_space<vmem>>, %arg9: memref<256xi32, #tpu.memory_space<vmem>>, %arg10: memref<384xi32, #tpu.memory_space<vmem>>, %arg11: memref<2x40x1024xf32, #tpu.memory_space<vmem>>, %arg12: memref<16x1024xf32, #tpu.memory_space<vmem>>, %arg13: memref<!tpu.dma_semaphore, #tpu.memory_space<semaphore_mem>>, %arg14: memref<!tpu.dma_semaphore, #tpu.memory_space<semaphore_mem>>, %arg15: memref<!tpu.dma_semaphore, #tpu.memory_space<semaphore_mem>>, %arg16: memref<!tpu.dma_semaphore, #tpu.memory_space<semaphore_mem>>) attributes {dimension_semantics = [#tpu.dimension_semantics<core_parallel>, #tpu.dimension_semantics<subcore_parallel>], iteration_bounds = array<i64: 2, 16>, scalar_prefetch = 0 : i64, scratch_operands = 10 : i64, tpu.core_type = #tpu.core_type<sc_vector_subcore>, window_params = [{transform_indices = #map}, {transform_indices = #map}, {transform_indices = #map1}, {transform_indices = #map1}, {transform_indices = #map}]} {
    %mul3A = arith.constant 2 : i32
    %mul3A_0 = arith.muli %arg1, %mul3A : i32
    %add3A = arith.addi %mul3A_0, %arg0 : i32
    %mul3A_1 = arith.constant 16 : i32
    %mul3A_2 = arith.muli %add3A, %mul3A_1 : i32
    "tpu.region"() ({
      %run_scoped3A = tpu.sem_alloc : memref<!tpu.dma_semaphore, #tpu.memory_space<semaphore_mem>>
      %dma_start3A_1147 = tpu.memref_slice %arg4[%mul3A_2] : memref<512xi32, #tpu.memory_space<hbm>> -> memref<16xi32, #tpu.memory_space<hbm>>
      %dma_start3A_1148 = tpu.memref_slice %arg4[%mul3A_2] : memref<512xi32, #tpu.memory_space<hbm>> -> memref<16xi32, #tpu.memory_space<hbm>>
      tpu.enqueue_dma source(%dma_start3A_1148 : memref<16xi32, #tpu.memory_space<hbm>>) target(%arg7 : memref<16xi32, #tpu.memory_space<vmem>>) target_semaphore(%run_scoped3A : memref<!tpu.dma_semaphore, #tpu.memory_space<semaphore_mem>>)
      %dma_wait3A = tpu.memref_slice %arg4[%mul3A_2] : memref<512xi32, #tpu.memory_space<hbm>> -> memref<16xi32, #tpu.memory_space<hbm>>
      %dma_wait3A_1149 = tpu.memref_slice %arg4[%mul3A_2] : memref<512xi32, #tpu.memory_space<hbm>> -> memref<16xi32, #tpu.memory_space<hbm>>
      tpu.wait_dma2 semaphore(%run_scoped3A : memref<!tpu.dma_semaphore, #tpu.memory_space<semaphore_mem>>) src(%dma_wait3A_1149 : memref<16xi32, #tpu.memory_space<hbm>>) dst(%arg7 : memref<16xi32, #tpu.memory_space<vmem>>)
      tpu.yield
    }) : () -> ()
    "tpu.region"() ({
      %run_scoped3A = tpu.sem_alloc : memref<!tpu.dma_semaphore, #tpu.memory_space<semaphore_mem>>
      %dma_start3A_1147 = tpu.memref_slice %arg5[%mul3A_2] : memref<512xi32, #tpu.memory_space<hbm>> -> memref<16xi32, #tpu.memory_space<hbm>>
      %dma_start3A_1148 = tpu.memref_slice %arg5[%mul3A_2] : memref<512xi32, #tpu.memory_space<hbm>> -> memref<16xi32, #tpu.memory_space<hbm>>
      tpu.enqueue_dma source(%dma_start3A_1148 : memref<16xi32, #tpu.memory_space<hbm>>) target(%arg8 : memref<16xi32, #tpu.memory_space<vmem>>) target_semaphore(%run_scoped3A : memref<!tpu.dma_semaphore, #tpu.memory_space<semaphore_mem>>)
      %dma_wait3A = tpu.memref_slice %arg5[%mul3A_2] : memref<512xi32, #tpu.memory_space<hbm>> -> memref<16xi32, #tpu.memory_space<hbm>>
      %dma_wait3A_1149 = tpu.memref_slice %arg5[%mul3A_2] : memref<512xi32, #tpu.memory_space<hbm>> -> memref<16xi32, #tpu.memory_space<hbm>>
      tpu.wait_dma2 semaphore(%run_scoped3A : memref<!tpu.dma_semaphore, #tpu.memory_space<semaphore_mem>>) src(%dma_wait3A_1149 : memref<16xi32, #tpu.memory_space<hbm>>) dst(%arg8 : memref<16xi32, #tpu.memory_space<vmem>>)
      tpu.yield
    }) : () -> ()
    %get3A = arith.constant 0 : index
    %get3A_3 = tpu.vector_load %arg7[%get3A] {strides = array<i32>} : memref<16xi32, #tpu.memory_space<vmem>>, vector<16xi32>,
    %get3A_4 = arith.constant 0 : index
    %get3A_5 = tpu.vector_load %arg8[%get3A_4] {strides = array<i32>} : memref<16xi32, #tpu.memory_space<vmem>>, vector<16xi32>,
    %iota3A = tpu.iota {dimensions = array<i32: 0>} : vector<16xi32>
    %mul3A_6 = arith.constant 16 : i32
    %mul3A_7 = vector.broadcast %mul3A_6 : i32 to vector<16xi32>
    %mul3A_8 = arith.muli %iota3A, %mul3A_7 : vector<16xi32>
    %add3A_9 = arith.constant 0 : i32
    %add3A_10 = vector.broadcast %add3A_9 : i32 to vector<16xi32>
    %add3A_11 = arith.addi %mul3A_8, %add3A_10 : vector<16xi32>
    %add3A_12 = arith.constant 0 : i32
    %add3A_13 = vector.broadcast %add3A_12 : i32 to vector<16xi32>
    %add3A_14 = arith.addi %get3A_3, %add3A_13 : vector<16xi32>
    %min3A = arith.minsi %add3A_14, %get3A_5 : vector<16xi32>
    tpu.vector_store_idx %arg9[%add3A_11], %min3A : memref<256xi32, #tpu.memory_space<vmem>>[vector<16xi32>], vector<16xi32>,
    %mul3A_15 = arith.constant 16 : i32
    %mul3A_16 = vector.broadcast %mul3A_15 : i32 to vector<16xi32>
    %mul3A_17 = arith.muli %iota3A, %mul3A_16 : vector<16xi32>
    %add3A_18 = arith.constant 15 : i32
    %add3A_19 = vector.broadcast %add3A_18 : i32 to vector<16xi32>
    %add3A_20 = arith.addi %mul3A_17, %add3A_19 : vector<16xi32>
    %sub3A = arith.constant 0 : i32
    %sub3A_21 = vector.broadcast %sub3A : i32 to vector<16xi32>
    %sub3A_22 = arith.subi %get3A_5, %sub3A_21 : vector<16xi32>
    %max3A = arith.maxsi %sub3A_22, %get3A_3 : vector<16xi32>
    tpu.vector_store_idx %arg9[%add3A_20], %max3A : memref<256xi32, #tpu.memory_space<vmem>>[vector<16xi32>], vector<16xi32>,
    %mul3A_23 = arith.constant 16 : i32
    %mul3A_24 = vector.broadcast %mul3A_23 : i32 to vector<16xi32>
    %mul3A_25 = arith.muli %iota3A, %mul3A_24 : vector<16xi32>
    %add3A_26 = arith.constant 1 : i32
    %add3A_27 = vector.broadcast %add3A_26 : i32 to vector<16xi32>
    %add3A_28 = arith.addi %mul3A_25, %add3A_27 : vector<16xi32>
    %add3A_29 = arith.constant 1 : i32
    %add3A_30 = vector.broadcast %add3A_29 : i32 to vector<16xi32>
    %add3A_31 = arith.addi %get3A_3, %add3A_30 : vector<16xi32>
    %min3A_32 = arith.minsi %add3A_31, %get3A_5 : vector<16xi32>
    tpu.vector_store_idx %arg9[%add3A_28], %min3A_32 : memref<256xi32, #tpu.memory_space<vmem>>[vector<16xi32>], vector<16xi32>,
    %mul3A_33 = arith.constant 16 : i32
    %mul3A_34 = vector.broadcast %mul3A_33 : i32 to vector<16xi32>
    %mul3A_35 = arith.muli %iota3A, %mul3A_34 : vector<16xi32>
    %add3A_36 = arith.constant 14 : i32
    %add3A_37 = vector.broadcast %add3A_36 : i32 to vector<16xi32>
    %add3A_38 = arith.addi %mul3A_35, %add3A_37 : vector<16xi32>
    %sub3A_39 = arith.constant 1 : i32
    %sub3A_40 = vector.broadcast %sub3A_39 : i32 to vector<16xi32>
    %sub3A_41 = arith.subi %get3A_5, %sub3A_40 : vector<16xi32>
    %max3A_42 = arith.maxsi %sub3A_41, %get3A_3 : vector<16xi32>
    tpu.vector_store_idx %arg9[%add3A_38], %max3A_42 : memref<256xi32, #tpu.memory_space<vmem>>[vector<16xi32>], vector<16xi32>,
    %mul3A_43 = arith.constant 16 : i32
    %mul3A_44 = vector.broadcast %mul3A_43 : i32 to vector<16xi32>
    %mul3A_45 = arith.muli %iota3A, %mul3A_44 : vector<16xi32>
    %add3A_46 = arith.constant 2 : i32
    %add3A_47 = vector.broadcast %add3A_46 : i32 to vector<16xi32>
    %add3A_48 = arith.addi %mul3A_45, %add3A_47 : vector<16xi32>
    %add3A_49 = arith.constant 2 : i32
    %add3A_50 = vector.broadcast %add3A_49 : i32 to vector<16xi32>
    %add3A_51 = arith.addi %get3A_3, %add3A_50 : vector<16xi32>
    %min3A_52 = arith.minsi %add3A_51, %get3A_5 : vector<16xi32>
    tpu.vector_store_idx %arg9[%add3A_48], %min3A_52 : memref<256xi32, #tpu.memory_space<vmem>>[vector<16xi32>], vector<16xi32>,
    %mul3A_53 = arith.constant 16 : i32
    %mul3A_54 = vector.broadcast %mul3A_53 : i32 to vector<16xi32>
    %mul3A_55 = arith.muli %iota3A, %mul3A_54 : vector<16xi32>
    %add3A_56 = arith.constant 13 : i32
    %add3A_57 = vector.broadcast %add3A_56 : i32 to vector<16xi32>
    %add3A_58 = arith.addi %mul3A_55, %add3A_57 : vector<16xi32>
    %sub3A_59 = arith.constant 2 : i32
    %sub3A_60 = vector.broadcast %sub3A_59 : i32 to vector<16xi32>
    %sub3A_61 = arith.subi %get3A_5, %sub3A_60 : vector<16xi32>
    %max3A_62 = arith.maxsi %sub3A_61, %get3A_3 : vector<16xi32>
    tpu.vector_store_idx %arg9[%add3A_58], %max3A_62 : memref<256xi32, #tpu.memory_space<vmem>>[vector<16xi32>], vector<16xi32>,
    %mul3A_63 = arith.constant 16 : i32
    %mul3A_64 = vector.broadcast %mul3A_63 : i32 to vector<16xi32>
    %mul3A_65 = arith.muli %iota3A, %mul3A_64 : vector<16xi32>
    %add3A_66 = arith.constant 3 : i32
    %add3A_67 = vector.broadcast %add3A_66 : i32 to vector<16xi32>
    %add3A_68 = arith.addi %mul3A_65, %add3A_67 : vector<16xi32>
    %add3A_69 = arith.constant 3 : i32
    %add3A_70 = vector.broadcast %add3A_69 : i32 to vector<16xi32>
    %add3A_71 = arith.addi %get3A_3, %add3A_70 : vector<16xi32>
    %min3A_72 = arith.minsi %add3A_71, %get3A_5 : vector<16xi32>
    tpu.vector_store_idx %arg9[%add3A_68], %min3A_72 : memref<256xi32, #tpu.memory_space<vmem>>[vector<16xi32>], vector<16xi32>,
    %mul3A_73 = arith.constant 16 : i32
    %mul3A_74 = vector.broadcast %mul3A_73 : i32 to vector<16xi32>
    %mul3A_75 = arith.muli %iota3A, %mul3A_74 : vector<16xi32>
    %add3A_76 = arith.constant 12 : i32
    %add3A_77 = vector.broadcast %add3A_76 : i32 to vector<16xi32>
    %add3A_78 = arith.addi %mul3A_75, %add3A_77 : vector<16xi32>
    %sub3A_79 = arith.constant 3 : i32
    %sub3A_80 = vector.broadcast %sub3A_79 : i32 to vector<16xi32>
    %sub3A_81 = arith.subi %get3A_5, %sub3A_80 : vector<16xi32>
    %max3A_82 = arith.maxsi %sub3A_81, %get3A_3 : vector<16xi32>
    tpu.vector_store_idx %arg9[%add3A_78], %max3A_82 : memref<256xi32, #tpu.memory_space<vmem>>[vector<16xi32>], vector<16xi32>,
    %mul3A_83 = arith.constant 16 : i32
    %mul3A_84 = vector.broadcast %mul3A_83 : i32 to vector<16xi32>
    %mul3A_85 = arith.muli %iota3A, %mul3A_84 : vector<16xi32>
    %add3A_86 = arith.constant 4 : i32
    %add3A_87 = vector.broadcast %add3A_86 : i32 to vector<16xi32>
    %add3A_88 = arith.addi %mul3A_85, %add3A_87 : vector<16xi32>
    %add3A_89 = arith.constant 4 : i32
    %add3A_90 = vector.broadcast %add3A_89 : i32 to vector<16xi32>
    %add3A_91 = arith.addi %get3A_3, %add3A_90 : vector<16xi32>
    %min3A_92 = arith.minsi %add3A_91, %get3A_5 : vector<16xi32>
    tpu.vector_store_idx %arg9[%add3A_88], %min3A_92 : memref<256xi32, #tpu.memory_space<vmem>>[vector<16xi32>], vector<16xi32>,
    %mul3A_93 = arith.constant 16 : i32
    %mul3A_94 = vector.broadcast %mul3A_93 : i32 to vector<16xi32>
    %mul3A_95 = arith.muli %iota3A, %mul3A_94 : vector<16xi32>
    %add3A_96 = arith.constant 11 : i32
    %add3A_97 = vector.broadcast %add3A_96 : i32 to vector<16xi32>
    %add3A_98 = arith.addi %mul3A_95, %add3A_97 : vector<16xi32>
    %sub3A_99 = arith.constant 4 : i32
    %sub3A_100 = vector.broadcast %sub3A_99 : i32 to vector<16xi32>
    %sub3A_101 = arith.subi %get3A_5, %sub3A_100 : vector<16xi32>
    %max3A_102 = arith.maxsi %sub3A_101, %get3A_3 : vector<16xi32>
    tpu.vector_store_idx %arg9[%add3A_98], %max3A_102 : memref<256xi32, #tpu.memory_space<vmem>>[vector<16xi32>], vector<16xi32>,
    %mul3A_103 = arith.constant 16 : i32
    %mul3A_104 = vector.broadcast %mul3A_103 : i32 to vector<16xi32>
    %mul3A_105 = arith.muli %iota3A, %mul3A_104 : vector<16xi32>
    %add3A_106 = arith.constant 5 : i32
    %add3A_107 = vector.broadcast %add3A_106 : i32 to vector<16xi32>
    %add3A_108 = arith.addi %mul3A_105, %add3A_107 : vector<16xi32>
    %add3A_109 = arith.constant 5 : i32
    %add3A_110 = vector.broadcast %add3A_109 : i32 to vector<16xi32>
    %add3A_111 = arith.addi %get3A_3, %add3A_110 : vector<16xi32>
    %min3A_112 = arith.minsi %add3A_111, %get3A_5 : vector<16xi32>
    tpu.vector_store_idx %arg9[%add3A_108], %min3A_112 : memref<256xi32, #tpu.memory_space<vmem>>[vector<16xi32>], vector<16xi32>,
    %mul3A_113 = arith.constant 16 : i32
    %mul3A_114 = vector.broadcast %mul3A_113 : i32 to vector<16xi32>
    %mul3A_115 = arith.muli %iota3A, %mul3A_114 : vector<16xi32>
    %add3A_116 = arith.constant 10 : i32
    %add3A_117 = vector.broadcast %add3A_116 : i32 to vector<16xi32>
    %add3A_118 = arith.addi %mul3A_115, %add3A_117 : vector<16xi32>
    %sub3A_119 = arith.constant 5 : i32
    %sub3A_120 = vector.broadcast %sub3A_119 : i32 to vector<16xi32>
    %sub3A_121 = arith.subi %get3A_5, %sub3A_120 : vector<16xi32>
    %max3A_122 = arith.maxsi %sub3A_121, %get3A_3 : vector<16xi32>
    tpu.vector_store_idx %arg9[%add3A_118], %max3A_122 : memref<256xi32, #tpu.memory_space<vmem>>[vector<16xi32>], vector<16xi32>,
    %mul3A_123 = arith.constant 16 : i32
    %mul3A_124 = vector.broadcast %mul3A_123 : i32 to vector<16xi32>
    %mul3A_125 = arith.muli %iota3A, %mul3A_124 : vector<16xi32>
    %add3A_126 = arith.constant 6 : i32
    %add3A_127 = vector.broadcast %add3A_126 : i32 to vector<16xi32>
    %add3A_128 = arith.addi %mul3A_125, %add3A_127 : vector<16xi32>
    %add3A_129 = arith.constant 6 : i32
    %add3A_130 = vector.broadcast %add3A_129 : i32 to vector<16xi32>
    %add3A_131 = arith.addi %get3A_3, %add3A_130 : vector<16xi32>
    %min3A_132 = arith.minsi %add3A_131, %get3A_5 : vector<16xi32>
    tpu.vector_store_idx %arg9[%add3A_128], %min3A_132 : memref<256xi32, #tpu.memory_space<vmem>>[vector<16xi32>], vector<16xi32>,
    %mul3A_133 = arith.constant 16 : i32
    %mul3A_134 = vector.broadcast %mul3A_133 : i32 to vector<16xi32>
    %mul3A_135 = arith.muli %iota3A, %mul3A_134 : vector<16xi32>
    %add3A_136 = arith.constant 9 : i32
    %add3A_137 = vector.broadcast %add3A_136 : i32 to vector<16xi32>
    %add3A_138 = arith.addi %mul3A_135, %add3A_137 : vector<16xi32>
    %sub3A_139 = arith.constant 6 : i32
    %sub3A_140 = vector.broadcast %sub3A_139 : i32 to vector<16xi32>
    %sub3A_141 = arith.subi %get3A_5, %sub3A_140 : vector<16xi32>
    %max3A_142 = arith.maxsi %sub3A_141, %get3A_3 : vector<16xi32>
    tpu.vector_store_idx %arg9[%add3A_138], %max3A_142 : memref<256xi32, #tpu.memory_space<vmem>>[vector<16xi32>], vector<16xi32>,
    %mul3A_143 = arith.constant 16 : i32
    %mul3A_144 = vector.broadcast %mul3A_143 : i32 to vector<16xi32>
    %mul3A_145 = arith.muli %iota3A, %mul3A_144 : vector<16xi32>
    %add3A_146 = arith.constant 7 : i32
    %add3A_147 = vector.broadcast %add3A_146 : i32 to vector<16xi32>
    %add3A_148 = arith.addi %mul3A_145, %add3A_147 : vector<16xi32>
    %add3A_149 = arith.constant 7 : i32
    %add3A_150 = vector.broadcast %add3A_149 : i32 to vector<16xi32>
    %add3A_151 = arith.addi %get3A_3, %add3A_150 : vector<16xi32>
    %min3A_152 = arith.minsi %add3A_151, %get3A_5 : vector<16xi32>
    tpu.vector_store_idx %arg9[%add3A_148], %min3A_152 : memref<256xi32, #tpu.memory_space<vmem>>[vector<16xi32>], vector<16xi32>,
    %mul3A_153 = arith.constant 16 : i32
    %mul3A_154 = vector.broadcast %mul3A_153 : i32 to vector<16xi32>
    %mul3A_155 = arith.muli %iota3A, %mul3A_154 : vector<16xi32>
    %add3A_156 = arith.constant 8 : i32
    %add3A_157 = vector.broadcast %add3A_156 : i32 to vector<16xi32>
    %add3A_158 = arith.addi %mul3A_155, %add3A_157 : vector<16xi32>
    %sub3A_159 = arith.constant 7 : i32
    %sub3A_160 = vector.broadcast %sub3A_159 : i32 to vector<16xi32>
    %sub3A_161 = arith.subi %get3A_5, %sub3A_160 : vector<16xi32>
    %max3A_162 = arith.maxsi %sub3A_161, %get3A_3 : vector<16xi32>
    tpu.vector_store_idx %arg9[%add3A_158], %max3A_162 : memref<256xi32, #tpu.memory_space<vmem>>[vector<16xi32>], vector<16xi32>,
    %add3A_163 = arith.constant 7 : i32
    %add3A_164 = vector.broadcast %add3A_163 : i32 to vector<16xi32>
    %add3A_165 = arith.addi %get3A_3, %add3A_164 : vector<16xi32>
    %shift_right_arithmetic3A = arith.constant 3 : i32
    %shift_right_arithmetic3A_166 = vector.broadcast %shift_right_arithmetic3A : i32 to vector<16xi32>
    %shift_right_arithmetic3A_167 = arith.shrsi %add3A_165, %shift_right_arithmetic3A_166 : vector<16xi32>
    %add3A_168 = arith.constant 1 : i32
    %add3A_169 = vector.broadcast %add3A_168 : i32 to vector<16xi32>
    %add3A_170 = arith.addi %get3A_5, %add3A_169 : vector<16xi32>
    %shift_right_arithmetic3A_171 = arith.constant 3 : i32
    %shift_right_arithmetic3A_172 = vector.broadcast %shift_right_arithmetic3A_171 : i32 to vector<16xi32>
    %shift_right_arithmetic3A_173 = arith.shrsi %add3A_170, %shift_right_arithmetic3A_172 : vector<16xi32>
    %sub3A_174 = arith.constant 1 : i32
    %sub3A_175 = vector.broadcast %sub3A_174 : i32 to vector<16xi32>
    %sub3A_176 = arith.subi %shift_right_arithmetic3A_173, %sub3A_175 : vector<16xi32>
    %le3A = arith.cmpi sle, %shift_right_arithmetic3A_167, %sub3A_176 : vector<16xi32>
    %shift_right_arithmetic3A_177 = arith.constant 3 : i32
    %shift_right_arithmetic3A_178 = vector.broadcast %shift_right_arithmetic3A_177 : i32 to vector<16xi32>
    %shift_right_arithmetic3A_179 = arith.shrsi %shift_right_arithmetic3A_167, %shift_right_arithmetic3A_178 : vector<16xi32>
    %shift_left3A = arith.constant 3 : i32
    %shift_left3A_180 = vector.broadcast %shift_left3A : i32 to vector<16xi32>
    %shift_left3A_181 = arith.shli %shift_right_arithmetic3A_179, %shift_left3A_180 : vector<16xi32>
    %add3A_182 = arith.constant 7 : i32
    %add3A_183 = vector.broadcast %add3A_182 : i32 to vector<16xi32>
    %add3A_184 = arith.addi %shift_left3A_181, %add3A_183 : vector<16xi32>
    %shift_right_arithmetic3A_185 = arith.constant 3 : i32
    %shift_right_arithmetic3A_186 = vector.broadcast %shift_right_arithmetic3A_185 : i32 to vector<16xi32>
    %shift_right_arithmetic3A_187 = arith.shrsi %sub3A_176, %shift_right_arithmetic3A_186 : vector<16xi32>
    %shift_left3A_188 = arith.constant 3 : i32
    %shift_left3A_189 = vector.broadcast %shift_left3A_188 : i32 to vector<16xi32>
    %shift_left3A_190 = arith.shli %shift_right_arithmetic3A_187, %shift_left3A_189 : vector<16xi32>
    %le3A_191 = arith.cmpi sle, %add3A_184, %sub3A_176 : vector<16xi32>
    %and3A = arith.andi %le3A, %le3A_191 : vector<16xi1>
    %ge3A = arith.cmpi sge, %shift_left3A_190, %shift_right_arithmetic3A_167 : vector<16xi32>
    %and3A_192 = arith.andi %le3A, %ge3A : vector<16xi1>
    %not3A = arith.constant dense<true> : vector<16xi1>
    %not3A_193 = arith.xori %and3A, %not3A : vector<16xi1>
    %not3A_194 = arith.constant dense<true> : vector<16xi1>
    %not3A_195 = arith.xori %and3A_192, %not3A_194 : vector<16xi1>
    %and3A_196 = arith.andi %not3A_193, %not3A_195 : vector<16xi1>
    %and3A_197 = arith.andi %le3A, %and3A_196 : vector<16xi1>
    %add3A_198 = arith.constant 2056 : i32
    %add3A_199 = vector.broadcast %add3A_198 : i32 to vector<16xi32>
    %add3A_200 = arith.addi %add3A_199, %shift_right_arithmetic3A_167 : vector<16xi32>
    %mul3A_201 = arith.constant 8 : i32
    %mul3A_202 = vector.broadcast %mul3A_201 : i32 to vector<16xi32>
    %mul3A_203 = arith.muli %iota3A, %mul3A_202 : vector<16xi32>
    %add3A_204 = arith.constant 0 : i32
    %add3A_205 = vector.broadcast %add3A_204 : i32 to vector<16xi32>
    %add3A_206 = arith.addi %add3A_205, %mul3A_203 : vector<16xi32>
    %and3A_207 = arith.constant 31 : i32
    %and3A_208 = vector.broadcast %and3A_207 : i32 to vector<16xi32>
    %and3A_209 = arith.andi %add3A_206, %and3A_208 : vector<16xi32>
    %add3A_210 = arith.constant 7024 : i32
    %add3A_211 = vector.broadcast %add3A_210 : i32 to vector<16xi32>
    %add3A_212 = arith.addi %add3A_211, %and3A_209 : vector<16xi32>
    %select_n3A = arith.select %and3A, %add3A_200, %add3A_212 : vector<16xi1>, vector<16xi32>
    %add3A_213 = arith.constant 4104 : i32
    %add3A_214 = vector.broadcast %add3A_213 : i32 to vector<16xi32>
    %add3A_215 = arith.addi %add3A_214, %sub3A_176 : vector<16xi32>
    %mul3A_216 = arith.constant 8 : i32
    %mul3A_217 = vector.broadcast %mul3A_216 : i32 to vector<16xi32>
    %mul3A_218 = arith.muli %iota3A, %mul3A_217 : vector<16xi32>
    %add3A_219 = arith.constant 1 : i32
    %add3A_220 = vector.broadcast %add3A_219 : i32 to vector<16xi32>
    %add3A_221 = arith.addi %add3A_220, %mul3A_218 : vector<16xi32>
    %and3A_222 = arith.constant 31 : i32
    %and3A_223 = vector.broadcast %and3A_222 : i32 to vector<16xi32>
    %and3A_224 = arith.andi %add3A_221, %and3A_223 : vector<16xi32>
    %add3A_225 = arith.constant 7024 : i32
    %add3A_226 = vector.broadcast %add3A_225 : i32 to vector<16xi32>
    %add3A_227 = arith.addi %add3A_226, %and3A_224 : vector<16xi32>
    %select_n3A_228 = arith.select %and3A_192, %add3A_215, %add3A_227 : vector<16xi1>, vector<16xi32>
    %mul3A_229 = arith.constant 24 : i32
    %mul3A_230 = vector.broadcast %mul3A_229 : i32 to vector<16xi32>
    %mul3A_231 = arith.muli %iota3A, %mul3A_230 : vector<16xi32>
    %add3A_232 = arith.constant 0 : i32
    %add3A_233 = vector.broadcast %add3A_232 : i32 to vector<16xi32>
    %add3A_234 = arith.addi %mul3A_231, %add3A_233 : vector<16xi32>
    tpu.vector_store_idx %arg10[%add3A_234], %select_n3A : memref<384xi32, #tpu.memory_space<vmem>>[vector<16xi32>], vector<16xi32>,
    %mul3A_235 = arith.constant 24 : i32
    %mul3A_236 = vector.broadcast %mul3A_235 : i32 to vector<16xi32>
    %mul3A_237 = arith.muli %iota3A, %mul3A_236 : vector<16xi32>
    %add3A_238 = arith.constant 0 : i32
    %add3A_239 = vector.broadcast %add3A_238 : i32 to vector<16xi32>
    %add3A_240 = arith.addi %mul3A_237, %add3A_239 : vector<16xi32>
    %add3A_241 = arith.constant 1 : i32
    %add3A_242 = vector.broadcast %add3A_241 : i32 to vector<16xi32>
    %add3A_243 = arith.addi %add3A_240, %add3A_242 : vector<16xi32>
    tpu.vector_store_idx %arg10[%add3A_243], %select_n3A_228 : memref<384xi32, #tpu.memory_space<vmem>>[vector<16xi32>], vector<16xi32>,
    %add3A_244 = arith.constant 0 : i32
    %add3A_245 = vector.broadcast %add3A_244 : i32 to vector<16xi32>
    %add3A_246 = arith.addi %shift_right_arithmetic3A_167, %add3A_245 : vector<16xi32>
    %le3A_247 = arith.cmpi sle, %add3A_246, %sub3A_176 : vector<16xi32>
    %and3A_248 = arith.andi %and3A_197, %le3A_247 : vector<16xi1>
    %add3A_249 = arith.constant 8 : i32
    %add3A_250 = vector.broadcast %add3A_249 : i32 to vector<16xi32>
    %add3A_251 = arith.addi %add3A_250, %shift_right_arithmetic3A_167 : vector<16xi32>
    %add3A_252 = arith.constant 0 : i32
    %add3A_253 = vector.broadcast %add3A_252 : i32 to vector<16xi32>
    %add3A_254 = arith.addi %add3A_251, %add3A_253 : vector<16xi32>
    %mul3A_255 = arith.constant 8 : i32
    %mul3A_256 = vector.broadcast %mul3A_255 : i32 to vector<16xi32>
    %mul3A_257 = arith.muli %iota3A, %mul3A_256 : vector<16xi32>
    %add3A_258 = arith.constant 2 : i32
    %add3A_259 = vector.broadcast %add3A_258 : i32 to vector<16xi32>
    %add3A_260 = arith.addi %add3A_259, %mul3A_257 : vector<16xi32>
    %and3A_261 = arith.constant 31 : i32
    %and3A_262 = vector.broadcast %and3A_261 : i32 to vector<16xi32>
    %and3A_263 = arith.andi %add3A_260, %and3A_262 : vector<16xi32>
    %add3A_264 = arith.constant 7024 : i32
    %add3A_265 = vector.broadcast %add3A_264 : i32 to vector<16xi32>
    %add3A_266 = arith.addi %add3A_265, %and3A_263 : vector<16xi32>
    %select_n3A_267 = arith.select %and3A_248, %add3A_254, %add3A_266 : vector<16xi1>, vector<16xi32>
    %mul3A_268 = arith.constant 24 : i32
    %mul3A_269 = vector.broadcast %mul3A_268 : i32 to vector<16xi32>
    %mul3A_270 = arith.muli %iota3A, %mul3A_269 : vector<16xi32>
    %add3A_271 = arith.constant 0 : i32
    %add3A_272 = vector.broadcast %add3A_271 : i32 to vector<16xi32>
    %add3A_273 = arith.addi %mul3A_270, %add3A_272 : vector<16xi32>
    %add3A_274 = arith.constant 2 : i32
    %add3A_275 = vector.broadcast %add3A_274 : i32 to vector<16xi32>
    %add3A_276 = arith.addi %add3A_273, %add3A_275 : vector<16xi32>
    %add3A_277 = arith.constant 0 : i32
    %add3A_278 = vector.broadcast %add3A_277 : i32 to vector<16xi32>
    %add3A_279 = arith.addi %add3A_276, %add3A_278 : vector<16xi32>
    tpu.vector_store_idx %arg10[%add3A_279], %select_n3A_267 : memref<384xi32, #tpu.memory_space<vmem>>[vector<16xi32>], vector<16xi32>,
    %add3A_280 = arith.constant 1 : i32
    %add3A_281 = vector.broadcast %add3A_280 : i32 to vector<16xi32>
    %add3A_282 = arith.addi %shift_right_arithmetic3A_167, %add3A_281 : vector<16xi32>
    %le3A_283 = arith.cmpi sle, %add3A_282, %sub3A_176 : vector<16xi32>
    %and3A_284 = arith.andi %and3A_197, %le3A_283 : vector<16xi1>
    %add3A_285 = arith.constant 8 : i32
    %add3A_286 = vector.broadcast %add3A_285 : i32 to vector<16xi32>
    %add3A_287 = arith.addi %add3A_286, %shift_right_arithmetic3A_167 : vector<16xi32>
    %add3A_288 = arith.constant 1 : i32
    %add3A_289 = vector.broadcast %add3A_288 : i32 to vector<16xi32>
    %add3A_290 = arith.addi %add3A_287, %add3A_289 : vector<16xi32>
    %mul3A_291 = arith.constant 8 : i32
    %mul3A_292 = vector.broadcast %mul3A_291 : i32 to vector<16xi32>
    %mul3A_293 = arith.muli %iota3A, %mul3A_292 : vector<16xi32>
    %add3A_294 = arith.constant 3 : i32
    %add3A_295 = vector.broadcast %add3A_294 : i32 to vector<16xi32>
    %add3A_296 = arith.addi %add3A_295, %mul3A_293 : vector<16xi32>
    %and3A_297 = arith.constant 31 : i32
    %and3A_298 = vector.broadcast %and3A_297 : i32 to vector<16xi32>
    %and3A_299 = arith.andi %add3A_296, %and3A_298 : vector<16xi32>
    %add3A_300 = arith.constant 7024 : i32
    %add3A_301 = vector.broadcast %add3A_300 : i32 to vector<16xi32>
    %add3A_302 = arith.addi %add3A_301, %and3A_299 : vector<16xi32>
    %select_n3A_303 = arith.select %and3A_284, %add3A_290, %add3A_302 : vector<16xi1>, vector<16xi32>
    %mul3A_304 = arith.constant 24 : i32
    %mul3A_305 = vector.broadcast %mul3A_304 : i32 to vector<16xi32>
    %mul3A_306 = arith.muli %iota3A, %mul3A_305 : vector<16xi32>
    %add3A_307 = arith.constant 0 : i32
    %add3A_308 = vector.broadcast %add3A_307 : i32 to vector<16xi32>
    %add3A_309 = arith.addi %mul3A_306, %add3A_308 : vector<16xi32>
    %add3A_310 = arith.constant 2 : i32
    %add3A_311 = vector.broadcast %add3A_310 : i32 to vector<16xi32>
    %add3A_312 = arith.addi %add3A_309, %add3A_311 : vector<16xi32>
    %add3A_313 = arith.constant 1 : i32
    %add3A_314 = vector.broadcast %add3A_313 : i32 to vector<16xi32>
    %add3A_315 = arith.addi %add3A_312, %add3A_314 : vector<16xi32>
    tpu.vector_store_idx %arg10[%add3A_315], %select_n3A_303 : memref<384xi32, #tpu.memory_space<vmem>>[vector<16xi32>], vector<16xi32>,
    %add3A_316 = arith.constant 2 : i32
    %add3A_317 = vector.broadcast %add3A_316 : i32 to vector<16xi32>
    %add3A_318 = arith.addi %shift_right_arithmetic3A_167, %add3A_317 : vector<16xi32>
    %le3A_319 = arith.cmpi sle, %add3A_318, %sub3A_176 : vector<16xi32>
    %and3A_320 = arith.andi %and3A_197, %le3A_319 : vector<16xi1>
    %add3A_321 = arith.constant 8 : i32
    %add3A_322 = vector.broadcast %add3A_321 : i32 to vector<16xi32>
    %add3A_323 = arith.addi %add3A_322, %shift_right_arithmetic3A_167 : vector<16xi32>
    %add3A_324 = arith.constant 2 : i32
    %add3A_325 = vector.broadcast %add3A_324 : i32 to vector<16xi32>
    %add3A_326 = arith.addi %add3A_323, %add3A_325 : vector<16xi32>
    %mul3A_327 = arith.constant 8 : i32
    %mul3A_328 = vector.broadcast %mul3A_327 : i32 to vector<16xi32>
    %mul3A_329 = arith.muli %iota3A, %mul3A_328 : vector<16xi32>
    %add3A_330 = arith.constant 4 : i32
    %add3A_331 = vector.broadcast %add3A_330 : i32 to vector<16xi32>
    %add3A_332 = arith.addi %add3A_331, %mul3A_329 : vector<16xi32>
    %and3A_333 = arith.constant 31 : i32
    %and3A_334 = vector.broadcast %and3A_333 : i32 to vector<16xi32>
    %and3A_335 = arith.andi %add3A_332, %and3A_334 : vector<16xi32>
    %add3A_336 = arith.constant 7024 : i32
    %add3A_337 = vector.broadcast %add3A_336 : i32 to vector<16xi32>
    %add3A_338 = arith.addi %add3A_337, %and3A_335 : vector<16xi32>
    %select_n3A_339 = arith.select %and3A_320, %add3A_326, %add3A_338 : vector<16xi1>, vector<16xi32>
    %mul3A_340 = arith.constant 24 : i32
    %mul3A_341 = vector.broadcast %mul3A_340 : i32 to vector<16xi32>
    %mul3A_342 = arith.muli %iota3A, %mul3A_341 : vector<16xi32>
    %add3A_343 = arith.constant 0 : i32
    %add3A_344 = vector.broadcast %add3A_343 : i32 to vector<16xi32>
    %add3A_345 = arith.addi %mul3A_342, %add3A_344 : vector<16xi32>
    %add3A_346 = arith.constant 2 : i32
    %add3A_347 = vector.broadcast %add3A_346 : i32 to vector<16xi32>
    %add3A_348 = arith.addi %add3A_345, %add3A_347 : vector<16xi32>
    %add3A_349 = arith.constant 2 : i32
    %add3A_350 = vector.broadcast %add3A_349 : i32 to vector<16xi32>
    %add3A_351 = arith.addi %add3A_348, %add3A_350 : vector<16xi32>
    tpu.vector_store_idx %arg10[%add3A_351], %select_n3A_339 : memref<384xi32, #tpu.memory_space<vmem>>[vector<16xi32>], vector<16xi32>,
    %add3A_352 = arith.constant 3 : i32
    %add3A_353 = vector.broadcast %add3A_352 : i32 to vector<16xi32>
    %add3A_354 = arith.addi %shift_right_arithmetic3A_167, %add3A_353 : vector<16xi32>
    %le3A_355 = arith.cmpi sle, %add3A_354, %sub3A_176 : vector<16xi32>
    %and3A_356 = arith.andi %and3A_197, %le3A_355 : vector<16xi1>
    %add3A_357 = arith.constant 8 : i32
    %add3A_358 = vector.broadcast %add3A_357 : i32 to vector<16xi32>
    %add3A_359 = arith.addi %add3A_358, %shift_right_arithmetic3A_167 : vector<16xi32>
    %add3A_360 = arith.constant 3 : i32
    %add3A_361 = vector.broadcast %add3A_360 : i32 to vector<16xi32>
    %add3A_362 = arith.addi %add3A_359, %add3A_361 : vector<16xi32>
    %mul3A_363 = arith.constant 8 : i32
    %mul3A_364 = vector.broadcast %mul3A_363 : i32 to vector<16xi32>
    %mul3A_365 = arith.muli %iota3A, %mul3A_364 : vector<16xi32>
    %add3A_366 = arith.constant 5 : i32
    %add3A_367 = vector.broadcast %add3A_366 : i32 to vector<16xi32>
    %add3A_368 = arith.addi %add3A_367, %mul3A_365 : vector<16xi32>
    %and3A_369 = arith.constant 31 : i32
    %and3A_370 = vector.broadcast %and3A_369 : i32 to vector<16xi32>
    %and3A_371 = arith.andi %add3A_368, %and3A_370 : vector<16xi32>
    %add3A_372 = arith.constant 7024 : i32
    %add3A_373 = vector.broadcast %add3A_372 : i32 to vector<16xi32>
    %add3A_374 = arith.addi %add3A_373, %and3A_371 : vector<16xi32>
    %select_n3A_375 = arith.select %and3A_356, %add3A_362, %add3A_374 : vector<16xi1>, vector<16xi32>
    %mul3A_376 = arith.constant 24 : i32
    %mul3A_377 = vector.broadcast %mul3A_376 : i32 to vector<16xi32>
    %mul3A_378 = arith.muli %iota3A, %mul3A_377 : vector<16xi32>
    %add3A_379 = arith.constant 0 : i32
    %add3A_380 = vector.broadcast %add3A_379 : i32 to vector<16xi32>
    %add3A_381 = arith.addi %mul3A_378, %add3A_380 : vector<16xi32>
    %add3A_382 = arith.constant 2 : i32
    %add3A_383 = vector.broadcast %add3A_382 : i32 to vector<16xi32>
    %add3A_384 = arith.addi %add3A_381, %add3A_383 : vector<16xi32>
    %add3A_385 = arith.constant 3 : i32
    %add3A_386 = vector.broadcast %add3A_385 : i32 to vector<16xi32>
    %add3A_387 = arith.addi %add3A_384, %add3A_386 : vector<16xi32>
    tpu.vector_store_idx %arg10[%add3A_387], %select_n3A_375 : memref<384xi32, #tpu.memory_space<vmem>>[vector<16xi32>], vector<16xi32>,
    %add3A_388 = arith.constant 4 : i32
    %add3A_389 = vector.broadcast %add3A_388 : i32 to vector<16xi32>
    %add3A_390 = arith.addi %shift_right_arithmetic3A_167, %add3A_389 : vector<16xi32>
    %le3A_391 = arith.cmpi sle, %add3A_390, %sub3A_176 : vector<16xi32>
    %and3A_392 = arith.andi %and3A_197, %le3A_391 : vector<16xi1>
    %add3A_393 = arith.constant 8 : i32
    %add3A_394 = vector.broadcast %add3A_393 : i32 to vector<16xi32>
    %add3A_395 = arith.addi %add3A_394, %shift_right_arithmetic3A_167 : vector<16xi32>
    %add3A_396 = arith.constant 4 : i32
    %add3A_397 = vector.broadcast %add3A_396 : i32 to vector<16xi32>
    %add3A_398 = arith.addi %add3A_395, %add3A_397 : vector<16xi32>
    %mul3A_399 = arith.constant 8 : i32
    %mul3A_400 = vector.broadcast %mul3A_399 : i32 to vector<16xi32>
    %mul3A_401 = arith.muli %iota3A, %mul3A_400 : vector<16xi32>
    %add3A_402 = arith.constant 6 : i32
    %add3A_403 = vector.broadcast %add3A_402 : i32 to vector<16xi32>
    %add3A_404 = arith.addi %add3A_403, %mul3A_401 : vector<16xi32>
    %and3A_405 = arith.constant 31 : i32
    %and3A_406 = vector.broadcast %and3A_405 : i32 to vector<16xi32>
    %and3A_407 = arith.andi %add3A_404, %and3A_406 : vector<16xi32>
    %add3A_408 = arith.constant 7024 : i32
    %add3A_409 = vector.broadcast %add3A_408 : i32 to vector<16xi32>
    %add3A_410 = arith.addi %add3A_409, %and3A_407 : vector<16xi32>
    %select_n3A_411 = arith.select %and3A_392, %add3A_398, %add3A_410 : vector<16xi1>, vector<16xi32>
    %mul3A_412 = arith.constant 24 : i32
    %mul3A_413 = vector.broadcast %mul3A_412 : i32 to vector<16xi32>
    %mul3A_414 = arith.muli %iota3A, %mul3A_413 : vector<16xi32>
    %add3A_415 = arith.constant 0 : i32
    %add3A_416 = vector.broadcast %add3A_415 : i32 to vector<16xi32>
    %add3A_417 = arith.addi %mul3A_414, %add3A_416 : vector<16xi32>
    %add3A_418 = arith.constant 2 : i32
    %add3A_419 = vector.broadcast %add3A_418 : i32 to vector<16xi32>
    %add3A_420 = arith.addi %add3A_417, %add3A_419 : vector<16xi32>
    %add3A_421 = arith.constant 4 : i32
    %add3A_422 = vector.broadcast %add3A_421 : i32 to vector<16xi32>
    %add3A_423 = arith.addi %add3A_420, %add3A_422 : vector<16xi32>
    tpu.vector_store_idx %arg10[%add3A_423], %select_n3A_411 : memref<384xi32, #tpu.memory_space<vmem>>[vector<16xi32>], vector<16xi32>,
    %add3A_424 = arith.constant 5 : i32
    %add3A_425 = vector.broadcast %add3A_424 : i32 to vector<16xi32>
    %add3A_426 = arith.addi %shift_right_arithmetic3A_167, %add3A_425 : vector<16xi32>
    %le3A_427 = arith.cmpi sle, %add3A_426, %sub3A_176 : vector<16xi32>
    %and3A_428 = arith.andi %and3A_197, %le3A_427 : vector<16xi1>
    %add3A_429 = arith.constant 8 : i32
    %add3A_430 = vector.broadcast %add3A_429 : i32 to vector<16xi32>
    %add3A_431 = arith.addi %add3A_430, %shift_right_arithmetic3A_167 : vector<16xi32>
    %add3A_432 = arith.constant 5 : i32
    %add3A_433 = vector.broadcast %add3A_432 : i32 to vector<16xi32>
    %add3A_434 = arith.addi %add3A_431, %add3A_433 : vector<16xi32>
    %mul3A_435 = arith.constant 8 : i32
    %mul3A_436 = vector.broadcast %mul3A_435 : i32 to vector<16xi32>
    %mul3A_437 = arith.muli %iota3A, %mul3A_436 : vector<16xi32>
    %add3A_438 = arith.constant 7 : i32
    %add3A_439 = vector.broadcast %add3A_438 : i32 to vector<16xi32>
    %add3A_440 = arith.addi %add3A_439, %mul3A_437 : vector<16xi32>
    %and3A_441 = arith.constant 31 : i32
    %and3A_442 = vector.broadcast %and3A_441 : i32 to vector<16xi32>
    %and3A_443 = arith.andi %add3A_440, %and3A_442 : vector<16xi32>
    %add3A_444 = arith.constant 7024 : i32
    %add3A_445 = vector.broadcast %add3A_444 : i32 to vector<16xi32>
    %add3A_446 = arith.addi %add3A_445, %and3A_443 : vector<16xi32>
    %select_n3A_447 = arith.select %and3A_428, %add3A_434, %add3A_446 : vector<16xi1>, vector<16xi32>
    %mul3A_448 = arith.constant 24 : i32
    %mul3A_449 = vector.broadcast %mul3A_448 : i32 to vector<16xi32>
    %mul3A_450 = arith.muli %iota3A, %mul3A_449 : vector<16xi32>
    %add3A_451 = arith.constant 0 : i32
    %add3A_452 = vector.broadcast %add3A_451 : i32 to vector<16xi32>
    %add3A_453 = arith.addi %mul3A_450, %add3A_452 : vector<16xi32>
    %add3A_454 = arith.constant 2 : i32
    %add3A_455 = vector.broadcast %add3A_454 : i32 to vector<16xi32>
    %add3A_456 = arith.addi %add3A_453, %add3A_455 : vector<16xi32>
    %add3A_457 = arith.constant 5 : i32
    %add3A_458 = vector.broadcast %add3A_457 : i32 to vector<16xi32>
    %add3A_459 = arith.addi %add3A_456, %add3A_458 : vector<16xi32>
    tpu.vector_store_idx %arg10[%add3A_459], %select_n3A_447 : memref<384xi32, #tpu.memory_space<vmem>>[vector<16xi32>], vector<16xi32>,
    %shift_right_arithmetic3A_460 = arith.constant 3 : i32
    %shift_right_arithmetic3A_461 = vector.broadcast %shift_right_arithmetic3A_460 : i32 to vector<16xi32>
    %shift_right_arithmetic3A_462 = arith.shrsi %shift_right_arithmetic3A_167, %shift_right_arithmetic3A_461 : vector<16xi32>
    %add3A_463 = arith.constant 1 : i32
    %add3A_464 = vector.broadcast %add3A_463 : i32 to vector<16xi32>
    %add3A_465 = arith.addi %shift_right_arithmetic3A_462, %add3A_464 : vector<16xi32>
    %shift_right_arithmetic3A_466 = arith.constant 3 : i32
    %shift_right_arithmetic3A_467 = vector.broadcast %shift_right_arithmetic3A_466 : i32 to vector<16xi32>
    %shift_right_arithmetic3A_468 = arith.shrsi %sub3A_176, %shift_right_arithmetic3A_467 : vector<16xi32>
    %sub3A_469 = arith.constant 1 : i32
    %sub3A_470 = vector.broadcast %sub3A_469 : i32 to vector<16xi32>
    %sub3A_471 = arith.subi %shift_right_arithmetic3A_468, %sub3A_470 : vector<16xi32>
    %le3A_472 = arith.cmpi sle, %add3A_465, %sub3A_471 : vector<16xi32>
    %shift_right_arithmetic3A_473 = arith.constant 3 : i32
    %shift_right_arithmetic3A_474 = vector.broadcast %shift_right_arithmetic3A_473 : i32 to vector<16xi32>
    %shift_right_arithmetic3A_475 = arith.shrsi %add3A_465, %shift_right_arithmetic3A_474 : vector<16xi32>
    %shift_left3A_476 = arith.constant 3 : i32
    %shift_left3A_477 = vector.broadcast %shift_left3A_476 : i32 to vector<16xi32>
    %shift_left3A_478 = arith.shli %shift_right_arithmetic3A_475, %shift_left3A_477 : vector<16xi32>
    %add3A_479 = arith.constant 7 : i32
    %add3A_480 = vector.broadcast %add3A_479 : i32 to vector<16xi32>
    %add3A_481 = arith.addi %shift_left3A_478, %add3A_480 : vector<16xi32>
    %shift_right_arithmetic3A_482 = arith.constant 3 : i32
    %shift_right_arithmetic3A_483 = vector.broadcast %shift_right_arithmetic3A_482 : i32 to vector<16xi32>
    %shift_right_arithmetic3A_484 = arith.shrsi %sub3A_471, %shift_right_arithmetic3A_483 : vector<16xi32>
    %shift_left3A_485 = arith.constant 3 : i32
    %shift_left3A_486 = vector.broadcast %shift_left3A_485 : i32 to vector<16xi32>
    %shift_left3A_487 = arith.shli %shift_right_arithmetic3A_484, %shift_left3A_486 : vector<16xi32>
    %le3A_488 = arith.cmpi sle, %add3A_481, %sub3A_471 : vector<16xi32>
    %and3A_489 = arith.andi %le3A_472, %le3A_488 : vector<16xi1>
    %ge3A_490 = arith.cmpi sge, %shift_left3A_487, %add3A_465 : vector<16xi32>
    %and3A_491 = arith.andi %le3A_472, %ge3A_490 : vector<16xi1>
    %not3A_492 = arith.constant dense<true> : vector<16xi1>
    %not3A_493 = arith.xori %and3A_489, %not3A_492 : vector<16xi1>
    %not3A_494 = arith.constant dense<true> : vector<16xi1>
    %not3A_495 = arith.xori %and3A_491, %not3A_494 : vector<16xi1>
    %and3A_496 = arith.andi %not3A_493, %not3A_495 : vector<16xi1>
    %and3A_497 = arith.andi %le3A_472, %and3A_496 : vector<16xi1>
    %add3A_498 = arith.constant 6408 : i32
    %add3A_499 = vector.broadcast %add3A_498 : i32 to vector<16xi32>
    %add3A_500 = arith.addi %add3A_499, %add3A_465 : vector<16xi32>
    %mul3A_501 = arith.constant 8 : i32
    %mul3A_502 = vector.broadcast %mul3A_501 : i32 to vector<16xi32>
    %mul3A_503 = arith.muli %iota3A, %mul3A_502 : vector<16xi32>
    %add3A_504 = arith.constant 8 : i32
    %add3A_505 = vector.broadcast %add3A_504 : i32 to vector<16xi32>
    %add3A_506 = arith.addi %add3A_505, %mul3A_503 : vector<16xi32>
    %and3A_507 = arith.constant 31 : i32
    %and3A_508 = vector.broadcast %and3A_507 : i32 to vector<16xi32>
    %and3A_509 = arith.andi %add3A_506, %and3A_508 : vector<16xi32>
    %add3A_510 = arith.constant 7024 : i32
    %add3A_511 = vector.broadcast %add3A_510 : i32 to vector<16xi32>
    %add3A_512 = arith.addi %add3A_511, %and3A_509 : vector<16xi32>
    %select_n3A_513 = arith.select %and3A_489, %add3A_500, %add3A_512 : vector<16xi1>, vector<16xi32>
    %add3A_514 = arith.constant 6664 : i32
    %add3A_515 = vector.broadcast %add3A_514 : i32 to vector<16xi32>
    %add3A_516 = arith.addi %add3A_515, %sub3A_471 : vector<16xi32>
    %mul3A_517 = arith.constant 8 : i32
    %mul3A_518 = vector.broadcast %mul3A_517 : i32 to vector<16xi32>
    %mul3A_519 = arith.muli %iota3A, %mul3A_518 : vector<16xi32>
    %add3A_520 = arith.constant 9 : i32
    %add3A_521 = vector.broadcast %add3A_520 : i32 to vector<16xi32>
    %add3A_522 = arith.addi %add3A_521, %mul3A_519 : vector<16xi32>
    %and3A_523 = arith.constant 31 : i32
    %and3A_524 = vector.broadcast %and3A_523 : i32 to vector<16xi32>
    %and3A_525 = arith.andi %add3A_522, %and3A_524 : vector<16xi32>
    %add3A_526 = arith.constant 7024 : i32
    %add3A_527 = vector.broadcast %add3A_526 : i32 to vector<16xi32>
    %add3A_528 = arith.addi %add3A_527, %and3A_525 : vector<16xi32>
    %select_n3A_529 = arith.select %and3A_491, %add3A_516, %add3A_528 : vector<16xi1>, vector<16xi32>
    %mul3A_530 = arith.constant 24 : i32
    %mul3A_531 = vector.broadcast %mul3A_530 : i32 to vector<16xi32>
    %mul3A_532 = arith.muli %iota3A, %mul3A_531 : vector<16xi32>
    %add3A_533 = arith.constant 8 : i32
    %add3A_534 = vector.broadcast %add3A_533 : i32 to vector<16xi32>
    %add3A_535 = arith.addi %mul3A_532, %add3A_534 : vector<16xi32>
    tpu.vector_store_idx %arg10[%add3A_535], %select_n3A_513 : memref<384xi32, #tpu.memory_space<vmem>>[vector<16xi32>], vector<16xi32>,
    %mul3A_536 = arith.constant 24 : i32
    %mul3A_537 = vector.broadcast %mul3A_536 : i32 to vector<16xi32>
    %mul3A_538 = arith.muli %iota3A, %mul3A_537 : vector<16xi32>
    %add3A_539 = arith.constant 8 : i32
    %add3A_540 = vector.broadcast %add3A_539 : i32 to vector<16xi32>
    %add3A_541 = arith.addi %mul3A_538, %add3A_540 : vector<16xi32>
    %add3A_542 = arith.constant 1 : i32
    %add3A_543 = vector.broadcast %add3A_542 : i32 to vector<16xi32>
    %add3A_544 = arith.addi %add3A_541, %add3A_543 : vector<16xi32>
    tpu.vector_store_idx %arg10[%add3A_544], %select_n3A_529 : memref<384xi32, #tpu.memory_space<vmem>>[vector<16xi32>], vector<16xi32>,
    %add3A_545 = arith.constant 0 : i32
    %add3A_546 = vector.broadcast %add3A_545 : i32 to vector<16xi32>
    %add3A_547 = arith.addi %add3A_465, %add3A_546 : vector<16xi32>
    %le3A_548 = arith.cmpi sle, %add3A_547, %sub3A_471 : vector<16xi32>
    %and3A_549 = arith.andi %and3A_497, %le3A_548 : vector<16xi1>
    %add3A_550 = arith.constant 6152 : i32
    %add3A_551 = vector.broadcast %add3A_550 : i32 to vector<16xi32>
    %add3A_552 = arith.addi %add3A_551, %add3A_465 : vector<16xi32>
    %add3A_553 = arith.constant 0 : i32
    %add3A_554 = vector.broadcast %add3A_553 : i32 to vector<16xi32>
    %add3A_555 = arith.addi %add3A_552, %add3A_554 : vector<16xi32>
    %mul3A_556 = arith.constant 8 : i32
    %mul3A_557 = vector.broadcast %mul3A_556 : i32 to vector<16xi32>
    %mul3A_558 = arith.muli %iota3A, %mul3A_557 : vector<16xi32>
    %add3A_559 = arith.constant 10 : i32
    %add3A_560 = vector.broadcast %add3A_559 : i32 to vector<16xi32>
    %add3A_561 = arith.addi %add3A_560, %mul3A_558 : vector<16xi32>
    %and3A_562 = arith.constant 31 : i32
    %and3A_563 = vector.broadcast %and3A_562 : i32 to vector<16xi32>
    %and3A_564 = arith.andi %add3A_561, %and3A_563 : vector<16xi32>
    %add3A_565 = arith.constant 7024 : i32
    %add3A_566 = vector.broadcast %add3A_565 : i32 to vector<16xi32>
    %add3A_567 = arith.addi %add3A_566, %and3A_564 : vector<16xi32>
    %select_n3A_568 = arith.select %and3A_549, %add3A_555, %add3A_567 : vector<16xi1>, vector<16xi32>
    %mul3A_569 = arith.constant 24 : i32
    %mul3A_570 = vector.broadcast %mul3A_569 : i32 to vector<16xi32>
    %mul3A_571 = arith.muli %iota3A, %mul3A_570 : vector<16xi32>
    %add3A_572 = arith.constant 8 : i32
    %add3A_573 = vector.broadcast %add3A_572 : i32 to vector<16xi32>
    %add3A_574 = arith.addi %mul3A_571, %add3A_573 : vector<16xi32>
    %add3A_575 = arith.constant 2 : i32
    %add3A_576 = vector.broadcast %add3A_575 : i32 to vector<16xi32>
    %add3A_577 = arith.addi %add3A_574, %add3A_576 : vector<16xi32>
    %add3A_578 = arith.constant 0 : i32
    %add3A_579 = vector.broadcast %add3A_578 : i32 to vector<16xi32>
    %add3A_580 = arith.addi %add3A_577, %add3A_579 : vector<16xi32>
    tpu.vector_store_idx %arg10[%add3A_580], %select_n3A_568 : memref<384xi32, #tpu.memory_space<vmem>>[vector<16xi32>], vector<16xi32>,
    %add3A_581 = arith.constant 1 : i32
    %add3A_582 = vector.broadcast %add3A_581 : i32 to vector<16xi32>
    %add3A_583 = arith.addi %add3A_465, %add3A_582 : vector<16xi32>
    %le3A_584 = arith.cmpi sle, %add3A_583, %sub3A_471 : vector<16xi32>
    %and3A_585 = arith.andi %and3A_497, %le3A_584 : vector<16xi1>
    %add3A_586 = arith.constant 6152 : i32
    %add3A_587 = vector.broadcast %add3A_586 : i32 to vector<16xi32>
    %add3A_588 = arith.addi %add3A_587, %add3A_465 : vector<16xi32>
    %add3A_589 = arith.constant 1 : i32
    %add3A_590 = vector.broadcast %add3A_589 : i32 to vector<16xi32>
    %add3A_591 = arith.addi %add3A_588, %add3A_590 : vector<16xi32>
    %mul3A_592 = arith.constant 8 : i32
    %mul3A_593 = vector.broadcast %mul3A_592 : i32 to vector<16xi32>
    %mul3A_594 = arith.muli %iota3A, %mul3A_593 : vector<16xi32>
    %add3A_595 = arith.constant 11 : i32
    %add3A_596 = vector.broadcast %add3A_595 : i32 to vector<16xi32>
    %add3A_597 = arith.addi %add3A_596, %mul3A_594 : vector<16xi32>
    %and3A_598 = arith.constant 31 : i32
    %and3A_599 = vector.broadcast %and3A_598 : i32 to vector<16xi32>
    %and3A_600 = arith.andi %add3A_597, %and3A_599 : vector<16xi32>
    %add3A_601 = arith.constant 7024 : i32
    %add3A_602 = vector.broadcast %add3A_601 : i32 to vector<16xi32>
    %add3A_603 = arith.addi %add3A_602, %and3A_600 : vector<16xi32>
    %select_n3A_604 = arith.select %and3A_585, %add3A_591, %add3A_603 : vector<16xi1>, vector<16xi32>
    %mul3A_605 = arith.constant 24 : i32
    %mul3A_606 = vector.broadcast %mul3A_605 : i32 to vector<16xi32>
    %mul3A_607 = arith.muli %iota3A, %mul3A_606 : vector<16xi32>
    %add3A_608 = arith.constant 8 : i32
    %add3A_609 = vector.broadcast %add3A_608 : i32 to vector<16xi32>
    %add3A_610 = arith.addi %mul3A_607, %add3A_609 : vector<16xi32>
    %add3A_611 = arith.constant 2 : i32
    %add3A_612 = vector.broadcast %add3A_611 : i32 to vector<16xi32>
    %add3A_613 = arith.addi %add3A_610, %add3A_612 : vector<16xi32>
    %add3A_614 = arith.constant 1 : i32
    %add3A_615 = vector.broadcast %add3A_614 : i32 to vector<16xi32>
    %add3A_616 = arith.addi %add3A_613, %add3A_615 : vector<16xi32>
    tpu.vector_store_idx %arg10[%add3A_616], %select_n3A_604 : memref<384xi32, #tpu.memory_space<vmem>>[vector<16xi32>], vector<16xi32>,
    %add3A_617 = arith.constant 2 : i32
    %add3A_618 = vector.broadcast %add3A_617 : i32 to vector<16xi32>
    %add3A_619 = arith.addi %add3A_465, %add3A_618 : vector<16xi32>
    %le3A_620 = arith.cmpi sle, %add3A_619, %sub3A_471 : vector<16xi32>
    %and3A_621 = arith.andi %and3A_497, %le3A_620 : vector<16xi1>
    %add3A_622 = arith.constant 6152 : i32
    %add3A_623 = vector.broadcast %add3A_622 : i32 to vector<16xi32>
    %add3A_624 = arith.addi %add3A_623, %add3A_465 : vector<16xi32>
    %add3A_625 = arith.constant 2 : i32
    %add3A_626 = vector.broadcast %add3A_625 : i32 to vector<16xi32>
    %add3A_627 = arith.addi %add3A_624, %add3A_626 : vector<16xi32>
    %mul3A_628 = arith.constant 8 : i32
    %mul3A_629 = vector.broadcast %mul3A_628 : i32 to vector<16xi32>
    %mul3A_630 = arith.muli %iota3A, %mul3A_629 : vector<16xi32>
    %add3A_631 = arith.constant 12 : i32
    %add3A_632 = vector.broadcast %add3A_631 : i32 to vector<16xi32>
    %add3A_633 = arith.addi %add3A_632, %mul3A_630 : vector<16xi32>
    %and3A_634 = arith.constant 31 : i32
    %and3A_635 = vector.broadcast %and3A_634 : i32 to vector<16xi32>
    %and3A_636 = arith.andi %add3A_633, %and3A_635 : vector<16xi32>
    %add3A_637 = arith.constant 7024 : i32
    %add3A_638 = vector.broadcast %add3A_637 : i32 to vector<16xi32>
    %add3A_639 = arith.addi %add3A_638, %and3A_636 : vector<16xi32>
    %select_n3A_640 = arith.select %and3A_621, %add3A_627, %add3A_639 : vector<16xi1>, vector<16xi32>
    %mul3A_641 = arith.constant 24 : i32
    %mul3A_642 = vector.broadcast %mul3A_641 : i32 to vector<16xi32>
    %mul3A_643 = arith.muli %iota3A, %mul3A_642 : vector<16xi32>
    %add3A_644 = arith.constant 8 : i32
    %add3A_645 = vector.broadcast %add3A_644 : i32 to vector<16xi32>
    %add3A_646 = arith.addi %mul3A_643, %add3A_645 : vector<16xi32>
    %add3A_647 = arith.constant 2 : i32
    %add3A_648 = vector.broadcast %add3A_647 : i32 to vector<16xi32>
    %add3A_649 = arith.addi %add3A_646, %add3A_648 : vector<16xi32>
    %add3A_650 = arith.constant 2 : i32
    %add3A_651 = vector.broadcast %add3A_650 : i32 to vector<16xi32>
    %add3A_652 = arith.addi %add3A_649, %add3A_651 : vector<16xi32>
    tpu.vector_store_idx %arg10[%add3A_652], %select_n3A_640 : memref<384xi32, #tpu.memory_space<vmem>>[vector<16xi32>], vector<16xi32>,
    %add3A_653 = arith.constant 3 : i32
    %add3A_654 = vector.broadcast %add3A_653 : i32 to vector<16xi32>
    %add3A_655 = arith.addi %add3A_465, %add3A_654 : vector<16xi32>
    %le3A_656 = arith.cmpi sle, %add3A_655, %sub3A_471 : vector<16xi32>
    %and3A_657 = arith.andi %and3A_497, %le3A_656 : vector<16xi1>
    %add3A_658 = arith.constant 6152 : i32
    %add3A_659 = vector.broadcast %add3A_658 : i32 to vector<16xi32>
    %add3A_660 = arith.addi %add3A_659, %add3A_465 : vector<16xi32>
    %add3A_661 = arith.constant 3 : i32
    %add3A_662 = vector.broadcast %add3A_661 : i32 to vector<16xi32>
    %add3A_663 = arith.addi %add3A_660, %add3A_662 : vector<16xi32>
    %mul3A_664 = arith.constant 8 : i32
    %mul3A_665 = vector.broadcast %mul3A_664 : i32 to vector<16xi32>
    %mul3A_666 = arith.muli %iota3A, %mul3A_665 : vector<16xi32>
    %add3A_667 = arith.constant 13 : i32
    %add3A_668 = vector.broadcast %add3A_667 : i32 to vector<16xi32>
    %add3A_669 = arith.addi %add3A_668, %mul3A_666 : vector<16xi32>
    %and3A_670 = arith.constant 31 : i32
    %and3A_671 = vector.broadcast %and3A_670 : i32 to vector<16xi32>
    %and3A_672 = arith.andi %add3A_669, %and3A_671 : vector<16xi32>
    %add3A_673 = arith.constant 7024 : i32
    %add3A_674 = vector.broadcast %add3A_673 : i32 to vector<16xi32>
    %add3A_675 = arith.addi %add3A_674, %and3A_672 : vector<16xi32>
    %select_n3A_676 = arith.select %and3A_657, %add3A_663, %add3A_675 : vector<16xi1>, vector<16xi32>
    %mul3A_677 = arith.constant 24 : i32
    %mul3A_678 = vector.broadcast %mul3A_677 : i32 to vector<16xi32>
    %mul3A_679 = arith.muli %iota3A, %mul3A_678 : vector<16xi32>
    %add3A_680 = arith.constant 8 : i32
    %add3A_681 = vector.broadcast %add3A_680 : i32 to vector<16xi32>
    %add3A_682 = arith.addi %mul3A_679, %add3A_681 : vector<16xi32>
    %add3A_683 = arith.constant 2 : i32
    %add3A_684 = vector.broadcast %add3A_683 : i32 to vector<16xi32>
    %add3A_685 = arith.addi %add3A_682, %add3A_684 : vector<16xi32>
    %add3A_686 = arith.constant 3 : i32
    %add3A_687 = vector.broadcast %add3A_686 : i32 to vector<16xi32>
    %add3A_688 = arith.addi %add3A_685, %add3A_687 : vector<16xi32>
    tpu.vector_store_idx %arg10[%add3A_688], %select_n3A_676 : memref<384xi32, #tpu.memory_space<vmem>>[vector<16xi32>], vector<16xi32>,
    %add3A_689 = arith.constant 4 : i32
    %add3A_690 = vector.broadcast %add3A_689 : i32 to vector<16xi32>
    %add3A_691 = arith.addi %add3A_465, %add3A_690 : vector<16xi32>
    %le3A_692 = arith.cmpi sle, %add3A_691, %sub3A_471 : vector<16xi32>
    %and3A_693 = arith.andi %and3A_497, %le3A_692 : vector<16xi1>
    %add3A_694 = arith.constant 6152 : i32
    %add3A_695 = vector.broadcast %add3A_694 : i32 to vector<16xi32>
    %add3A_696 = arith.addi %add3A_695, %add3A_465 : vector<16xi32>
    %add3A_697 = arith.constant 4 : i32
    %add3A_698 = vector.broadcast %add3A_697 : i32 to vector<16xi32>
    %add3A_699 = arith.addi %add3A_696, %add3A_698 : vector<16xi32>
    %mul3A_700 = arith.constant 8 : i32
    %mul3A_701 = vector.broadcast %mul3A_700 : i32 to vector<16xi32>
    %mul3A_702 = arith.muli %iota3A, %mul3A_701 : vector<16xi32>
    %add3A_703 = arith.constant 14 : i32
    %add3A_704 = vector.broadcast %add3A_703 : i32 to vector<16xi32>
    %add3A_705 = arith.addi %add3A_704, %mul3A_702 : vector<16xi32>
    %and3A_706 = arith.constant 31 : i32
    %and3A_707 = vector.broadcast %and3A_706 : i32 to vector<16xi32>
    %and3A_708 = arith.andi %add3A_705, %and3A_707 : vector<16xi32>
    %add3A_709 = arith.constant 7024 : i32
    %add3A_710 = vector.broadcast %add3A_709 : i32 to vector<16xi32>
    %add3A_711 = arith.addi %add3A_710, %and3A_708 : vector<16xi32>
    %select_n3A_712 = arith.select %and3A_693, %add3A_699, %add3A_711 : vector<16xi1>, vector<16xi32>
    %mul3A_713 = arith.constant 24 : i32
    %mul3A_714 = vector.broadcast %mul3A_713 : i32 to vector<16xi32>
    %mul3A_715 = arith.muli %iota3A, %mul3A_714 : vector<16xi32>
    %add3A_716 = arith.constant 8 : i32
    %add3A_717 = vector.broadcast %add3A_716 : i32 to vector<16xi32>
    %add3A_718 = arith.addi %mul3A_715, %add3A_717 : vector<16xi32>
    %add3A_719 = arith.constant 2 : i32
    %add3A_720 = vector.broadcast %add3A_719 : i32 to vector<16xi32>
    %add3A_721 = arith.addi %add3A_718, %add3A_720 : vector<16xi32>
    %add3A_722 = arith.constant 4 : i32
    %add3A_723 = vector.broadcast %add3A_722 : i32 to vector<16xi32>
    %add3A_724 = arith.addi %add3A_721, %add3A_723 : vector<16xi32>
    tpu.vector_store_idx %arg10[%add3A_724], %select_n3A_712 : memref<384xi32, #tpu.memory_space<vmem>>[vector<16xi32>], vector<16xi32>,
    %add3A_725 = arith.constant 5 : i32
    %add3A_726 = vector.broadcast %add3A_725 : i32 to vector<16xi32>
    %add3A_727 = arith.addi %add3A_465, %add3A_726 : vector<16xi32>
    %le3A_728 = arith.cmpi sle, %add3A_727, %sub3A_471 : vector<16xi32>
    %and3A_729 = arith.andi %and3A_497, %le3A_728 : vector<16xi1>
    %add3A_730 = arith.constant 6152 : i32
    %add3A_731 = vector.broadcast %add3A_730 : i32 to vector<16xi32>
    %add3A_732 = arith.addi %add3A_731, %add3A_465 : vector<16xi32>
    %add3A_733 = arith.constant 5 : i32
    %add3A_734 = vector.broadcast %add3A_733 : i32 to vector<16xi32>
    %add3A_735 = arith.addi %add3A_732, %add3A_734 : vector<16xi32>
    %mul3A_736 = arith.constant 8 : i32
    %mul3A_737 = vector.broadcast %mul3A_736 : i32 to vector<16xi32>
    %mul3A_738 = arith.muli %iota3A, %mul3A_737 : vector<16xi32>
    %add3A_739 = arith.constant 15 : i32
    %add3A_740 = vector.broadcast %add3A_739 : i32 to vector<16xi32>
    %add3A_741 = arith.addi %add3A_740, %mul3A_738 : vector<16xi32>
    %and3A_742 = arith.constant 31 : i32
    %and3A_743 = vector.broadcast %and3A_742 : i32 to vector<16xi32>
    %and3A_744 = arith.andi %add3A_741, %and3A_743 : vector<16xi32>
    %add3A_745 = arith.constant 7024 : i32
    %add3A_746 = vector.broadcast %add3A_745 : i32 to vector<16xi32>
    %add3A_747 = arith.addi %add3A_746, %and3A_744 : vector<16xi32>
    %select_n3A_748 = arith.select %and3A_729, %add3A_735, %add3A_747 : vector<16xi1>, vector<16xi32>
    %mul3A_749 = arith.constant 24 : i32
    %mul3A_750 = vector.broadcast %mul3A_749 : i32 to vector<16xi32>
    %mul3A_751 = arith.muli %iota3A, %mul3A_750 : vector<16xi32>
    %add3A_752 = arith.constant 8 : i32
    %add3A_753 = vector.broadcast %add3A_752 : i32 to vector<16xi32>
    %add3A_754 = arith.addi %mul3A_751, %add3A_753 : vector<16xi32>
    %add3A_755 = arith.constant 2 : i32
    %add3A_756 = vector.broadcast %add3A_755 : i32 to vector<16xi32>
    %add3A_757 = arith.addi %add3A_754, %add3A_756 : vector<16xi32>
    %add3A_758 = arith.constant 5 : i32
    %add3A_759 = vector.broadcast %add3A_758 : i32 to vector<16xi32>
    %add3A_760 = arith.addi %add3A_757, %add3A_759 : vector<16xi32>
    tpu.vector_store_idx %arg10[%add3A_760], %select_n3A_748 : memref<384xi32, #tpu.memory_space<vmem>>[vector<16xi32>], vector<16xi32>,
    %shift_right_arithmetic3A_761 = arith.constant 3 : i32
    %shift_right_arithmetic3A_762 = vector.broadcast %shift_right_arithmetic3A_761 : i32 to vector<16xi32>
    %shift_right_arithmetic3A_763 = arith.shrsi %add3A_465, %shift_right_arithmetic3A_762 : vector<16xi32>
    %add3A_764 = arith.constant 1 : i32
    %add3A_765 = vector.broadcast %add3A_764 : i32 to vector<16xi32>
    %add3A_766 = arith.addi %shift_right_arithmetic3A_763, %add3A_765 : vector<16xi32>
    %shift_right_arithmetic3A_767 = arith.constant 3 : i32
    %shift_right_arithmetic3A_768 = vector.broadcast %shift_right_arithmetic3A_767 : i32 to vector<16xi32>
    %shift_right_arithmetic3A_769 = arith.shrsi %sub3A_471, %shift_right_arithmetic3A_768 : vector<16xi32>
    %sub3A_770 = arith.constant 1 : i32
    %sub3A_771 = vector.broadcast %sub3A_770 : i32 to vector<16xi32>
    %sub3A_772 = arith.subi %shift_right_arithmetic3A_769, %sub3A_771 : vector<16xi32>
    %le3A_773 = arith.cmpi sle, %add3A_766, %sub3A_772 : vector<16xi32>
    %shift_right_arithmetic3A_774 = arith.constant 3 : i32
    %shift_right_arithmetic3A_775 = vector.broadcast %shift_right_arithmetic3A_774 : i32 to vector<16xi32>
    %shift_right_arithmetic3A_776 = arith.shrsi %add3A_766, %shift_right_arithmetic3A_775 : vector<16xi32>
    %shift_left3A_777 = arith.constant 3 : i32
    %shift_left3A_778 = vector.broadcast %shift_left3A_777 : i32 to vector<16xi32>
    %shift_left3A_779 = arith.shli %shift_right_arithmetic3A_776, %shift_left3A_778 : vector<16xi32>
    %add3A_780 = arith.constant 7 : i32
    %add3A_781 = vector.broadcast %add3A_780 : i32 to vector<16xi32>
    %add3A_782 = arith.addi %shift_left3A_779, %add3A_781 : vector<16xi32>
    %shift_right_arithmetic3A_783 = arith.constant 3 : i32
    %shift_right_arithmetic3A_784 = vector.broadcast %shift_right_arithmetic3A_783 : i32 to vector<16xi32>
    %shift_right_arithmetic3A_785 = arith.shrsi %sub3A_772, %shift_right_arithmetic3A_784 : vector<16xi32>
    %shift_left3A_786 = arith.constant 3 : i32
    %shift_left3A_787 = vector.broadcast %shift_left3A_786 : i32 to vector<16xi32>
    %shift_left3A_788 = arith.shli %shift_right_arithmetic3A_785, %shift_left3A_787 : vector<16xi32>
    %le3A_789 = arith.cmpi sle, %add3A_782, %sub3A_772 : vector<16xi32>
    %and3A_790 = arith.andi %le3A_773, %le3A_789 : vector<16xi1>
    %ge3A_791 = arith.cmpi sge, %shift_left3A_788, %add3A_766 : vector<16xi32>
    %and3A_792 = arith.andi %le3A_773, %ge3A_791 : vector<16xi1>
    %not3A_793 = arith.constant dense<true> : vector<16xi1>
    %not3A_794 = arith.xori %and3A_790, %not3A_793 : vector<16xi1>
    %not3A_795 = arith.constant dense<true> : vector<16xi1>
    %not3A_796 = arith.xori %and3A_792, %not3A_795 : vector<16xi1>
    %and3A_797 = arith.andi %not3A_794, %not3A_796 : vector<16xi1>
    %and3A_798 = arith.andi %le3A_773, %and3A_797 : vector<16xi1>
    %add3A_799 = arith.constant 6952 : i32
    %add3A_800 = vector.broadcast %add3A_799 : i32 to vector<16xi32>
    %add3A_801 = arith.addi %add3A_800, %add3A_766 : vector<16xi32>
    %mul3A_802 = arith.constant 8 : i32
    %mul3A_803 = vector.broadcast %mul3A_802 : i32 to vector<16xi32>
    %mul3A_804 = arith.muli %iota3A, %mul3A_803 : vector<16xi32>
    %add3A_805 = arith.constant 16 : i32
    %add3A_806 = vector.broadcast %add3A_805 : i32 to vector<16xi32>
    %add3A_807 = arith.addi %add3A_806, %mul3A_804 : vector<16xi32>
    %and3A_808 = arith.constant 31 : i32
    %and3A_809 = vector.broadcast %and3A_808 : i32 to vector<16xi32>
    %and3A_810 = arith.andi %add3A_807, %and3A_809 : vector<16xi32>
    %add3A_811 = arith.constant 7024 : i32
    %add3A_812 = vector.broadcast %add3A_811 : i32 to vector<16xi32>
    %add3A_813 = arith.addi %add3A_812, %and3A_810 : vector<16xi32>
    %select_n3A_814 = arith.select %and3A_790, %add3A_801, %add3A_813 : vector<16xi1>, vector<16xi32>
    %add3A_815 = arith.constant 6984 : i32
    %add3A_816 = vector.broadcast %add3A_815 : i32 to vector<16xi32>
    %add3A_817 = arith.addi %add3A_816, %sub3A_772 : vector<16xi32>
    %mul3A_818 = arith.constant 8 : i32
    %mul3A_819 = vector.broadcast %mul3A_818 : i32 to vector<16xi32>
    %mul3A_820 = arith.muli %iota3A, %mul3A_819 : vector<16xi32>
    %add3A_821 = arith.constant 17 : i32
    %add3A_822 = vector.broadcast %add3A_821 : i32 to vector<16xi32>
    %add3A_823 = arith.addi %add3A_822, %mul3A_820 : vector<16xi32>
    %and3A_824 = arith.constant 31 : i32
    %and3A_825 = vector.broadcast %and3A_824 : i32 to vector<16xi32>
    %and3A_826 = arith.andi %add3A_823, %and3A_825 : vector<16xi32>
    %add3A_827 = arith.constant 7024 : i32
    %add3A_828 = vector.broadcast %add3A_827 : i32 to vector<16xi32>
    %add3A_829 = arith.addi %add3A_828, %and3A_826 : vector<16xi32>
    %select_n3A_830 = arith.select %and3A_792, %add3A_817, %add3A_829 : vector<16xi1>, vector<16xi32>
    %mul3A_831 = arith.constant 24 : i32
    %mul3A_832 = vector.broadcast %mul3A_831 : i32 to vector<16xi32>
    %mul3A_833 = arith.muli %iota3A, %mul3A_832 : vector<16xi32>
    %add3A_834 = arith.constant 16 : i32
    %add3A_835 = vector.broadcast %add3A_834 : i32 to vector<16xi32>
    %add3A_836 = arith.addi %mul3A_833, %add3A_835 : vector<16xi32>
    tpu.vector_store_idx %arg10[%add3A_836], %select_n3A_814 : memref<384xi32, #tpu.memory_space<vmem>>[vector<16xi32>], vector<16xi32>,
    %mul3A_837 = arith.constant 24 : i32
    %mul3A_838 = vector.broadcast %mul3A_837 : i32 to vector<16xi32>
    %mul3A_839 = arith.muli %iota3A, %mul3A_838 : vector<16xi32>
    %add3A_840 = arith.constant 16 : i32
    %add3A_841 = vector.broadcast %add3A_840 : i32 to vector<16xi32>
    %add3A_842 = arith.addi %mul3A_839, %add3A_841 : vector<16xi32>
    %add3A_843 = arith.constant 1 : i32
    %add3A_844 = vector.broadcast %add3A_843 : i32 to vector<16xi32>
    %add3A_845 = arith.addi %add3A_842, %add3A_844 : vector<16xi32>
    tpu.vector_store_idx %arg10[%add3A_845], %select_n3A_830 : memref<384xi32, #tpu.memory_space<vmem>>[vector<16xi32>], vector<16xi32>,
    %shift_right_arithmetic3A_846 = arith.constant 3 : i32
    %shift_right_arithmetic3A_847 = vector.broadcast %shift_right_arithmetic3A_846 : i32 to vector<16xi32>
    %shift_right_arithmetic3A_848 = arith.shrsi %add3A_766, %shift_right_arithmetic3A_847 : vector<16xi32>
    %add3A_849 = arith.constant 1 : i32
    %add3A_850 = vector.broadcast %add3A_849 : i32 to vector<16xi32>
    %add3A_851 = arith.addi %shift_right_arithmetic3A_848, %add3A_850 : vector<16xi32>
    %shift_right_arithmetic3A_852 = arith.constant 3 : i32
    %shift_right_arithmetic3A_853 = vector.broadcast %shift_right_arithmetic3A_852 : i32 to vector<16xi32>
    %shift_right_arithmetic3A_854 = arith.shrsi %sub3A_772, %shift_right_arithmetic3A_853 : vector<16xi32>
    %sub3A_855 = arith.constant 1 : i32
    %sub3A_856 = vector.broadcast %sub3A_855 : i32 to vector<16xi32>
    %sub3A_857 = arith.subi %shift_right_arithmetic3A_854, %sub3A_856 : vector<16xi32>
    %le3A_858 = arith.cmpi sle, %add3A_851, %sub3A_857 : vector<16xi32>
    %add3A_859 = arith.constant 0 : i32
    %add3A_860 = vector.broadcast %add3A_859 : i32 to vector<16xi32>
    %add3A_861 = arith.addi %add3A_766, %add3A_860 : vector<16xi32>
    %le3A_862 = arith.cmpi sle, %add3A_861, %sub3A_772 : vector<16xi32>
    %and3A_863 = arith.andi %and3A_798, %le3A_862 : vector<16xi1>
    %mul3A_864 = arith.constant 8 : i32
    %mul3A_865 = vector.broadcast %mul3A_864 : i32 to vector<16xi32>
    %mul3A_866 = arith.muli %iota3A, %mul3A_865 : vector<16xi32>
    %add3A_867 = arith.constant 18 : i32
    %add3A_868 = vector.broadcast %add3A_867 : i32 to vector<16xi32>
    %add3A_869 = arith.addi %add3A_868, %mul3A_866 : vector<16xi32>
    %and3A_870 = arith.constant 31 : i32
    %and3A_871 = vector.broadcast %and3A_870 : i32 to vector<16xi32>
    %and3A_872 = arith.andi %add3A_869, %and3A_871 : vector<16xi32>
    %add3A_873 = arith.constant 7024 : i32
    %add3A_874 = vector.broadcast %add3A_873 : i32 to vector<16xi32>
    %add3A_875 = arith.addi %add3A_874, %and3A_872 : vector<16xi32>
    %add3A_876 = arith.constant 0 : i32
    %add3A_877 = vector.broadcast %add3A_876 : i32 to vector<16xi32>
    %add3A_878 = arith.addi %add3A_851, %add3A_877 : vector<16xi32>
    %le3A_879 = arith.cmpi sle, %add3A_878, %sub3A_857 : vector<16xi32>
    %and3A_880 = arith.andi %le3A_858, %le3A_879 : vector<16xi1>
    %add3A_881 = arith.constant 7016 : i32
    %add3A_882 = vector.broadcast %add3A_881 : i32 to vector<16xi32>
    %add3A_883 = arith.addi %add3A_882, %add3A_851 : vector<16xi32>
    %add3A_884 = arith.constant 0 : i32
    %add3A_885 = vector.broadcast %add3A_884 : i32 to vector<16xi32>
    %add3A_886 = arith.addi %add3A_883, %add3A_885 : vector<16xi32>
    %select_n3A_887 = arith.select %and3A_880, %add3A_886, %add3A_875 : vector<16xi1>, vector<16xi32>
    %add3A_888 = arith.constant 6920 : i32
    %add3A_889 = vector.broadcast %add3A_888 : i32 to vector<16xi32>
    %add3A_890 = arith.addi %add3A_889, %add3A_766 : vector<16xi32>
    %add3A_891 = arith.constant 0 : i32
    %add3A_892 = vector.broadcast %add3A_891 : i32 to vector<16xi32>
    %add3A_893 = arith.addi %add3A_890, %add3A_892 : vector<16xi32>
    %select_n3A_894 = arith.select %and3A_863, %add3A_893, %select_n3A_887 : vector<16xi1>, vector<16xi32>
    %mul3A_895 = arith.constant 24 : i32
    %mul3A_896 = vector.broadcast %mul3A_895 : i32 to vector<16xi32>
    %mul3A_897 = arith.muli %iota3A, %mul3A_896 : vector<16xi32>
    %add3A_898 = arith.constant 16 : i32
    %add3A_899 = vector.broadcast %add3A_898 : i32 to vector<16xi32>
    %add3A_900 = arith.addi %mul3A_897, %add3A_899 : vector<16xi32>
    %add3A_901 = arith.constant 2 : i32
    %add3A_902 = vector.broadcast %add3A_901 : i32 to vector<16xi32>
    %add3A_903 = arith.addi %add3A_900, %add3A_902 : vector<16xi32>
    %add3A_904 = arith.constant 0 : i32
    %add3A_905 = vector.broadcast %add3A_904 : i32 to vector<16xi32>
    %add3A_906 = arith.addi %add3A_903, %add3A_905 : vector<16xi32>
    tpu.vector_store_idx %arg10[%add3A_906], %select_n3A_894 : memref<384xi32, #tpu.memory_space<vmem>>[vector<16xi32>], vector<16xi32>,
    %add3A_907 = arith.constant 1 : i32
    %add3A_908 = vector.broadcast %add3A_907 : i32 to vector<16xi32>
    %add3A_909 = arith.addi %add3A_766, %add3A_908 : vector<16xi32>
    %le3A_910 = arith.cmpi sle, %add3A_909, %sub3A_772 : vector<16xi32>
    %and3A_911 = arith.andi %and3A_798, %le3A_910 : vector<16xi1>
    %mul3A_912 = arith.constant 8 : i32
    %mul3A_913 = vector.broadcast %mul3A_912 : i32 to vector<16xi32>
    %mul3A_914 = arith.muli %iota3A, %mul3A_913 : vector<16xi32>
    %add3A_915 = arith.constant 19 : i32
    %add3A_916 = vector.broadcast %add3A_915 : i32 to vector<16xi32>
    %add3A_917 = arith.addi %add3A_916, %mul3A_914 : vector<16xi32>
    %and3A_918 = arith.constant 31 : i32
    %and3A_919 = vector.broadcast %and3A_918 : i32 to vector<16xi32>
    %and3A_920 = arith.andi %add3A_917, %and3A_919 : vector<16xi32>
    %add3A_921 = arith.constant 7024 : i32
    %add3A_922 = vector.broadcast %add3A_921 : i32 to vector<16xi32>
    %add3A_923 = arith.addi %add3A_922, %and3A_920 : vector<16xi32>
    %add3A_924 = arith.constant 1 : i32
    %add3A_925 = vector.broadcast %add3A_924 : i32 to vector<16xi32>
    %add3A_926 = arith.addi %add3A_851, %add3A_925 : vector<16xi32>
    %le3A_927 = arith.cmpi sle, %add3A_926, %sub3A_857 : vector<16xi32>
    %and3A_928 = arith.andi %le3A_858, %le3A_927 : vector<16xi1>
    %add3A_929 = arith.constant 7016 : i32
    %add3A_930 = vector.broadcast %add3A_929 : i32 to vector<16xi32>
    %add3A_931 = arith.addi %add3A_930, %add3A_851 : vector<16xi32>
    %add3A_932 = arith.constant 1 : i32
    %add3A_933 = vector.broadcast %add3A_932 : i32 to vector<16xi32>
    %add3A_934 = arith.addi %add3A_931, %add3A_933 : vector<16xi32>
    %select_n3A_935 = arith.select %and3A_928, %add3A_934, %add3A_923 : vector<16xi1>, vector<16xi32>
    %add3A_936 = arith.constant 6920 : i32
    %add3A_937 = vector.broadcast %add3A_936 : i32 to vector<16xi32>
    %add3A_938 = arith.addi %add3A_937, %add3A_766 : vector<16xi32>
    %add3A_939 = arith.constant 1 : i32
    %add3A_940 = vector.broadcast %add3A_939 : i32 to vector<16xi32>
    %add3A_941 = arith.addi %add3A_938, %add3A_940 : vector<16xi32>
    %select_n3A_942 = arith.select %and3A_911, %add3A_941, %select_n3A_935 : vector<16xi1>, vector<16xi32>
    %mul3A_943 = arith.constant 24 : i32
    %mul3A_944 = vector.broadcast %mul3A_943 : i32 to vector<16xi32>
    %mul3A_945 = arith.muli %iota3A, %mul3A_944 : vector<16xi32>
    %add3A_946 = arith.constant 16 : i32
    %add3A_947 = vector.broadcast %add3A_946 : i32 to vector<16xi32>
    %add3A_948 = arith.addi %mul3A_945, %add3A_947 : vector<16xi32>
    %add3A_949 = arith.constant 2 : i32
    %add3A_950 = vector.broadcast %add3A_949 : i32 to vector<16xi32>
    %add3A_951 = arith.addi %add3A_948, %add3A_950 : vector<16xi32>
    %add3A_952 = arith.constant 1 : i32
    %add3A_953 = vector.broadcast %add3A_952 : i32 to vector<16xi32>
    %add3A_954 = arith.addi %add3A_951, %add3A_953 : vector<16xi32>
    tpu.vector_store_idx %arg10[%add3A_954], %select_n3A_942 : memref<384xi32, #tpu.memory_space<vmem>>[vector<16xi32>], vector<16xi32>,
    %add3A_955 = arith.constant 2 : i32
    %add3A_956 = vector.broadcast %add3A_955 : i32 to vector<16xi32>
    %add3A_957 = arith.addi %add3A_766, %add3A_956 : vector<16xi32>
    %le3A_958 = arith.cmpi sle, %add3A_957, %sub3A_772 : vector<16xi32>
    %and3A_959 = arith.andi %and3A_798, %le3A_958 : vector<16xi1>
    %mul3A_960 = arith.constant 8 : i32
    %mul3A_961 = vector.broadcast %mul3A_960 : i32 to vector<16xi32>
    %mul3A_962 = arith.muli %iota3A, %mul3A_961 : vector<16xi32>
    %add3A_963 = arith.constant 20 : i32
    %add3A_964 = vector.broadcast %add3A_963 : i32 to vector<16xi32>
    %add3A_965 = arith.addi %add3A_964, %mul3A_962 : vector<16xi32>
    %and3A_966 = arith.constant 31 : i32
    %and3A_967 = vector.broadcast %and3A_966 : i32 to vector<16xi32>
    %and3A_968 = arith.andi %add3A_965, %and3A_967 : vector<16xi32>
    %add3A_969 = arith.constant 7024 : i32
    %add3A_970 = vector.broadcast %add3A_969 : i32 to vector<16xi32>
    %add3A_971 = arith.addi %add3A_970, %and3A_968 : vector<16xi32>
    %add3A_972 = arith.constant 2 : i32
    %add3A_973 = vector.broadcast %add3A_972 : i32 to vector<16xi32>
    %add3A_974 = arith.addi %add3A_851, %add3A_973 : vector<16xi32>
    %le3A_975 = arith.cmpi sle, %add3A_974, %sub3A_857 : vector<16xi32>
    %and3A_976 = arith.andi %le3A_858, %le3A_975 : vector<16xi1>
    %add3A_977 = arith.constant 7016 : i32
    %add3A_978 = vector.broadcast %add3A_977 : i32 to vector<16xi32>
    %add3A_979 = arith.addi %add3A_978, %add3A_851 : vector<16xi32>
    %add3A_980 = arith.constant 2 : i32
    %add3A_981 = vector.broadcast %add3A_980 : i32 to vector<16xi32>
    %add3A_982 = arith.addi %add3A_979, %add3A_981 : vector<16xi32>
    %select_n3A_983 = arith.select %and3A_976, %add3A_982, %add3A_971 : vector<16xi1>, vector<16xi32>
    %add3A_984 = arith.constant 6920 : i32
    %add3A_985 = vector.broadcast %add3A_984 : i32 to vector<16xi32>
    %add3A_986 = arith.addi %add3A_985, %add3A_766 : vector<16xi32>
    %add3A_987 = arith.constant 2 : i32
    %add3A_988 = vector.broadcast %add3A_987 : i32 to vector<16xi32>
    %add3A_989 = arith.addi %add3A_986, %add3A_988 : vector<16xi32>
    %select_n3A_990 = arith.select %and3A_959, %add3A_989, %select_n3A_983 : vector<16xi1>, vector<16xi32>
    %mul3A_991 = arith.constant 24 : i32
    %mul3A_992 = vector.broadcast %mul3A_991 : i32 to vector<16xi32>
    %mul3A_993 = arith.muli %iota3A, %mul3A_992 : vector<16xi32>
    %add3A_994 = arith.constant 16 : i32
    %add3A_995 = vector.broadcast %add3A_994 : i32 to vector<16xi32>
    %add3A_996 = arith.addi %mul3A_993, %add3A_995 : vector<16xi32>
    %add3A_997 = arith.constant 2 : i32
    %add3A_998 = vector.broadcast %add3A_997 : i32 to vector<16xi32>
    %add3A_999 = arith.addi %add3A_996, %add3A_998 : vector<16xi32>
    %add3A_1000 = arith.constant 2 : i32
    %add3A_1001 = vector.broadcast %add3A_1000 : i32 to vector<16xi32>
    %add3A_1002 = arith.addi %add3A_999, %add3A_1001 : vector<16xi32>
    tpu.vector_store_idx %arg10[%add3A_1002], %select_n3A_990 : memref<384xi32, #tpu.memory_space<vmem>>[vector<16xi32>], vector<16xi32>,
    %add3A_1003 = arith.constant 3 : i32
    %add3A_1004 = vector.broadcast %add3A_1003 : i32 to vector<16xi32>
    %add3A_1005 = arith.addi %add3A_766, %add3A_1004 : vector<16xi32>
    %le3A_1006 = arith.cmpi sle, %add3A_1005, %sub3A_772 : vector<16xi32>
    %and3A_1007 = arith.andi %and3A_798, %le3A_1006 : vector<16xi1>
    %mul3A_1008 = arith.constant 8 : i32
    %mul3A_1009 = vector.broadcast %mul3A_1008 : i32 to vector<16xi32>
    %mul3A_1010 = arith.muli %iota3A, %mul3A_1009 : vector<16xi32>
    %add3A_1011 = arith.constant 21 : i32
    %add3A_1012 = vector.broadcast %add3A_1011 : i32 to vector<16xi32>
    %add3A_1013 = arith.addi %add3A_1012, %mul3A_1010 : vector<16xi32>
    %and3A_1014 = arith.constant 31 : i32
    %and3A_1015 = vector.broadcast %and3A_1014 : i32 to vector<16xi32>
    %and3A_1016 = arith.andi %add3A_1013, %and3A_1015 : vector<16xi32>
    %add3A_1017 = arith.constant 7024 : i32
    %add3A_1018 = vector.broadcast %add3A_1017 : i32 to vector<16xi32>
    %add3A_1019 = arith.addi %add3A_1018, %and3A_1016 : vector<16xi32>
    %add3A_1020 = arith.constant 3 : i32
    %add3A_1021 = vector.broadcast %add3A_1020 : i32 to vector<16xi32>
    %add3A_1022 = arith.addi %add3A_851, %add3A_1021 : vector<16xi32>
    %le3A_1023 = arith.cmpi sle, %add3A_1022, %sub3A_857 : vector<16xi32>
    %and3A_1024 = arith.andi %le3A_858, %le3A_1023 : vector<16xi1>
    %add3A_1025 = arith.constant 7016 : i32
    %add3A_1026 = vector.broadcast %add3A_1025 : i32 to vector<16xi32>
    %add3A_1027 = arith.addi %add3A_1026, %add3A_851 : vector<16xi32>
    %add3A_1028 = arith.constant 3 : i32
    %add3A_1029 = vector.broadcast %add3A_1028 : i32 to vector<16xi32>
    %add3A_1030 = arith.addi %add3A_1027, %add3A_1029 : vector<16xi32>
    %select_n3A_1031 = arith.select %and3A_1024, %add3A_1030, %add3A_1019 : vector<16xi1>, vector<16xi32>
    %add3A_1032 = arith.constant 6920 : i32
    %add3A_1033 = vector.broadcast %add3A_1032 : i32 to vector<16xi32>
    %add3A_1034 = arith.addi %add3A_1033, %add3A_766 : vector<16xi32>
    %add3A_1035 = arith.constant 3 : i32
    %add3A_1036 = vector.broadcast %add3A_1035 : i32 to vector<16xi32>
    %add3A_1037 = arith.addi %add3A_1034, %add3A_1036 : vector<16xi32>
    %select_n3A_1038 = arith.select %and3A_1007, %add3A_1037, %select_n3A_1031 : vector<16xi1>, vector<16xi32>
    %mul3A_1039 = arith.constant 24 : i32
    %mul3A_1040 = vector.broadcast %mul3A_1039 : i32 to vector<16xi32>
    %mul3A_1041 = arith.muli %iota3A, %mul3A_1040 : vector<16xi32>
    %add3A_1042 = arith.constant 16 : i32
    %add3A_1043 = vector.broadcast %add3A_1042 : i32 to vector<16xi32>
    %add3A_1044 = arith.addi %mul3A_1041, %add3A_1043 : vector<16xi32>
    %add3A_1045 = arith.constant 2 : i32
    %add3A_1046 = vector.broadcast %add3A_1045 : i32 to vector<16xi32>
    %add3A_1047 = arith.addi %add3A_1044, %add3A_1046 : vector<16xi32>
    %add3A_1048 = arith.constant 3 : i32
    %add3A_1049 = vector.broadcast %add3A_1048 : i32 to vector<16xi32>
    %add3A_1050 = arith.addi %add3A_1047, %add3A_1049 : vector<16xi32>
    tpu.vector_store_idx %arg10[%add3A_1050], %select_n3A_1038 : memref<384xi32, #tpu.memory_space<vmem>>[vector<16xi32>], vector<16xi32>,
    %add3A_1051 = arith.constant 4 : i32
    %add3A_1052 = vector.broadcast %add3A_1051 : i32 to vector<16xi32>
    %add3A_1053 = arith.addi %add3A_766, %add3A_1052 : vector<16xi32>
    %le3A_1054 = arith.cmpi sle, %add3A_1053, %sub3A_772 : vector<16xi32>
    %and3A_1055 = arith.andi %and3A_798, %le3A_1054 : vector<16xi1>
    %mul3A_1056 = arith.constant 8 : i32
    %mul3A_1057 = vector.broadcast %mul3A_1056 : i32 to vector<16xi32>
    %mul3A_1058 = arith.muli %iota3A, %mul3A_1057 : vector<16xi32>
    %add3A_1059 = arith.constant 22 : i32
    %add3A_1060 = vector.broadcast %add3A_1059 : i32 to vector<16xi32>
    %add3A_1061 = arith.addi %add3A_1060, %mul3A_1058 : vector<16xi32>
    %and3A_1062 = arith.constant 31 : i32
    %and3A_1063 = vector.broadcast %and3A_1062 : i32 to vector<16xi32>
    %and3A_1064 = arith.andi %add3A_1061, %and3A_1063 : vector<16xi32>
    %add3A_1065 = arith.constant 7024 : i32
    %add3A_1066 = vector.broadcast %add3A_1065 : i32 to vector<16xi32>
    %add3A_1067 = arith.addi %add3A_1066, %and3A_1064 : vector<16xi32>
    %add3A_1068 = arith.constant 6920 : i32
    %add3A_1069 = vector.broadcast %add3A_1068 : i32 to vector<16xi32>
    %add3A_1070 = arith.addi %add3A_1069, %add3A_766 : vector<16xi32>
    %add3A_1071 = arith.constant 4 : i32
    %add3A_1072 = vector.broadcast %add3A_1071 : i32 to vector<16xi32>
    %add3A_1073 = arith.addi %add3A_1070, %add3A_1072 : vector<16xi32>
    %select_n3A_1074 = arith.select %and3A_1055, %add3A_1073, %add3A_1067 : vector<16xi1>, vector<16xi32>
    %mul3A_1075 = arith.constant 24 : i32
    %mul3A_1076 = vector.broadcast %mul3A_1075 : i32 to vector<16xi32>
    %mul3A_1077 = arith.muli %iota3A, %mul3A_1076 : vector<16xi32>
    %add3A_1078 = arith.constant 16 : i32
    %add3A_1079 = vector.broadcast %add3A_1078 : i32 to vector<16xi32>
    %add3A_1080 = arith.addi %mul3A_1077, %add3A_1079 : vector<16xi32>
    %add3A_1081 = arith.constant 2 : i32
    %add3A_1082 = vector.broadcast %add3A_1081 : i32 to vector<16xi32>
    %add3A_1083 = arith.addi %add3A_1080, %add3A_1082 : vector<16xi32>
    %add3A_1084 = arith.constant 4 : i32
    %add3A_1085 = vector.broadcast %add3A_1084 : i32 to vector<16xi32>
    %add3A_1086 = arith.addi %add3A_1083, %add3A_1085 : vector<16xi32>
    tpu.vector_store_idx %arg10[%add3A_1086], %select_n3A_1074 : memref<384xi32, #tpu.memory_space<vmem>>[vector<16xi32>], vector<16xi32>,
    %add3A_1087 = arith.constant 5 : i32
    %add3A_1088 = vector.broadcast %add3A_1087 : i32 to vector<16xi32>
    %add3A_1089 = arith.addi %add3A_766, %add3A_1088 : vector<16xi32>
    %le3A_1090 = arith.cmpi sle, %add3A_1089, %sub3A_772 : vector<16xi32>
    %and3A_1091 = arith.andi %and3A_798, %le3A_1090 : vector<16xi1>
    %mul3A_1092 = arith.constant 8 : i32
    %mul3A_1093 = vector.broadcast %mul3A_1092 : i32 to vector<16xi32>
    %mul3A_1094 = arith.muli %iota3A, %mul3A_1093 : vector<16xi32>
    %add3A_1095 = arith.constant 23 : i32
    %add3A_1096 = vector.broadcast %add3A_1095 : i32 to vector<16xi32>
    %add3A_1097 = arith.addi %add3A_1096, %mul3A_1094 : vector<16xi32>
    %and3A_1098 = arith.constant 31 : i32
    %and3A_1099 = vector.broadcast %and3A_1098 : i32 to vector<16xi32>
    %and3A_1100 = arith.andi %add3A_1097, %and3A_1099 : vector<16xi32>
    %add3A_1101 = arith.constant 7024 : i32
    %add3A_1102 = vector.broadcast %add3A_1101 : i32 to vector<16xi32>
    %add3A_1103 = arith.addi %add3A_1102, %and3A_1100 : vector<16xi32>
    %add3A_1104 = arith.constant 6920 : i32
    %add3A_1105 = vector.broadcast %add3A_1104 : i32 to vector<16xi32>
    %add3A_1106 = arith.addi %add3A_1105, %add3A_766 : vector<16xi32>
    %add3A_1107 = arith.constant 5 : i32
    %add3A_1108 = vector.broadcast %add3A_1107 : i32 to vector<16xi32>
    %add3A_1109 = arith.addi %add3A_1106, %add3A_1108 : vector<16xi32>
    %select_n3A_1110 = arith.select %and3A_1091, %add3A_1109, %add3A_1103 : vector<16xi1>, vector<16xi32>
    %mul3A_1111 = arith.constant 24 : i32
    %mul3A_1112 = vector.broadcast %mul3A_1111 : i32 to vector<16xi32>
    %mul3A_1113 = arith.muli %iota3A, %mul3A_1112 : vector<16xi32>
    %add3A_1114 = arith.constant 16 : i32
    %add3A_1115 = vector.broadcast %add3A_1114 : i32 to vector<16xi32>
    %add3A_1116 = arith.addi %mul3A_1113, %add3A_1115 : vector<16xi32>
    %add3A_1117 = arith.constant 2 : i32
    %add3A_1118 = vector.broadcast %add3A_1117 : i32 to vector<16xi32>
    %add3A_1119 = arith.addi %add3A_1116, %add3A_1118 : vector<16xi32>
    %add3A_1120 = arith.constant 5 : i32
    %add3A_1121 = vector.broadcast %add3A_1120 : i32 to vector<16xi32>
    %add3A_1122 = arith.addi %add3A_1119, %add3A_1121 : vector<16xi32>
    tpu.vector_store_idx %arg10[%add3A_1122], %select_n3A_1110 : memref<384xi32, #tpu.memory_space<vmem>>[vector<16xi32>], vector<16xi32>,
    %dma_start3A = arith.constant 0 : i32
    %dma_start3A_1123 = arith.constant 0 : i32
    %dma_start3A_1124 = arith.constant 0 : i32
    %dma_start3A_1125 = tpu.memref_slice %arg11[%dma_start3A, %dma_start3A_1123, %dma_start3A_1124] : memref<2x40x1024xf32, #tpu.memory_space<vmem>> -> memref<1x16x1024xf32, #tpu.memory_space<vmem>>
    %dma_start3A_1126 = tpu.memref_squeeze %dma_start3A_1125 : memref<1x16x1024xf32, #tpu.memory_space<vmem>> -> memref<16x1024xf32, #tpu.memory_space<vmem>>
    %dma_start3A_1127 = arith.constant 0 : i32
    %dma_start3A_1128 = tpu.memref_slice %arg9[%dma_start3A_1127] : memref<256xi32, #tpu.memory_space<vmem>> -> memref<16xi32, #tpu.memory_space<vmem>>
    %dma_start3A_1129 = arith.constant 0 : i32
    %dma_start3A_1130 = arith.constant 0 : i32
    %dma_start3A_1131 = tpu.memref_slice %arg2[%dma_start3A_1129, %dma_start3A_1130] : memref<16384x1024xf32, #tpu.memory_space<hbm>> -> memref<16384x1024xf32, #tpu.memory_space<hbm>>
    tpu.enqueue_indirect_dma source(%dma_start3A_1131 : memref<16384x1024xf32, #tpu.memory_space<hbm>>) target(%dma_start3A_1126 : memref<16x1024xf32, #tpu.memory_space<vmem>>) offsets(%dma_start3A_1128 : memref<16xi32, #tpu.memory_space<vmem>>) semaphore(%arg13 : memref<!tpu.dma_semaphore, #tpu.memory_space<semaphore_mem>>)
    %dma_start3A_1132 = arith.constant 0 : i32
    %dma_start3A_1133 = arith.constant 16 : i32
    %dma_start3A_1134 = arith.constant 0 : i32
    %dma_start3A_1135 = tpu.memref_slice %arg11[%dma_start3A_1132, %dma_start3A_1133, %dma_start3A_1134] : memref<2x40x1024xf32, #tpu.memory_space<vmem>> -> memref<1x24x1024xf32, #tpu.memory_space<vmem>>
    %dma_start3A_1136 = tpu.memref_squeeze %dma_start3A_1135 : memref<1x24x1024xf32, #tpu.memory_space<vmem>> -> memref<24x1024xf32, #tpu.memory_space<vmem>>
    %dma_start3A_1137 = arith.constant 0 : i32
    %dma_start3A_1138 = tpu.memref_slice %arg10[%dma_start3A_1137] : memref<384xi32, #tpu.memory_space<vmem>> -> memref<24xi32, #tpu.memory_space<vmem>>
    %dma_start3A_1139 = arith.constant 0 : i32
    %dma_start3A_1140 = arith.constant 0 : i32
    %dma_start3A_1141 = tpu.memref_slice %arg3[%dma_start3A_1139, %dma_start3A_1140] : memref<7056x1024xf32, #tpu.memory_space<hbm>> -> memref<7056x1024xf32, #tpu.memory_space<hbm>>
    tpu.enqueue_indirect_dma source(%dma_start3A_1141 : memref<7056x1024xf32, #tpu.memory_space<hbm>>) target(%dma_start3A_1136 : memref<24x1024xf32, #tpu.memory_space<vmem>>) offsets(%dma_start3A_1138 : memref<24xi32, #tpu.memory_space<vmem>>) semaphore(%arg14 : memref<!tpu.dma_semaphore, #tpu.memory_space<semaphore_mem>>)
    %scan3A = arith.constant 0 : i32
    %scan3A_1142 = arith.constant 0 : i32
    %scan3A_1143 = arith.constant 8 : i32
    %scan3A_1144 = arith.addi %scan3A_1142, %scan3A_1143 : i32
    %scan3A_1145 = arith.constant 1 : i32
    scf.for %scan3A_1147 = %scan3A_1142 to %scan3A_1144 step %scan3A_1145  : i32 {
      %mul3A_1148 = arith.constant 2 : i32
      %mul3A_1149 = arith.muli %mul3A_1148, %scan3A_1147 : i32
      %add3A_1150 = arith.constant 1 : i32
      %add3A_1151 = arith.addi %mul3A_1149, %add3A_1150 : i32
      %mul3A_1152 = arith.constant 16 : i32
      %mul3A_1153 = arith.muli %add3A_1151, %mul3A_1152 : i32
      %mul3A_1154 = arith.constant 24 : i32
      %mul3A_1155 = arith.muli %add3A_1151, %mul3A_1154 : i32
      %dma_start3A_1156 = arith.constant 1 : i32
      %dma_start3A_1157 = arith.constant 0 : i32
      %dma_start3A_1158 = arith.constant 0 : i32
      %dma_start3A_1159 = tpu.memref_slice %arg11[%dma_start3A_1156, %dma_start3A_1157, %dma_start3A_1158] : memref<2x40x1024xf32, #tpu.memory_space<vmem>> -> memref<1x16x1024xf32, #tpu.memory_space<vmem>>
      %dma_start3A_1160 = tpu.memref_squeeze %dma_start3A_1159 : memref<1x16x1024xf32, #tpu.memory_space<vmem>> -> memref<16x1024xf32, #tpu.memory_space<vmem>>
      %dma_start3A_1161 = tpu.memref_slice %arg9[%mul3A_1153] : memref<256xi32, #tpu.memory_space<vmem>> -> memref<16xi32, #tpu.memory_space<vmem>>
      %dma_start3A_1162 = arith.constant 0 : i32
      %dma_start3A_1163 = arith.constant 0 : i32
      %dma_start3A_1164 = tpu.memref_slice %arg2[%dma_start3A_1162, %dma_start3A_1163] : memref<16384x1024xf32, #tpu.memory_space<hbm>> -> memref<16384x1024xf32, #tpu.memory_space<hbm>>
      tpu.enqueue_indirect_dma source(%dma_start3A_1164 : memref<16384x1024xf32, #tpu.memory_space<hbm>>) target(%dma_start3A_1160 : memref<16x1024xf32, #tpu.memory_space<vmem>>) offsets(%dma_start3A_1161 : memref<16xi32, #tpu.memory_space<vmem>>) semaphore(%arg15 : memref<!tpu.dma_semaphore, #tpu.memory_space<semaphore_mem>>)
      %dma_start3A_1165 = arith.constant 1 : i32
      %dma_start3A_1166 = arith.constant 16 : i32
      %dma_start3A_1167 = arith.constant 0 : i32
      %dma_start3A_1168 = tpu.memref_slice %arg11[%dma_start3A_1165, %dma_start3A_1166, %dma_start3A_1167] : memref<2x40x1024xf32, #tpu.memory_space<vmem>> -> memref<1x24x1024xf32, #tpu.memory_space<vmem>>
      %dma_start3A_1169 = tpu.memref_squeeze %dma_start3A_1168 : memref<1x24x1024xf32, #tpu.memory_space<vmem>> -> memref<24x1024xf32, #tpu.memory_space<vmem>>
      %dma_start3A_1170 = tpu.memref_slice %arg10[%mul3A_1155] : memref<384xi32, #tpu.memory_space<vmem>> -> memref<24xi32, #tpu.memory_space<vmem>>
      %dma_start3A_1171 = arith.constant 0 : i32
      %dma_start3A_1172 = arith.constant 0 : i32
      %dma_start3A_1173 = tpu.memref_slice %arg3[%dma_start3A_1171, %dma_start3A_1172] : memref<7056x1024xf32, #tpu.memory_space<hbm>> -> memref<7056x1024xf32, #tpu.memory_space<hbm>>
      tpu.enqueue_indirect_dma source(%dma_start3A_1173 : memref<7056x1024xf32, #tpu.memory_space<hbm>>) target(%dma_start3A_1169 : memref<24x1024xf32, #tpu.memory_space<vmem>>) offsets(%dma_start3A_1170 : memref<24xi32, #tpu.memory_space<vmem>>) semaphore(%arg16 : memref<!tpu.dma_semaphore, #tpu.memory_space<semaphore_mem>>)
      %mul3A_1174 = arith.constant 16 : i32
      %mul3A_1175 = arith.muli %mul3A_1149, %mul3A_1174 : i32
      %mul3A_1176 = arith.constant 24 : i32
      %mul3A_1177 = arith.muli %mul3A_1149, %mul3A_1176 : i32
      %dma_wait3A = arith.constant 0 : i32
      %dma_wait3A_1178 = arith.constant 0 : i32
      %dma_wait3A_1179 = arith.constant 0 : i32
      %dma_wait3A_1180 = tpu.memref_slice %arg11[%dma_wait3A, %dma_wait3A_1178, %dma_wait3A_1179] : memref<2x40x1024xf32, #tpu.memory_space<vmem>> -> memref<1x16x1024xf32, #tpu.memory_space<vmem>>
      %dma_wait3A_1181 = tpu.memref_squeeze %dma_wait3A_1180 : memref<1x16x1024xf32, #tpu.memory_space<vmem>> -> memref<16x1024xf32, #tpu.memory_space<vmem>>
      %dma_wait3A_1182 = tpu.memref_slice %arg9[%mul3A_1175] : memref<256xi32, #tpu.memory_space<vmem>> -> memref<16xi32, #tpu.memory_space<vmem>>
      %dma_wait3A_1183 = arith.constant 0 : i32
      %dma_wait3A_1184 = arith.constant 0 : i32
      %dma_wait3A_1185 = tpu.memref_slice %arg2[%dma_wait3A_1183, %dma_wait3A_1184] : memref<16384x1024xf32, #tpu.memory_space<hbm>> -> memref<16384x1024xf32, #tpu.memory_space<hbm>>
      tpu.wait_indirect_dma semaphore(%arg13 : memref<!tpu.dma_semaphore, #tpu.memory_space<semaphore_mem>>) src(%dma_wait3A_1185 : memref<16384x1024xf32, #tpu.memory_space<hbm>>) dst(%dma_wait3A_1181 : memref<16x1024xf32, #tpu.memory_space<vmem>>)
      %scan3A_1186 = arith.constant 0 : i32
      %scan3A_1187 = arith.constant 0 : i32
      %scan3A_1188 = arith.constant 64 : i32
      %scan3A_1189 = arith.addi %scan3A_1187, %scan3A_1188 : i32
      %scan3A_1190 = arith.constant 1 : i32
      scf.for %scan3A_1245 = %scan3A_1187 to %scan3A_1189 step %scan3A_1190  : i32 {
        %mul3A_1246 = arith.constant 16 : i32
        %mul3A_1247 = arith.muli %scan3A_1245, %mul3A_1246 : i32
        %get3A_1248 = arith.constant 0 : i32
        %get3A_1249 = arith.constant 0 : i32
        %get3A_1250 = arith.index_cast %get3A_1248 : i32 to index
        %get3A_1251 = arith.index_cast %get3A_1249 : i32 to index
        %get3A_1252 = arith.index_cast %mul3A_1247 : i32 to index
        %get3A_1253 = tpu.vector_load %arg11[%get3A_1250, %get3A_1251, %get3A_1252] {strides = array<i32>} : memref<2x40x1024xf32, #tpu.memory_space<vmem>>, vector<16xf32>,
        %mul3A_1254 = arith.constant 16 : i32
        %mul3A_1255 = arith.muli %scan3A_1245, %mul3A_1254 : i32
        %get3A_1256 = arith.constant 0 : i32
        %get3A_1257 = arith.constant 1 : i32
        %get3A_1258 = arith.index_cast %get3A_1256 : i32 to index
        %get3A_1259 = arith.index_cast %get3A_1257 : i32 to index
        %get3A_1260 = arith.index_cast %mul3A_1255 : i32 to index
        %get3A_1261 = tpu.vector_load %arg11[%get3A_1258, %get3A_1259, %get3A_1260] {strides = array<i32>} : memref<2x40x1024xf32, #tpu.memory_space<vmem>>, vector<16xf32>,
        %mul3A_1262 = arith.constant 16 : i32
        %mul3A_1263 = arith.muli %scan3A_1245, %mul3A_1262 : i32
        %get3A_1264 = arith.constant 0 : i32
        %get3A_1265 = arith.constant 2 : i32
        %get3A_1266 = arith.index_cast %get3A_1264 : i32 to index
        %get3A_1267 = arith.index_cast %get3A_1265 : i32 to index
        %get3A_1268 = arith.index_cast %mul3A_1263 : i32 to index
        %get3A_1269 = tpu.vector_load %arg11[%get3A_1266, %get3A_1267, %get3A_1268] {strides = array<i32>} : memref<2x40x1024xf32, #tpu.memory_space<vmem>>, vector<16xf32>,
        %mul3A_1270 = arith.constant 16 : i32
        %mul3A_1271 = arith.muli %scan3A_1245, %mul3A_1270 : i32
        %get3A_1272 = arith.constant 0 : i32
        %get3A_1273 = arith.constant 3 : i32
        %get3A_1274 = arith.index_cast %get3A_1272 : i32 to index
        %get3A_1275 = arith.index_cast %get3A_1273 : i32 to index
        %get3A_1276 = arith.index_cast %mul3A_1271 : i32 to index
        %get3A_1277 = tpu.vector_load %arg11[%get3A_1274, %get3A_1275, %get3A_1276] {strides = array<i32>} : memref<2x40x1024xf32, #tpu.memory_space<vmem>>, vector<16xf32>,
        %mul3A_1278 = arith.constant 16 : i32
        %mul3A_1279 = arith.muli %scan3A_1245, %mul3A_1278 : i32
        %get3A_1280 = arith.constant 0 : i32
        %get3A_1281 = arith.constant 4 : i32
        %get3A_1282 = arith.index_cast %get3A_1280 : i32 to index
        %get3A_1283 = arith.index_cast %get3A_1281 : i32 to index
        %get3A_1284 = arith.index_cast %mul3A_1279 : i32 to index
        %get3A_1285 = tpu.vector_load %arg11[%get3A_1282, %get3A_1283, %get3A_1284] {strides = array<i32>} : memref<2x40x1024xf32, #tpu.memory_space<vmem>>, vector<16xf32>,
        %mul3A_1286 = arith.constant 16 : i32
        %mul3A_1287 = arith.muli %scan3A_1245, %mul3A_1286 : i32
        %get3A_1288 = arith.constant 0 : i32
        %get3A_1289 = arith.constant 5 : i32
        %get3A_1290 = arith.index_cast %get3A_1288 : i32 to index
        %get3A_1291 = arith.index_cast %get3A_1289 : i32 to index
        %get3A_1292 = arith.index_cast %mul3A_1287 : i32 to index
        %get3A_1293 = tpu.vector_load %arg11[%get3A_1290, %get3A_1291, %get3A_1292] {strides = array<i32>} : memref<2x40x1024xf32, #tpu.memory_space<vmem>>, vector<16xf32>,
        %mul3A_1294 = arith.constant 16 : i32
        %mul3A_1295 = arith.muli %scan3A_1245, %mul3A_1294 : i32
        %get3A_1296 = arith.constant 0 : i32
        %get3A_1297 = arith.constant 6 : i32
        %get3A_1298 = arith.index_cast %get3A_1296 : i32 to index
        %get3A_1299 = arith.index_cast %get3A_1297 : i32 to index
        %get3A_1300 = arith.index_cast %mul3A_1295 : i32 to index
        %get3A_1301 = tpu.vector_load %arg11[%get3A_1298, %get3A_1299, %get3A_1300] {strides = array<i32>} : memref<2x40x1024xf32, #tpu.memory_space<vmem>>, vector<16xf32>,
        %mul3A_1302 = arith.constant 16 : i32
        %mul3A_1303 = arith.muli %scan3A_1245, %mul3A_1302 : i32
        %get3A_1304 = arith.constant 0 : i32
        %get3A_1305 = arith.constant 7 : i32
        %get3A_1306 = arith.index_cast %get3A_1304 : i32 to index
        %get3A_1307 = arith.index_cast %get3A_1305 : i32 to index
        %get3A_1308 = arith.index_cast %mul3A_1303 : i32 to index
        %get3A_1309 = tpu.vector_load %arg11[%get3A_1306, %get3A_1307, %get3A_1308] {strides = array<i32>} : memref<2x40x1024xf32, #tpu.memory_space<vmem>>, vector<16xf32>,
        %mul3A_1310 = arith.constant 16 : i32
        %mul3A_1311 = arith.muli %scan3A_1245, %mul3A_1310 : i32
        %get3A_1312 = arith.constant 0 : i32
        %get3A_1313 = arith.constant 8 : i32
        %get3A_1314 = arith.index_cast %get3A_1312 : i32 to index
        %get3A_1315 = arith.index_cast %get3A_1313 : i32 to index
        %get3A_1316 = arith.index_cast %mul3A_1311 : i32 to index
        %get3A_1317 = tpu.vector_load %arg11[%get3A_1314, %get3A_1315, %get3A_1316] {strides = array<i32>} : memref<2x40x1024xf32, #tpu.memory_space<vmem>>, vector<16xf32>,
        %mul3A_1318 = arith.constant 16 : i32
        %mul3A_1319 = arith.muli %scan3A_1245, %mul3A_1318 : i32
        %get3A_1320 = arith.constant 0 : i32
        %get3A_1321 = arith.constant 9 : i32
        %get3A_1322 = arith.index_cast %get3A_1320 : i32 to index
        %get3A_1323 = arith.index_cast %get3A_1321 : i32 to index
        %get3A_1324 = arith.index_cast %mul3A_1319 : i32 to index
        %get3A_1325 = tpu.vector_load %arg11[%get3A_1322, %get3A_1323, %get3A_1324] {strides = array<i32>} : memref<2x40x1024xf32, #tpu.memory_space<vmem>>, vector<16xf32>,
        %mul3A_1326 = arith.constant 16 : i32
        %mul3A_1327 = arith.muli %scan3A_1245, %mul3A_1326 : i32
        %get3A_1328 = arith.constant 0 : i32
        %get3A_1329 = arith.constant 10 : i32
        %get3A_1330 = arith.index_cast %get3A_1328 : i32 to index
        %get3A_1331 = arith.index_cast %get3A_1329 : i32 to index
        %get3A_1332 = arith.index_cast %mul3A_1327 : i32 to index
        %get3A_1333 = tpu.vector_load %arg11[%get3A_1330, %get3A_1331, %get3A_1332] {strides = array<i32>} : memref<2x40x1024xf32, #tpu.memory_space<vmem>>, vector<16xf32>,
        %mul3A_1334 = arith.constant 16 : i32
        %mul3A_1335 = arith.muli %scan3A_1245, %mul3A_1334 : i32
        %get3A_1336 = arith.constant 0 : i32
        %get3A_1337 = arith.constant 11 : i32
        %get3A_1338 = arith.index_cast %get3A_1336 : i32 to index
        %get3A_1339 = arith.index_cast %get3A_1337 : i32 to index
        %get3A_1340 = arith.index_cast %mul3A_1335 : i32 to index
        %get3A_1341 = tpu.vector_load %arg11[%get3A_1338, %get3A_1339, %get3A_1340] {strides = array<i32>} : memref<2x40x1024xf32, #tpu.memory_space<vmem>>, vector<16xf32>,
        %mul3A_1342 = arith.constant 16 : i32
        %mul3A_1343 = arith.muli %scan3A_1245, %mul3A_1342 : i32
        %get3A_1344 = arith.constant 0 : i32
        %get3A_1345 = arith.constant 12 : i32
        %get3A_1346 = arith.index_cast %get3A_1344 : i32 to index
        %get3A_1347 = arith.index_cast %get3A_1345 : i32 to index
        %get3A_1348 = arith.index_cast %mul3A_1343 : i32 to index
        %get3A_1349 = tpu.vector_load %arg11[%get3A_1346, %get3A_1347, %get3A_1348] {strides = array<i32>} : memref<2x40x1024xf32, #tpu.memory_space<vmem>>, vector<16xf32>,
        %mul3A_1350 = arith.constant 16 : i32
        %mul3A_1351 = arith.muli %scan3A_1245, %mul3A_1350 : i32
        %get3A_1352 = arith.constant 0 : i32
        %get3A_1353 = arith.constant 13 : i32
        %get3A_1354 = arith.index_cast %get3A_1352 : i32 to index
        %get3A_1355 = arith.index_cast %get3A_1353 : i32 to index
        %get3A_1356 = arith.index_cast %mul3A_1351 : i32 to index
        %get3A_1357 = tpu.vector_load %arg11[%get3A_1354, %get3A_1355, %get3A_1356] {strides = array<i32>} : memref<2x40x1024xf32, #tpu.memory_space<vmem>>, vector<16xf32>,
        %mul3A_1358 = arith.constant 16 : i32
        %mul3A_1359 = arith.muli %scan3A_1245, %mul3A_1358 : i32
        %get3A_1360 = arith.constant 0 : i32
        %get3A_1361 = arith.constant 14 : i32
        %get3A_1362 = arith.index_cast %get3A_1360 : i32 to index
        %get3A_1363 = arith.index_cast %get3A_1361 : i32 to index
        %get3A_1364 = arith.index_cast %mul3A_1359 : i32 to index
        %get3A_1365 = tpu.vector_load %arg11[%get3A_1362, %get3A_1363, %get3A_1364] {strides = array<i32>} : memref<2x40x1024xf32, #tpu.memory_space<vmem>>, vector<16xf32>,
        %mul3A_1366 = arith.constant 16 : i32
        %mul3A_1367 = arith.muli %scan3A_1245, %mul3A_1366 : i32
        %get3A_1368 = arith.constant 0 : i32
        %get3A_1369 = arith.constant 15 : i32
        %get3A_1370 = arith.index_cast %get3A_1368 : i32 to index
        %get3A_1371 = arith.index_cast %get3A_1369 : i32 to index
        %get3A_1372 = arith.index_cast %mul3A_1367 : i32 to index
        %get3A_1373 = tpu.vector_load %arg11[%get3A_1370, %get3A_1371, %get3A_1372] {strides = array<i32>} : memref<2x40x1024xf32, #tpu.memory_space<vmem>>, vector<16xf32>,
        %max3A_1374 = arith.maximumf %get3A_1253, %get3A_1261 : vector<16xf32>
        %max3A_1375 = arith.maximumf %get3A_1269, %get3A_1277 : vector<16xf32>
        %max3A_1376 = arith.maximumf %get3A_1285, %get3A_1293 : vector<16xf32>
        %max3A_1377 = arith.maximumf %get3A_1301, %get3A_1309 : vector<16xf32>
        %max3A_1378 = arith.maximumf %get3A_1317, %get3A_1325 : vector<16xf32>
        %max3A_1379 = arith.maximumf %get3A_1333, %get3A_1341 : vector<16xf32>
        %max3A_1380 = arith.maximumf %get3A_1349, %get3A_1357 : vector<16xf32>
        %max3A_1381 = arith.maximumf %get3A_1365, %get3A_1373 : vector<16xf32>
        %max3A_1382 = arith.maximumf %max3A_1374, %max3A_1375 : vector<16xf32>
        %max3A_1383 = arith.maximumf %max3A_1376, %max3A_1377 : vector<16xf32>
        %max3A_1384 = arith.maximumf %max3A_1378, %max3A_1379 : vector<16xf32>
        %max3A_1385 = arith.maximumf %max3A_1380, %max3A_1381 : vector<16xf32>
        %max3A_1386 = arith.maximumf %max3A_1382, %max3A_1383 : vector<16xf32>
        %max3A_1387 = arith.maximumf %max3A_1384, %max3A_1385 : vector<16xf32>
        %max3A_1388 = arith.maximumf %max3A_1386, %max3A_1387 : vector<16xf32>
        %mul3A_1389 = arith.constant 16 : i32
        %mul3A_1390 = arith.muli %scan3A_1245, %mul3A_1389 : i32
        %swap3A = arith.index_cast %mul3A_1149 : i32 to index
        %swap3A_1391 = arith.index_cast %mul3A_1390 : i32 to index
        %swap3A_1392 = tpu.vector_load %arg12[%swap3A, %swap3A_1391] {strides = array<i32>} : memref<16x1024xf32, #tpu.memory_space<vmem>>, vector<16xf32>,
        tpu.vector_store %arg12[%swap3A, %swap3A_1391], %max3A_1388 {strides = array<i32>} : memref<16x1024xf32, #tpu.memory_space<vmem>>, vector<16xf32>,
      }
      %scan3A_1191 = arith.constant 64 : i32
      %dma_wait3A_1192 = arith.constant 0 : i32
      %dma_wait3A_1193 = arith.constant 16 : i32
      %dma_wait3A_1194 = arith.constant 0 : i32
      %dma_wait3A_1195 = tpu.memref_slice %arg11[%dma_wait3A_1192, %dma_wait3A_1193, %dma_wait3A_1194] : memref<2x40x1024xf32, #tpu.memory_space<vmem>> -> memref<1x24x1024xf32, #tpu.memory_space<vmem>>
      %dma_wait3A_1196 = tpu.memref_squeeze %dma_wait3A_1195 : memref<1x24x1024xf32, #tpu.memory_space<vmem>> -> memref<24x1024xf32, #tpu.memory_space<vmem>>
      %dma_wait3A_1197 = tpu.memref_slice %arg10[%mul3A_1177] : memref<384xi32, #tpu.memory_space<vmem>> -> memref<24xi32, #tpu.memory_space<vmem>>
      %dma_wait3A_1198 = arith.constant 0 : i32
      %dma_wait3A_1199 = arith.constant 0 : i32
      %dma_wait3A_1200 = tpu.memref_slice %arg3[%dma_wait3A_1198, %dma_wait3A_1199] : memref<7056x1024xf32, #tpu.memory_space<hbm>> -> memref<7056x1024xf32, #tpu.memory_space<hbm>>
      tpu.wait_indirect_dma semaphore(%arg14 : memref<!tpu.dma_semaphore, #tpu.memory_space<semaphore_mem>>) src(%dma_wait3A_1200 : memref<7056x1024xf32, #tpu.memory_space<hbm>>) dst(%dma_wait3A_1196 : memref<24x1024xf32, #tpu.memory_space<vmem>>)
      %scan3A_1201 = arith.constant 0 : i32
      %scan3A_1202 = arith.constant 0 : i32
      %scan3A_1203 = arith.constant 64 : i32
      %scan3A_1204 = arith.addi %scan3A_1202, %scan3A_1203 : i32
      %scan3A_1205 = arith.constant 1 : i32
      scf.for %scan3A_1245 = %scan3A_1202 to %scan3A_1204 step %scan3A_1205  : i32 {
        %mul3A_1246 = arith.constant 16 : i32
        %mul3A_1247 = arith.muli %scan3A_1245, %mul3A_1246 : i32
        %get3A_1248 = arith.constant 0 : i32
        %get3A_1249 = arith.constant 16 : i32
        %get3A_1250 = arith.index_cast %get3A_1248 : i32 to index
        %get3A_1251 = arith.index_cast %get3A_1249 : i32 to index
        %get3A_1252 = arith.index_cast %mul3A_1247 : i32 to index
        %get3A_1253 = tpu.vector_load %arg11[%get3A_1250, %get3A_1251, %get3A_1252] {strides = array<i32>} : memref<2x40x1024xf32, #tpu.memory_space<vmem>>, vector<16xf32>,
        %mul3A_1254 = arith.constant 16 : i32
        %mul3A_1255 = arith.muli %scan3A_1245, %mul3A_1254 : i32
        %get3A_1256 = arith.constant 0 : i32
        %get3A_1257 = arith.constant 17 : i32
        %get3A_1258 = arith.index_cast %get3A_1256 : i32 to index
        %get3A_1259 = arith.index_cast %get3A_1257 : i32 to index
        %get3A_1260 = arith.index_cast %mul3A_1255 : i32 to index
        %get3A_1261 = tpu.vector_load %arg11[%get3A_1258, %get3A_1259, %get3A_1260] {strides = array<i32>} : memref<2x40x1024xf32, #tpu.memory_space<vmem>>, vector<16xf32>,
        %mul3A_1262 = arith.constant 16 : i32
        %mul3A_1263 = arith.muli %scan3A_1245, %mul3A_1262 : i32
        %get3A_1264 = arith.constant 0 : i32
        %get3A_1265 = arith.constant 18 : i32
        %get3A_1266 = arith.index_cast %get3A_1264 : i32 to index
        %get3A_1267 = arith.index_cast %get3A_1265 : i32 to index
        %get3A_1268 = arith.index_cast %mul3A_1263 : i32 to index
        %get3A_1269 = tpu.vector_load %arg11[%get3A_1266, %get3A_1267, %get3A_1268] {strides = array<i32>} : memref<2x40x1024xf32, #tpu.memory_space<vmem>>, vector<16xf32>,
        %mul3A_1270 = arith.constant 16 : i32
        %mul3A_1271 = arith.muli %scan3A_1245, %mul3A_1270 : i32
        %get3A_1272 = arith.constant 0 : i32
        %get3A_1273 = arith.constant 19 : i32
        %get3A_1274 = arith.index_cast %get3A_1272 : i32 to index
        %get3A_1275 = arith.index_cast %get3A_1273 : i32 to index
        %get3A_1276 = arith.index_cast %mul3A_1271 : i32 to index
        %get3A_1277 = tpu.vector_load %arg11[%get3A_1274, %get3A_1275, %get3A_1276] {strides = array<i32>} : memref<2x40x1024xf32, #tpu.memory_space<vmem>>, vector<16xf32>,
        %mul3A_1278 = arith.constant 16 : i32
        %mul3A_1279 = arith.muli %scan3A_1245, %mul3A_1278 : i32
        %get3A_1280 = arith.constant 0 : i32
        %get3A_1281 = arith.constant 20 : i32
        %get3A_1282 = arith.index_cast %get3A_1280 : i32 to index
        %get3A_1283 = arith.index_cast %get3A_1281 : i32 to index
        %get3A_1284 = arith.index_cast %mul3A_1279 : i32 to index
        %get3A_1285 = tpu.vector_load %arg11[%get3A_1282, %get3A_1283, %get3A_1284] {strides = array<i32>} : memref<2x40x1024xf32, #tpu.memory_space<vmem>>, vector<16xf32>,
        %mul3A_1286 = arith.constant 16 : i32
        %mul3A_1287 = arith.muli %scan3A_1245, %mul3A_1286 : i32
        %get3A_1288 = arith.constant 0 : i32
        %get3A_1289 = arith.constant 21 : i32
        %get3A_1290 = arith.index_cast %get3A_1288 : i32 to index
        %get3A_1291 = arith.index_cast %get3A_1289 : i32 to index
        %get3A_1292 = arith.index_cast %mul3A_1287 : i32 to index
        %get3A_1293 = tpu.vector_load %arg11[%get3A_1290, %get3A_1291, %get3A_1292] {strides = array<i32>} : memref<2x40x1024xf32, #tpu.memory_space<vmem>>, vector<16xf32>,
        %mul3A_1294 = arith.constant 16 : i32
        %mul3A_1295 = arith.muli %scan3A_1245, %mul3A_1294 : i32
        %get3A_1296 = arith.constant 0 : i32
        %get3A_1297 = arith.constant 22 : i32
        %get3A_1298 = arith.index_cast %get3A_1296 : i32 to index
        %get3A_1299 = arith.index_cast %get3A_1297 : i32 to index
        %get3A_1300 = arith.index_cast %mul3A_1295 : i32 to index
        %get3A_1301 = tpu.vector_load %arg11[%get3A_1298, %get3A_1299, %get3A_1300] {strides = array<i32>} : memref<2x40x1024xf32, #tpu.memory_space<vmem>>, vector<16xf32>,
        %mul3A_1302 = arith.constant 16 : i32
        %mul3A_1303 = arith.muli %scan3A_1245, %mul3A_1302 : i32
        %get3A_1304 = arith.constant 0 : i32
        %get3A_1305 = arith.constant 23 : i32
        %get3A_1306 = arith.index_cast %get3A_1304 : i32 to index
        %get3A_1307 = arith.index_cast %get3A_1305 : i32 to index
        %get3A_1308 = arith.index_cast %mul3A_1303 : i32 to index
        %get3A_1309 = tpu.vector_load %arg11[%get3A_1306, %get3A_1307, %get3A_1308] {strides = array<i32>} : memref<2x40x1024xf32, #tpu.memory_space<vmem>>, vector<16xf32>,
        %mul3A_1310 = arith.constant 16 : i32
        %mul3A_1311 = arith.muli %scan3A_1245, %mul3A_1310 : i32
        %get3A_1312 = arith.constant 0 : i32
        %get3A_1313 = arith.constant 24 : i32
        %get3A_1314 = arith.index_cast %get3A_1312 : i32 to index
        %get3A_1315 = arith.index_cast %get3A_1313 : i32 to index
        %get3A_1316 = arith.index_cast %mul3A_1311 : i32 to index
        %get3A_1317 = tpu.vector_load %arg11[%get3A_1314, %get3A_1315, %get3A_1316] {strides = array<i32>} : memref<2x40x1024xf32, #tpu.memory_space<vmem>>, vector<16xf32>,
        %mul3A_1318 = arith.constant 16 : i32
        %mul3A_1319 = arith.muli %scan3A_1245, %mul3A_1318 : i32
        %get3A_1320 = arith.constant 0 : i32
        %get3A_1321 = arith.constant 25 : i32
        %get3A_1322 = arith.index_cast %get3A_1320 : i32 to index
        %get3A_1323 = arith.index_cast %get3A_1321 : i32 to index
        %get3A_1324 = arith.index_cast %mul3A_1319 : i32 to index
        %get3A_1325 = tpu.vector_load %arg11[%get3A_1322, %get3A_1323, %get3A_1324] {strides = array<i32>} : memref<2x40x1024xf32, #tpu.memory_space<vmem>>, vector<16xf32>,
        %mul3A_1326 = arith.constant 16 : i32
        %mul3A_1327 = arith.muli %scan3A_1245, %mul3A_1326 : i32
        %get3A_1328 = arith.constant 0 : i32
        %get3A_1329 = arith.constant 26 : i32
        %get3A_1330 = arith.index_cast %get3A_1328 : i32 to index
        %get3A_1331 = arith.index_cast %get3A_1329 : i32 to index
        %get3A_1332 = arith.index_cast %mul3A_1327 : i32 to index
        %get3A_1333 = tpu.vector_load %arg11[%get3A_1330, %get3A_1331, %get3A_1332] {strides = array<i32>} : memref<2x40x1024xf32, #tpu.memory_space<vmem>>, vector<16xf32>,
        %mul3A_1334 = arith.constant 16 : i32
        %mul3A_1335 = arith.muli %scan3A_1245, %mul3A_1334 : i32
        %get3A_1336 = arith.constant 0 : i32
        %get3A_1337 = arith.constant 27 : i32
        %get3A_1338 = arith.index_cast %get3A_1336 : i32 to index
        %get3A_1339 = arith.index_cast %get3A_1337 : i32 to index
        %get3A_1340 = arith.index_cast %mul3A_1335 : i32 to index
        %get3A_1341 = tpu.vector_load %arg11[%get3A_1338, %get3A_1339, %get3A_1340] {strides = array<i32>} : memref<2x40x1024xf32, #tpu.memory_space<vmem>>, vector<16xf32>,
        %mul3A_1342 = arith.constant 16 : i32
        %mul3A_1343 = arith.muli %scan3A_1245, %mul3A_1342 : i32
        %get3A_1344 = arith.constant 0 : i32
        %get3A_1345 = arith.constant 28 : i32
        %get3A_1346 = arith.index_cast %get3A_1344 : i32 to index
        %get3A_1347 = arith.index_cast %get3A_1345 : i32 to index
        %get3A_1348 = arith.index_cast %mul3A_1343 : i32 to index
        %get3A_1349 = tpu.vector_load %arg11[%get3A_1346, %get3A_1347, %get3A_1348] {strides = array<i32>} : memref<2x40x1024xf32, #tpu.memory_space<vmem>>, vector<16xf32>,
        %mul3A_1350 = arith.constant 16 : i32
        %mul3A_1351 = arith.muli %scan3A_1245, %mul3A_1350 : i32
        %get3A_1352 = arith.constant 0 : i32
        %get3A_1353 = arith.constant 29 : i32
        %get3A_1354 = arith.index_cast %get3A_1352 : i32 to index
        %get3A_1355 = arith.index_cast %get3A_1353 : i32 to index
        %get3A_1356 = arith.index_cast %mul3A_1351 : i32 to index
        %get3A_1357 = tpu.vector_load %arg11[%get3A_1354, %get3A_1355, %get3A_1356] {strides = array<i32>} : memref<2x40x1024xf32, #tpu.memory_space<vmem>>, vector<16xf32>,
        %mul3A_1358 = arith.constant 16 : i32
        %mul3A_1359 = arith.muli %scan3A_1245, %mul3A_1358 : i32
        %get3A_1360 = arith.constant 0 : i32
        %get3A_1361 = arith.constant 30 : i32
        %get3A_1362 = arith.index_cast %get3A_1360 : i32 to index
        %get3A_1363 = arith.index_cast %get3A_1361 : i32 to index
        %get3A_1364 = arith.index_cast %mul3A_1359 : i32 to index
        %get3A_1365 = tpu.vector_load %arg11[%get3A_1362, %get3A_1363, %get3A_1364] {strides = array<i32>} : memref<2x40x1024xf32, #tpu.memory_space<vmem>>, vector<16xf32>,
        %mul3A_1366 = arith.constant 16 : i32
        %mul3A_1367 = arith.muli %scan3A_1245, %mul3A_1366 : i32
        %get3A_1368 = arith.constant 0 : i32
        %get3A_1369 = arith.constant 31 : i32
        %get3A_1370 = arith.index_cast %get3A_1368 : i32 to index
        %get3A_1371 = arith.index_cast %get3A_1369 : i32 to index
        %get3A_1372 = arith.index_cast %mul3A_1367 : i32 to index
        %get3A_1373 = tpu.vector_load %arg11[%get3A_1370, %get3A_1371, %get3A_1372] {strides = array<i32>} : memref<2x40x1024xf32, #tpu.memory_space<vmem>>, vector<16xf32>,
        %mul3A_1374 = arith.constant 16 : i32
        %mul3A_1375 = arith.muli %scan3A_1245, %mul3A_1374 : i32
        %get3A_1376 = arith.constant 0 : i32
        %get3A_1377 = arith.constant 32 : i32
        %get3A_1378 = arith.index_cast %get3A_1376 : i32 to index
        %get3A_1379 = arith.index_cast %get3A_1377 : i32 to index
        %get3A_1380 = arith.index_cast %mul3A_1375 : i32 to index
        %get3A_1381 = tpu.vector_load %arg11[%get3A_1378, %get3A_1379, %get3A_1380] {strides = array<i32>} : memref<2x40x1024xf32, #tpu.memory_space<vmem>>, vector<16xf32>,
        %mul3A_1382 = arith.constant 16 : i32
        %mul3A_1383 = arith.muli %scan3A_1245, %mul3A_1382 : i32
        %get3A_1384 = arith.constant 0 : i32
        %get3A_1385 = arith.constant 33 : i32
        %get3A_1386 = arith.index_cast %get3A_1384 : i32 to index
        %get3A_1387 = arith.index_cast %get3A_1385 : i32 to index
        %get3A_1388 = arith.index_cast %mul3A_1383 : i32 to index
        %get3A_1389 = tpu.vector_load %arg11[%get3A_1386, %get3A_1387, %get3A_1388] {strides = array<i32>} : memref<2x40x1024xf32, #tpu.memory_space<vmem>>, vector<16xf32>,
        %mul3A_1390 = arith.constant 16 : i32
        %mul3A_1391 = arith.muli %scan3A_1245, %mul3A_1390 : i32
        %get3A_1392 = arith.constant 0 : i32
        %get3A_1393 = arith.constant 34 : i32
        %get3A_1394 = arith.index_cast %get3A_1392 : i32 to index
        %get3A_1395 = arith.index_cast %get3A_1393 : i32 to index
        %get3A_1396 = arith.index_cast %mul3A_1391 : i32 to index
        %get3A_1397 = tpu.vector_load %arg11[%get3A_1394, %get3A_1395, %get3A_1396] {strides = array<i32>} : memref<2x40x1024xf32, #tpu.memory_space<vmem>>, vector<16xf32>,
        %mul3A_1398 = arith.constant 16 : i32
        %mul3A_1399 = arith.muli %scan3A_1245, %mul3A_1398 : i32
        %get3A_1400 = arith.constant 0 : i32
        %get3A_1401 = arith.constant 35 : i32
        %get3A_1402 = arith.index_cast %get3A_1400 : i32 to index
        %get3A_1403 = arith.index_cast %get3A_1401 : i32 to index
        %get3A_1404 = arith.index_cast %mul3A_1399 : i32 to index
        %get3A_1405 = tpu.vector_load %arg11[%get3A_1402, %get3A_1403, %get3A_1404] {strides = array<i32>} : memref<2x40x1024xf32, #tpu.memory_space<vmem>>, vector<16xf32>,
        %mul3A_1406 = arith.constant 16 : i32
        %mul3A_1407 = arith.muli %scan3A_1245, %mul3A_1406 : i32
        %get3A_1408 = arith.constant 0 : i32
        %get3A_1409 = arith.constant 36 : i32
        %get3A_1410 = arith.index_cast %get3A_1408 : i32 to index
        %get3A_1411 = arith.index_cast %get3A_1409 : i32 to index
        %get3A_1412 = arith.index_cast %mul3A_1407 : i32 to index
        %get3A_1413 = tpu.vector_load %arg11[%get3A_1410, %get3A_1411, %get3A_1412] {strides = array<i32>} : memref<2x40x1024xf32, #tpu.memory_space<vmem>>, vector<16xf32>,
        %mul3A_1414 = arith.constant 16 : i32
        %mul3A_1415 = arith.muli %scan3A_1245, %mul3A_1414 : i32
        %get3A_1416 = arith.constant 0 : i32
        %get3A_1417 = arith.constant 37 : i32
        %get3A_1418 = arith.index_cast %get3A_1416 : i32 to index
        %get3A_1419 = arith.index_cast %get3A_1417 : i32 to index
        %get3A_1420 = arith.index_cast %mul3A_1415 : i32 to index
        %get3A_1421 = tpu.vector_load %arg11[%get3A_1418, %get3A_1419, %get3A_1420] {strides = array<i32>} : memref<2x40x1024xf32, #tpu.memory_space<vmem>>, vector<16xf32>,
        %mul3A_1422 = arith.constant 16 : i32
        %mul3A_1423 = arith.muli %scan3A_1245, %mul3A_1422 : i32
        %get3A_1424 = arith.constant 0 : i32
        %get3A_1425 = arith.constant 38 : i32
        %get3A_1426 = arith.index_cast %get3A_1424 : i32 to index
        %get3A_1427 = arith.index_cast %get3A_1425 : i32 to index
        %get3A_1428 = arith.index_cast %mul3A_1423 : i32 to index
        %get3A_1429 = tpu.vector_load %arg11[%get3A_1426, %get3A_1427, %get3A_1428] {strides = array<i32>} : memref<2x40x1024xf32, #tpu.memory_space<vmem>>, vector<16xf32>,
        %mul3A_1430 = arith.constant 16 : i32
        %mul3A_1431 = arith.muli %scan3A_1245, %mul3A_1430 : i32
        %get3A_1432 = arith.constant 0 : i32
        %get3A_1433 = arith.constant 39 : i32
        %get3A_1434 = arith.index_cast %get3A_1432 : i32 to index
        %get3A_1435 = arith.index_cast %get3A_1433 : i32 to index
        %get3A_1436 = arith.index_cast %mul3A_1431 : i32 to index
        %get3A_1437 = tpu.vector_load %arg11[%get3A_1434, %get3A_1435, %get3A_1436] {strides = array<i32>} : memref<2x40x1024xf32, #tpu.memory_space<vmem>>, vector<16xf32>,
        %mul3A_1438 = arith.constant 16 : i32
        %mul3A_1439 = arith.muli %scan3A_1245, %mul3A_1438 : i32
        %get3A_1440 = arith.index_cast %mul3A_1149 : i32 to index
        %get3A_1441 = arith.index_cast %mul3A_1439 : i32 to index
        %get3A_1442 = tpu.vector_load %arg12[%get3A_1440, %get3A_1441] {strides = array<i32>} : memref<16x1024xf32, #tpu.memory_space<vmem>>, vector<16xf32>,
        %max3A_1443 = arith.maximumf %get3A_1253, %get3A_1261 : vector<16xf32>
        %max3A_1444 = arith.maximumf %get3A_1269, %get3A_1277 : vector<16xf32>
        %max3A_1445 = arith.maximumf %get3A_1285, %get3A_1293 : vector<16xf32>
        %max3A_1446 = arith.maximumf %get3A_1301, %get3A_1309 : vector<16xf32>
        %max3A_1447 = arith.maximumf %get3A_1317, %get3A_1325 : vector<16xf32>
        %max3A_1448 = arith.maximumf %get3A_1333, %get3A_1341 : vector<16xf32>
        %max3A_1449 = arith.maximumf %get3A_1349, %get3A_1357 : vector<16xf32>
        %max3A_1450 = arith.maximumf %get3A_1365, %get3A_1373 : vector<16xf32>
        %max3A_1451 = arith.maximumf %get3A_1381, %get3A_1389 : vector<16xf32>
        %max3A_1452 = arith.maximumf %get3A_1397, %get3A_1405 : vector<16xf32>
        %max3A_1453 = arith.maximumf %get3A_1413, %get3A_1421 : vector<16xf32>
        %max3A_1454 = arith.maximumf %get3A_1429, %get3A_1437 : vector<16xf32>
        %max3A_1455 = arith.maximumf %max3A_1443, %max3A_1444 : vector<16xf32>
        %max3A_1456 = arith.maximumf %max3A_1445, %max3A_1446 : vector<16xf32>
        %max3A_1457 = arith.maximumf %max3A_1447, %max3A_1448 : vector<16xf32>
        %max3A_1458 = arith.maximumf %max3A_1449, %max3A_1450 : vector<16xf32>
        %max3A_1459 = arith.maximumf %max3A_1451, %max3A_1452 : vector<16xf32>
        %max3A_1460 = arith.maximumf %max3A_1453, %max3A_1454 : vector<16xf32>
        %max3A_1461 = arith.maximumf %max3A_1455, %max3A_1456 : vector<16xf32>
        %max3A_1462 = arith.maximumf %max3A_1457, %max3A_1458 : vector<16xf32>
        %max3A_1463 = arith.maximumf %max3A_1459, %max3A_1460 : vector<16xf32>
        %max3A_1464 = arith.maximumf %max3A_1461, %max3A_1462 : vector<16xf32>
        %max3A_1465 = arith.maximumf %max3A_1463, %get3A_1442 : vector<16xf32>
        %max3A_1466 = arith.maximumf %max3A_1464, %max3A_1465 : vector<16xf32>
        %mul3A_1467 = arith.constant 16 : i32
        %mul3A_1468 = arith.muli %scan3A_1245, %mul3A_1467 : i32
        %swap3A = arith.index_cast %mul3A_1149 : i32 to index
        %swap3A_1469 = arith.index_cast %mul3A_1468 : i32 to index
        %swap3A_1470 = tpu.vector_load %arg12[%swap3A, %swap3A_1469] {strides = array<i32>} : memref<16x1024xf32, #tpu.memory_space<vmem>>, vector<16xf32>,
        tpu.vector_store %arg12[%swap3A, %swap3A_1469], %max3A_1466 {strides = array<i32>} : memref<16x1024xf32, #tpu.memory_space<vmem>>, vector<16xf32>,
      }
      %scan3A_1206 = arith.constant 64 : i32
      %lt3A = arith.constant 7 : i32
      %lt3A_1207 = arith.cmpi slt, %scan3A_1147, %lt3A : i32
      %convert_element_type3A = arith.extui %lt3A_1207 : i1 to i32
      %cond3A = arith.constant 0 : i32
      %cond3A_1208 = arith.cmpi ne, %convert_element_type3A, %cond3A : i32
      scf.if %cond3A_1208 {
        %add3A_1245 = arith.constant 2 : i32
        %add3A_1246 = arith.addi %mul3A_1149, %add3A_1245 : i32
        %mul3A_1247 = arith.constant 16 : i32
        %mul3A_1248 = arith.muli %add3A_1246, %mul3A_1247 : i32
        %mul3A_1249 = arith.constant 24 : i32
        %mul3A_1250 = arith.muli %add3A_1246, %mul3A_1249 : i32
        %dma_start3A_1251 = arith.constant 0 : i32
        %dma_start3A_1252 = arith.constant 0 : i32
        %dma_start3A_1253 = arith.constant 0 : i32
        %dma_start3A_1254 = tpu.memref_slice %arg11[%dma_start3A_1251, %dma_start3A_1252, %dma_start3A_1253] : memref<2x40x1024xf32, #tpu.memory_space<vmem>> -> memref<1x16x1024xf32, #tpu.memory_space<vmem>>
        %dma_start3A_1255 = tpu.memref_squeeze %dma_start3A_1254 : memref<1x16x1024xf32, #tpu.memory_space<vmem>> -> memref<16x1024xf32, #tpu.memory_space<vmem>>
        %dma_start3A_1256 = tpu.memref_slice %arg9[%mul3A_1248] : memref<256xi32, #tpu.memory_space<vmem>> -> memref<16xi32, #tpu.memory_space<vmem>>
        %dma_start3A_1257 = arith.constant 0 : i32
        %dma_start3A_1258 = arith.constant 0 : i32
        %dma_start3A_1259 = tpu.memref_slice %arg2[%dma_start3A_1257, %dma_start3A_1258] : memref<16384x1024xf32, #tpu.memory_space<hbm>> -> memref<16384x1024xf32, #tpu.memory_space<hbm>>
        tpu.enqueue_indirect_dma source(%dma_start3A_1259 : memref<16384x1024xf32, #tpu.memory_space<hbm>>) target(%dma_start3A_1255 : memref<16x1024xf32, #tpu.memory_space<vmem>>) offsets(%dma_start3A_1256 : memref<16xi32, #tpu.memory_space<vmem>>) semaphore(%arg13 : memref<!tpu.dma_semaphore, #tpu.memory_space<semaphore_mem>>)
        %dma_start3A_1260 = arith.constant 0 : i32
        %dma_start3A_1261 = arith.constant 16 : i32
        %dma_start3A_1262 = arith.constant 0 : i32
        %dma_start3A_1263 = tpu.memref_slice %arg11[%dma_start3A_1260, %dma_start3A_1261, %dma_start3A_1262] : memref<2x40x1024xf32, #tpu.memory_space<vmem>> -> memref<1x24x1024xf32, #tpu.memory_space<vmem>>
        %dma_start3A_1264 = tpu.memref_squeeze %dma_start3A_1263 : memref<1x24x1024xf32, #tpu.memory_space<vmem>> -> memref<24x1024xf32, #tpu.memory_space<vmem>>
        %dma_start3A_1265 = tpu.memref_slice %arg10[%mul3A_1250] : memref<384xi32, #tpu.memory_space<vmem>> -> memref<24xi32, #tpu.memory_space<vmem>>
        %dma_start3A_1266 = arith.constant 0 : i32
        %dma_start3A_1267 = arith.constant 0 : i32
        %dma_start3A_1268 = tpu.memref_slice %arg3[%dma_start3A_1266, %dma_start3A_1267] : memref<7056x1024xf32, #tpu.memory_space<hbm>> -> memref<7056x1024xf32, #tpu.memory_space<hbm>>
        tpu.enqueue_indirect_dma source(%dma_start3A_1268 : memref<7056x1024xf32, #tpu.memory_space<hbm>>) target(%dma_start3A_1264 : memref<24x1024xf32, #tpu.memory_space<vmem>>) offsets(%dma_start3A_1265 : memref<24xi32, #tpu.memory_space<vmem>>) semaphore(%arg14 : memref<!tpu.dma_semaphore, #tpu.memory_space<semaphore_mem>>)
      } else {
      }
      %add3A_1209 = arith.constant 1 : i32
      %add3A_1210 = arith.addi %mul3A_1149, %add3A_1209 : i32
      %mul3A_1211 = arith.constant 16 : i32
      %mul3A_1212 = arith.muli %add3A_1210, %mul3A_1211 : i32
      %mul3A_1213 = arith.constant 24 : i32
      %mul3A_1214 = arith.muli %add3A_1210, %mul3A_1213 : i32
      %dma_wait3A_1215 = arith.constant 1 : i32
      %dma_wait3A_1216 = arith.constant 0 : i32
      %dma_wait3A_1217 = arith.constant 0 : i32
      %dma_wait3A_1218 = tpu.memref_slice %arg11[%dma_wait3A_1215, %dma_wait3A_1216, %dma_wait3A_1217] : memref<2x40x1024xf32, #tpu.memory_space<vmem>> -> memref<1x16x1024xf32, #tpu.memory_space<vmem>>
      %dma_wait3A_1219 = tpu.memref_squeeze %dma_wait3A_1218 : memref<1x16x1024xf32, #tpu.memory_space<vmem>> -> memref<16x1024xf32, #tpu.memory_space<vmem>>
      %dma_wait3A_1220 = tpu.memref_slice %arg9[%mul3A_1212] : memref<256xi32, #tpu.memory_space<vmem>> -> memref<16xi32, #tpu.memory_space<vmem>>
      %dma_wait3A_1221 = arith.constant 0 : i32
      %dma_wait3A_1222 = arith.constant 0 : i32
      %dma_wait3A_1223 = tpu.memref_slice %arg2[%dma_wait3A_1221, %dma_wait3A_1222] : memref<16384x1024xf32, #tpu.memory_space<hbm>> -> memref<16384x1024xf32, #tpu.memory_space<hbm>>
      tpu.wait_indirect_dma semaphore(%arg15 : memref<!tpu.dma_semaphore, #tpu.memory_space<semaphore_mem>>) src(%dma_wait3A_1223 : memref<16384x1024xf32, #tpu.memory_space<hbm>>) dst(%dma_wait3A_1219 : memref<16x1024xf32, #tpu.memory_space<vmem>>)
      %scan3A_1224 = arith.constant 0 : i32
      %scan3A_1225 = arith.constant 0 : i32
      %scan3A_1226 = arith.constant 64 : i32
      %scan3A_1227 = arith.addi %scan3A_1225, %scan3A_1226 : i32
      %scan3A_1228 = arith.constant 1 : i32
      scf.for %scan3A_1245 = %scan3A_1225 to %scan3A_1227 step %scan3A_1228  : i32 {
        %mul3A_1246 = arith.constant 16 : i32
        %mul3A_1247 = arith.muli %scan3A_1245, %mul3A_1246 : i32
        %get3A_1248 = arith.constant 1 : i32
        %get3A_1249 = arith.constant 0 : i32
        %get3A_1250 = arith.index_cast %get3A_1248 : i32 to index
        %get3A_1251 = arith.index_cast %get3A_1249 : i32 to index
        %get3A_1252 = arith.index_cast %mul3A_1247 : i32 to index
        %get3A_1253 = tpu.vector_load %arg11[%get3A_1250, %get3A_1251, %get3A_1252] {strides = array<i32>} : memref<2x40x1024xf32, #tpu.memory_space<vmem>>, vector<16xf32>,
        %mul3A_1254 = arith.constant 16 : i32
        %mul3A_1255 = arith.muli %scan3A_1245, %mul3A_1254 : i32
        %get3A_1256 = arith.constant 1 : i32
        %get3A_1257 = arith.constant 1 : i32
        %get3A_1258 = arith.index_cast %get3A_1256 : i32 to index
        %get3A_1259 = arith.index_cast %get3A_1257 : i32 to index
        %get3A_1260 = arith.index_cast %mul3A_1255 : i32 to index
        %get3A_1261 = tpu.vector_load %arg11[%get3A_1258, %get3A_1259, %get3A_1260] {strides = array<i32>} : memref<2x40x1024xf32, #tpu.memory_space<vmem>>, vector<16xf32>,
        %mul3A_1262 = arith.constant 16 : i32
        %mul3A_1263 = arith.muli %scan3A_1245, %mul3A_1262 : i32
        %get3A_1264 = arith.constant 1 : i32
        %get3A_1265 = arith.constant 2 : i32
        %get3A_1266 = arith.index_cast %get3A_1264 : i32 to index
        %get3A_1267 = arith.index_cast %get3A_1265 : i32 to index
        %get3A_1268 = arith.index_cast %mul3A_1263 : i32 to index
        %get3A_1269 = tpu.vector_load %arg11[%get3A_1266, %get3A_1267, %get3A_1268] {strides = array<i32>} : memref<2x40x1024xf32, #tpu.memory_space<vmem>>, vector<16xf32>,
        %mul3A_1270 = arith.constant 16 : i32
        %mul3A_1271 = arith.muli %scan3A_1245, %mul3A_1270 : i32
        %get3A_1272 = arith.constant 1 : i32
        %get3A_1273 = arith.constant 3 : i32
        %get3A_1274 = arith.index_cast %get3A_1272 : i32 to index
        %get3A_1275 = arith.index_cast %get3A_1273 : i32 to index
        %get3A_1276 = arith.index_cast %mul3A_1271 : i32 to index
        %get3A_1277 = tpu.vector_load %arg11[%get3A_1274, %get3A_1275, %get3A_1276] {strides = array<i32>} : memref<2x40x1024xf32, #tpu.memory_space<vmem>>, vector<16xf32>,
        %mul3A_1278 = arith.constant 16 : i32
        %mul3A_1279 = arith.muli %scan3A_1245, %mul3A_1278 : i32
        %get3A_1280 = arith.constant 1 : i32
        %get3A_1281 = arith.constant 4 : i32
        %get3A_1282 = arith.index_cast %get3A_1280 : i32 to index
        %get3A_1283 = arith.index_cast %get3A_1281 : i32 to index
        %get3A_1284 = arith.index_cast %mul3A_1279 : i32 to index
        %get3A_1285 = tpu.vector_load %arg11[%get3A_1282, %get3A_1283, %get3A_1284] {strides = array<i32>} : memref<2x40x1024xf32, #tpu.memory_space<vmem>>, vector<16xf32>,
        %mul3A_1286 = arith.constant 16 : i32
        %mul3A_1287 = arith.muli %scan3A_1245, %mul3A_1286 : i32
        %get3A_1288 = arith.constant 1 : i32
        %get3A_1289 = arith.constant 5 : i32
        %get3A_1290 = arith.index_cast %get3A_1288 : i32 to index
        %get3A_1291 = arith.index_cast %get3A_1289 : i32 to index
        %get3A_1292 = arith.index_cast %mul3A_1287 : i32 to index
        %get3A_1293 = tpu.vector_load %arg11[%get3A_1290, %get3A_1291, %get3A_1292] {strides = array<i32>} : memref<2x40x1024xf32, #tpu.memory_space<vmem>>, vector<16xf32>,
        %mul3A_1294 = arith.constant 16 : i32
        %mul3A_1295 = arith.muli %scan3A_1245, %mul3A_1294 : i32
        %get3A_1296 = arith.constant 1 : i32
        %get3A_1297 = arith.constant 6 : i32
        %get3A_1298 = arith.index_cast %get3A_1296 : i32 to index
        %get3A_1299 = arith.index_cast %get3A_1297 : i32 to index
        %get3A_1300 = arith.index_cast %mul3A_1295 : i32 to index
        %get3A_1301 = tpu.vector_load %arg11[%get3A_1298, %get3A_1299, %get3A_1300] {strides = array<i32>} : memref<2x40x1024xf32, #tpu.memory_space<vmem>>, vector<16xf32>,
        %mul3A_1302 = arith.constant 16 : i32
        %mul3A_1303 = arith.muli %scan3A_1245, %mul3A_1302 : i32
        %get3A_1304 = arith.constant 1 : i32
        %get3A_1305 = arith.constant 7 : i32
        %get3A_1306 = arith.index_cast %get3A_1304 : i32 to index
        %get3A_1307 = arith.index_cast %get3A_1305 : i32 to index
        %get3A_1308 = arith.index_cast %mul3A_1303 : i32 to index
        %get3A_1309 = tpu.vector_load %arg11[%get3A_1306, %get3A_1307, %get3A_1308] {strides = array<i32>} : memref<2x40x1024xf32, #tpu.memory_space<vmem>>, vector<16xf32>,
        %mul3A_1310 = arith.constant 16 : i32
        %mul3A_1311 = arith.muli %scan3A_1245, %mul3A_1310 : i32
        %get3A_1312 = arith.constant 1 : i32
        %get3A_1313 = arith.constant 8 : i32
        %get3A_1314 = arith.index_cast %get3A_1312 : i32 to index
        %get3A_1315 = arith.index_cast %get3A_1313 : i32 to index
        %get3A_1316 = arith.index_cast %mul3A_1311 : i32 to index
        %get3A_1317 = tpu.vector_load %arg11[%get3A_1314, %get3A_1315, %get3A_1316] {strides = array<i32>} : memref<2x40x1024xf32, #tpu.memory_space<vmem>>, vector<16xf32>,
        %mul3A_1318 = arith.constant 16 : i32
        %mul3A_1319 = arith.muli %scan3A_1245, %mul3A_1318 : i32
        %get3A_1320 = arith.constant 1 : i32
        %get3A_1321 = arith.constant 9 : i32
        %get3A_1322 = arith.index_cast %get3A_1320 : i32 to index
        %get3A_1323 = arith.index_cast %get3A_1321 : i32 to index
        %get3A_1324 = arith.index_cast %mul3A_1319 : i32 to index
        %get3A_1325 = tpu.vector_load %arg11[%get3A_1322, %get3A_1323, %get3A_1324] {strides = array<i32>} : memref<2x40x1024xf32, #tpu.memory_space<vmem>>, vector<16xf32>,
        %mul3A_1326 = arith.constant 16 : i32
        %mul3A_1327 = arith.muli %scan3A_1245, %mul3A_1326 : i32
        %get3A_1328 = arith.constant 1 : i32
        %get3A_1329 = arith.constant 10 : i32
        %get3A_1330 = arith.index_cast %get3A_1328 : i32 to index
        %get3A_1331 = arith.index_cast %get3A_1329 : i32 to index
        %get3A_1332 = arith.index_cast %mul3A_1327 : i32 to index
        %get3A_1333 = tpu.vector_load %arg11[%get3A_1330, %get3A_1331, %get3A_1332] {strides = array<i32>} : memref<2x40x1024xf32, #tpu.memory_space<vmem>>, vector<16xf32>,
        %mul3A_1334 = arith.constant 16 : i32
        %mul3A_1335 = arith.muli %scan3A_1245, %mul3A_1334 : i32
        %get3A_1336 = arith.constant 1 : i32
        %get3A_1337 = arith.constant 11 : i32
        %get3A_1338 = arith.index_cast %get3A_1336 : i32 to index
        %get3A_1339 = arith.index_cast %get3A_1337 : i32 to index
        %get3A_1340 = arith.index_cast %mul3A_1335 : i32 to index
        %get3A_1341 = tpu.vector_load %arg11[%get3A_1338, %get3A_1339, %get3A_1340] {strides = array<i32>} : memref<2x40x1024xf32, #tpu.memory_space<vmem>>, vector<16xf32>,
        %mul3A_1342 = arith.constant 16 : i32
        %mul3A_1343 = arith.muli %scan3A_1245, %mul3A_1342 : i32
        %get3A_1344 = arith.constant 1 : i32
        %get3A_1345 = arith.constant 12 : i32
        %get3A_1346 = arith.index_cast %get3A_1344 : i32 to index
        %get3A_1347 = arith.index_cast %get3A_1345 : i32 to index
        %get3A_1348 = arith.index_cast %mul3A_1343 : i32 to index
        %get3A_1349 = tpu.vector_load %arg11[%get3A_1346, %get3A_1347, %get3A_1348] {strides = array<i32>} : memref<2x40x1024xf32, #tpu.memory_space<vmem>>, vector<16xf32>,
        %mul3A_1350 = arith.constant 16 : i32
        %mul3A_1351 = arith.muli %scan3A_1245, %mul3A_1350 : i32
        %get3A_1352 = arith.constant 1 : i32
        %get3A_1353 = arith.constant 13 : i32
        %get3A_1354 = arith.index_cast %get3A_1352 : i32 to index
        %get3A_1355 = arith.index_cast %get3A_1353 : i32 to index
        %get3A_1356 = arith.index_cast %mul3A_1351 : i32 to index
        %get3A_1357 = tpu.vector_load %arg11[%get3A_1354, %get3A_1355, %get3A_1356] {strides = array<i32>} : memref<2x40x1024xf32, #tpu.memory_space<vmem>>, vector<16xf32>,
        %mul3A_1358 = arith.constant 16 : i32
        %mul3A_1359 = arith.muli %scan3A_1245, %mul3A_1358 : i32
        %get3A_1360 = arith.constant 1 : i32
        %get3A_1361 = arith.constant 14 : i32
        %get3A_1362 = arith.index_cast %get3A_1360 : i32 to index
        %get3A_1363 = arith.index_cast %get3A_1361 : i32 to index
        %get3A_1364 = arith.index_cast %mul3A_1359 : i32 to index
        %get3A_1365 = tpu.vector_load %arg11[%get3A_1362, %get3A_1363, %get3A_1364] {strides = array<i32>} : memref<2x40x1024xf32, #tpu.memory_space<vmem>>, vector<16xf32>,
        %mul3A_1366 = arith.constant 16 : i32
        %mul3A_1367 = arith.muli %scan3A_1245, %mul3A_1366 : i32
        %get3A_1368 = arith.constant 1 : i32
        %get3A_1369 = arith.constant 15 : i32
        %get3A_1370 = arith.index_cast %get3A_1368 : i32 to index
        %get3A_1371 = arith.index_cast %get3A_1369 : i32 to index
        %get3A_1372 = arith.index_cast %mul3A_1367 : i32 to index
        %get3A_1373 = tpu.vector_load %arg11[%get3A_1370, %get3A_1371, %get3A_1372] {strides = array<i32>} : memref<2x40x1024xf32, #tpu.memory_space<vmem>>, vector<16xf32>,
        %max3A_1374 = arith.maximumf %get3A_1253, %get3A_1261 : vector<16xf32>
        %max3A_1375 = arith.maximumf %get3A_1269, %get3A_1277 : vector<16xf32>
        %max3A_1376 = arith.maximumf %get3A_1285, %get3A_1293 : vector<16xf32>
        %max3A_1377 = arith.maximumf %get3A_1301, %get3A_1309 : vector<16xf32>
        %max3A_1378 = arith.maximumf %get3A_1317, %get3A_1325 : vector<16xf32>
        %max3A_1379 = arith.maximumf %get3A_1333, %get3A_1341 : vector<16xf32>
        %max3A_1380 = arith.maximumf %get3A_1349, %get3A_1357 : vector<16xf32>
        %max3A_1381 = arith.maximumf %get3A_1365, %get3A_1373 : vector<16xf32>
        %max3A_1382 = arith.maximumf %max3A_1374, %max3A_1375 : vector<16xf32>
        %max3A_1383 = arith.maximumf %max3A_1376, %max3A_1377 : vector<16xf32>
        %max3A_1384 = arith.maximumf %max3A_1378, %max3A_1379 : vector<16xf32>
        %max3A_1385 = arith.maximumf %max3A_1380, %max3A_1381 : vector<16xf32>
        %max3A_1386 = arith.maximumf %max3A_1382, %max3A_1383 : vector<16xf32>
        %max3A_1387 = arith.maximumf %max3A_1384, %max3A_1385 : vector<16xf32>
        %max3A_1388 = arith.maximumf %max3A_1386, %max3A_1387 : vector<16xf32>
        %mul3A_1389 = arith.constant 16 : i32
        %mul3A_1390 = arith.muli %scan3A_1245, %mul3A_1389 : i32
        %swap3A = arith.index_cast %add3A_1210 : i32 to index
        %swap3A_1391 = arith.index_cast %mul3A_1390 : i32 to index
        %swap3A_1392 = tpu.vector_load %arg12[%swap3A, %swap3A_1391] {strides = array<i32>} : memref<16x1024xf32, #tpu.memory_space<vmem>>, vector<16xf32>,
        tpu.vector_store %arg12[%swap3A, %swap3A_1391], %max3A_1388 {strides = array<i32>} : memref<16x1024xf32, #tpu.memory_space<vmem>>, vector<16xf32>,
      }
      %scan3A_1229 = arith.constant 64 : i32
      %dma_wait3A_1230 = arith.constant 1 : i32
      %dma_wait3A_1231 = arith.constant 16 : i32
      %dma_wait3A_1232 = arith.constant 0 : i32
      %dma_wait3A_1233 = tpu.memref_slice %arg11[%dma_wait3A_1230, %dma_wait3A_1231, %dma_wait3A_1232] : memref<2x40x1024xf32, #tpu.memory_space<vmem>> -> memref<1x24x1024xf32, #tpu.memory_space<vmem>>
      %dma_wait3A_1234 = tpu.memref_squeeze %dma_wait3A_1233 : memref<1x24x1024xf32, #tpu.memory_space<vmem>> -> memref<24x1024xf32, #tpu.memory_space<vmem>>
      %dma_wait3A_1235 = tpu.memref_slice %arg10[%mul3A_1214] : memref<384xi32, #tpu.memory_space<vmem>> -> memref<24xi32, #tpu.memory_space<vmem>>
      %dma_wait3A_1236 = arith.constant 0 : i32
      %dma_wait3A_1237 = arith.constant 0 : i32
      %dma_wait3A_1238 = tpu.memref_slice %arg3[%dma_wait3A_1236, %dma_wait3A_1237] : memref<7056x1024xf32, #tpu.memory_space<hbm>> -> memref<7056x1024xf32, #tpu.memory_space<hbm>>
      tpu.wait_indirect_dma semaphore(%arg16 : memref<!tpu.dma_semaphore, #tpu.memory_space<semaphore_mem>>) src(%dma_wait3A_1238 : memref<7056x1024xf32, #tpu.memory_space<hbm>>) dst(%dma_wait3A_1234 : memref<24x1024xf32, #tpu.memory_space<vmem>>)
      %scan3A_1239 = arith.constant 0 : i32
      %scan3A_1240 = arith.constant 0 : i32
      %scan3A_1241 = arith.constant 64 : i32
      %scan3A_1242 = arith.addi %scan3A_1240, %scan3A_1241 : i32
      %scan3A_1243 = arith.constant 1 : i32
      scf.for %scan3A_1245 = %scan3A_1240 to %scan3A_1242 step %scan3A_1243  : i32 {
        %mul3A_1246 = arith.constant 16 : i32
        %mul3A_1247 = arith.muli %scan3A_1245, %mul3A_1246 : i32
        %get3A_1248 = arith.constant 1 : i32
        %get3A_1249 = arith.constant 16 : i32
        %get3A_1250 = arith.index_cast %get3A_1248 : i32 to index
        %get3A_1251 = arith.index_cast %get3A_1249 : i32 to index
        %get3A_1252 = arith.index_cast %mul3A_1247 : i32 to index
        %get3A_1253 = tpu.vector_load %arg11[%get3A_1250, %get3A_1251, %get3A_1252] {strides = array<i32>} : memref<2x40x1024xf32, #tpu.memory_space<vmem>>, vector<16xf32>,
        %mul3A_1254 = arith.constant 16 : i32
        %mul3A_1255 = arith.muli %scan3A_1245, %mul3A_1254 : i32
        %get3A_1256 = arith.constant 1 : i32
        %get3A_1257 = arith.constant 17 : i32
        %get3A_1258 = arith.index_cast %get3A_1256 : i32 to index
        %get3A_1259 = arith.index_cast %get3A_1257 : i32 to index
        %get3A_1260 = arith.index_cast %mul3A_1255 : i32 to index
        %get3A_1261 = tpu.vector_load %arg11[%get3A_1258, %get3A_1259, %get3A_1260] {strides = array<i32>} : memref<2x40x1024xf32, #tpu.memory_space<vmem>>, vector<16xf32>,
        %mul3A_1262 = arith.constant 16 : i32
        %mul3A_1263 = arith.muli %scan3A_1245, %mul3A_1262 : i32
        %get3A_1264 = arith.constant 1 : i32
        %get3A_1265 = arith.constant 18 : i32
        %get3A_1266 = arith.index_cast %get3A_1264 : i32 to index
        %get3A_1267 = arith.index_cast %get3A_1265 : i32 to index
        %get3A_1268 = arith.index_cast %mul3A_1263 : i32 to index
        %get3A_1269 = tpu.vector_load %arg11[%get3A_1266, %get3A_1267, %get3A_1268] {strides = array<i32>} : memref<2x40x1024xf32, #tpu.memory_space<vmem>>, vector<16xf32>,
        %mul3A_1270 = arith.constant 16 : i32
        %mul3A_1271 = arith.muli %scan3A_1245, %mul3A_1270 : i32
        %get3A_1272 = arith.constant 1 : i32
        %get3A_1273 = arith.constant 19 : i32
        %get3A_1274 = arith.index_cast %get3A_1272 : i32 to index
        %get3A_1275 = arith.index_cast %get3A_1273 : i32 to index
        %get3A_1276 = arith.index_cast %mul3A_1271 : i32 to index
        %get3A_1277 = tpu.vector_load %arg11[%get3A_1274, %get3A_1275, %get3A_1276] {strides = array<i32>} : memref<2x40x1024xf32, #tpu.memory_space<vmem>>, vector<16xf32>,
        %mul3A_1278 = arith.constant 16 : i32
        %mul3A_1279 = arith.muli %scan3A_1245, %mul3A_1278 : i32
        %get3A_1280 = arith.constant 1 : i32
        %get3A_1281 = arith.constant 20 : i32
        %get3A_1282 = arith.index_cast %get3A_1280 : i32 to index
        %get3A_1283 = arith.index_cast %get3A_1281 : i32 to index
        %get3A_1284 = arith.index_cast %mul3A_1279 : i32 to index
        %get3A_1285 = tpu.vector_load %arg11[%get3A_1282, %get3A_1283, %get3A_1284] {strides = array<i32>} : memref<2x40x1024xf32, #tpu.memory_space<vmem>>, vector<16xf32>,
        %mul3A_1286 = arith.constant 16 : i32
        %mul3A_1287 = arith.muli %scan3A_1245, %mul3A_1286 : i32
        %get3A_1288 = arith.constant 1 : i32
        %get3A_1289 = arith.constant 21 : i32
        %get3A_1290 = arith.index_cast %get3A_1288 : i32 to index
        %get3A_1291 = arith.index_cast %get3A_1289 : i32 to index
        %get3A_1292 = arith.index_cast %mul3A_1287 : i32 to index
        %get3A_1293 = tpu.vector_load %arg11[%get3A_1290, %get3A_1291, %get3A_1292] {strides = array<i32>} : memref<2x40x1024xf32, #tpu.memory_space<vmem>>, vector<16xf32>,
        %mul3A_1294 = arith.constant 16 : i32
        %mul3A_1295 = arith.muli %scan3A_1245, %mul3A_1294 : i32
        %get3A_1296 = arith.constant 1 : i32
        %get3A_1297 = arith.constant 22 : i32
        %get3A_1298 = arith.index_cast %get3A_1296 : i32 to index
        %get3A_1299 = arith.index_cast %get3A_1297 : i32 to index
        %get3A_1300 = arith.index_cast %mul3A_1295 : i32 to index
        %get3A_1301 = tpu.vector_load %arg11[%get3A_1298, %get3A_1299, %get3A_1300] {strides = array<i32>} : memref<2x40x1024xf32, #tpu.memory_space<vmem>>, vector<16xf32>,
        %mul3A_1302 = arith.constant 16 : i32
        %mul3A_1303 = arith.muli %scan3A_1245, %mul3A_1302 : i32
        %get3A_1304 = arith.constant 1 : i32
        %get3A_1305 = arith.constant 23 : i32
        %get3A_1306 = arith.index_cast %get3A_1304 : i32 to index
        %get3A_1307 = arith.index_cast %get3A_1305 : i32 to index
        %get3A_1308 = arith.index_cast %mul3A_1303 : i32 to index
        %get3A_1309 = tpu.vector_load %arg11[%get3A_1306, %get3A_1307, %get3A_1308] {strides = array<i32>} : memref<2x40x1024xf32, #tpu.memory_space<vmem>>, vector<16xf32>,
        %mul3A_1310 = arith.constant 16 : i32
        %mul3A_1311 = arith.muli %scan3A_1245, %mul3A_1310 : i32
        %get3A_1312 = arith.constant 1 : i32
        %get3A_1313 = arith.constant 24 : i32
        %get3A_1314 = arith.index_cast %get3A_1312 : i32 to index
        %get3A_1315 = arith.index_cast %get3A_1313 : i32 to index
        %get3A_1316 = arith.index_cast %mul3A_1311 : i32 to index
        %get3A_1317 = tpu.vector_load %arg11[%get3A_1314, %get3A_1315, %get3A_1316] {strides = array<i32>} : memref<2x40x1024xf32, #tpu.memory_space<vmem>>, vector<16xf32>,
        %mul3A_1318 = arith.constant 16 : i32
        %mul3A_1319 = arith.muli %scan3A_1245, %mul3A_1318 : i32
        %get3A_1320 = arith.constant 1 : i32
        %get3A_1321 = arith.constant 25 : i32
        %get3A_1322 = arith.index_cast %get3A_1320 : i32 to index
        %get3A_1323 = arith.index_cast %get3A_1321 : i32 to index
        %get3A_1324 = arith.index_cast %mul3A_1319 : i32 to index
        %get3A_1325 = tpu.vector_load %arg11[%get3A_1322, %get3A_1323, %get3A_1324] {strides = array<i32>} : memref<2x40x1024xf32, #tpu.memory_space<vmem>>, vector<16xf32>,
        %mul3A_1326 = arith.constant 16 : i32
        %mul3A_1327 = arith.muli %scan3A_1245, %mul3A_1326 : i32
        %get3A_1328 = arith.constant 1 : i32
        %get3A_1329 = arith.constant 26 : i32
        %get3A_1330 = arith.index_cast %get3A_1328 : i32 to index
        %get3A_1331 = arith.index_cast %get3A_1329 : i32 to index
        %get3A_1332 = arith.index_cast %mul3A_1327 : i32 to index
        %get3A_1333 = tpu.vector_load %arg11[%get3A_1330, %get3A_1331, %get3A_1332] {strides = array<i32>} : memref<2x40x1024xf32, #tpu.memory_space<vmem>>, vector<16xf32>,
        %mul3A_1334 = arith.constant 16 : i32
        %mul3A_1335 = arith.muli %scan3A_1245, %mul3A_1334 : i32
        %get3A_1336 = arith.constant 1 : i32
        %get3A_1337 = arith.constant 27 : i32
        %get3A_1338 = arith.index_cast %get3A_1336 : i32 to index
        %get3A_1339 = arith.index_cast %get3A_1337 : i32 to index
        %get3A_1340 = arith.index_cast %mul3A_1335 : i32 to index
        %get3A_1341 = tpu.vector_load %arg11[%get3A_1338, %get3A_1339, %get3A_1340] {strides = array<i32>} : memref<2x40x1024xf32, #tpu.memory_space<vmem>>, vector<16xf32>,
        %mul3A_1342 = arith.constant 16 : i32
        %mul3A_1343 = arith.muli %scan3A_1245, %mul3A_1342 : i32
        %get3A_1344 = arith.constant 1 : i32
        %get3A_1345 = arith.constant 28 : i32
        %get3A_1346 = arith.index_cast %get3A_1344 : i32 to index
        %get3A_1347 = arith.index_cast %get3A_1345 : i32 to index
        %get3A_1348 = arith.index_cast %mul3A_1343 : i32 to index
        %get3A_1349 = tpu.vector_load %arg11[%get3A_1346, %get3A_1347, %get3A_1348] {strides = array<i32>} : memref<2x40x1024xf32, #tpu.memory_space<vmem>>, vector<16xf32>,
        %mul3A_1350 = arith.constant 16 : i32
        %mul3A_1351 = arith.muli %scan3A_1245, %mul3A_1350 : i32
        %get3A_1352 = arith.constant 1 : i32
        %get3A_1353 = arith.constant 29 : i32
        %get3A_1354 = arith.index_cast %get3A_1352 : i32 to index
        %get3A_1355 = arith.index_cast %get3A_1353 : i32 to index
        %get3A_1356 = arith.index_cast %mul3A_1351 : i32 to index
        %get3A_1357 = tpu.vector_load %arg11[%get3A_1354, %get3A_1355, %get3A_1356] {strides = array<i32>} : memref<2x40x1024xf32, #tpu.memory_space<vmem>>, vector<16xf32>,
        %mul3A_1358 = arith.constant 16 : i32
        %mul3A_1359 = arith.muli %scan3A_1245, %mul3A_1358 : i32
        %get3A_1360 = arith.constant 1 : i32
        %get3A_1361 = arith.constant 30 : i32
        %get3A_1362 = arith.index_cast %get3A_1360 : i32 to index
        %get3A_1363 = arith.index_cast %get3A_1361 : i32 to index
        %get3A_1364 = arith.index_cast %mul3A_1359 : i32 to index
        %get3A_1365 = tpu.vector_load %arg11[%get3A_1362, %get3A_1363, %get3A_1364] {strides = array<i32>} : memref<2x40x1024xf32, #tpu.memory_space<vmem>>, vector<16xf32>,
        %mul3A_1366 = arith.constant 16 : i32
        %mul3A_1367 = arith.muli %scan3A_1245, %mul3A_1366 : i32
        %get3A_1368 = arith.constant 1 : i32
        %get3A_1369 = arith.constant 31 : i32
        %get3A_1370 = arith.index_cast %get3A_1368 : i32 to index
        %get3A_1371 = arith.index_cast %get3A_1369 : i32 to index
        %get3A_1372 = arith.index_cast %mul3A_1367 : i32 to index
        %get3A_1373 = tpu.vector_load %arg11[%get3A_1370, %get3A_1371, %get3A_1372] {strides = array<i32>} : memref<2x40x1024xf32, #tpu.memory_space<vmem>>, vector<16xf32>,
        %mul3A_1374 = arith.constant 16 : i32
        %mul3A_1375 = arith.muli %scan3A_1245, %mul3A_1374 : i32
        %get3A_1376 = arith.constant 1 : i32
        %get3A_1377 = arith.constant 32 : i32
        %get3A_1378 = arith.index_cast %get3A_1376 : i32 to index
        %get3A_1379 = arith.index_cast %get3A_1377 : i32 to index
        %get3A_1380 = arith.index_cast %mul3A_1375 : i32 to index
        %get3A_1381 = tpu.vector_load %arg11[%get3A_1378, %get3A_1379, %get3A_1380] {strides = array<i32>} : memref<2x40x1024xf32, #tpu.memory_space<vmem>>, vector<16xf32>,
        %mul3A_1382 = arith.constant 16 : i32
        %mul3A_1383 = arith.muli %scan3A_1245, %mul3A_1382 : i32
        %get3A_1384 = arith.constant 1 : i32
        %get3A_1385 = arith.constant 33 : i32
        %get3A_1386 = arith.index_cast %get3A_1384 : i32 to index
        %get3A_1387 = arith.index_cast %get3A_1385 : i32 to index
        %get3A_1388 = arith.index_cast %mul3A_1383 : i32 to index
        %get3A_1389 = tpu.vector_load %arg11[%get3A_1386, %get3A_1387, %get3A_1388] {strides = array<i32>} : memref<2x40x1024xf32, #tpu.memory_space<vmem>>, vector<16xf32>,
        %mul3A_1390 = arith.constant 16 : i32
        %mul3A_1391 = arith.muli %scan3A_1245, %mul3A_1390 : i32
        %get3A_1392 = arith.constant 1 : i32
        %get3A_1393 = arith.constant 34 : i32
        %get3A_1394 = arith.index_cast %get3A_1392 : i32 to index
        %get3A_1395 = arith.index_cast %get3A_1393 : i32 to index
        %get3A_1396 = arith.index_cast %mul3A_1391 : i32 to index
        %get3A_1397 = tpu.vector_load %arg11[%get3A_1394, %get3A_1395, %get3A_1396] {strides = array<i32>} : memref<2x40x1024xf32, #tpu.memory_space<vmem>>, vector<16xf32>,
        %mul3A_1398 = arith.constant 16 : i32
        %mul3A_1399 = arith.muli %scan3A_1245, %mul3A_1398 : i32
        %get3A_1400 = arith.constant 1 : i32
        %get3A_1401 = arith.constant 35 : i32
        %get3A_1402 = arith.index_cast %get3A_1400 : i32 to index
        %get3A_1403 = arith.index_cast %get3A_1401 : i32 to index
        %get3A_1404 = arith.index_cast %mul3A_1399 : i32 to index
        %get3A_1405 = tpu.vector_load %arg11[%get3A_1402, %get3A_1403, %get3A_1404] {strides = array<i32>} : memref<2x40x1024xf32, #tpu.memory_space<vmem>>, vector<16xf32>,
        %mul3A_1406 = arith.constant 16 : i32
        %mul3A_1407 = arith.muli %scan3A_1245, %mul3A_1406 : i32
        %get3A_1408 = arith.constant 1 : i32
        %get3A_1409 = arith.constant 36 : i32
        %get3A_1410 = arith.index_cast %get3A_1408 : i32 to index
        %get3A_1411 = arith.index_cast %get3A_1409 : i32 to index
        %get3A_1412 = arith.index_cast %mul3A_1407 : i32 to index
        %get3A_1413 = tpu.vector_load %arg11[%get3A_1410, %get3A_1411, %get3A_1412] {strides = array<i32>} : memref<2x40x1024xf32, #tpu.memory_space<vmem>>, vector<16xf32>,
        %mul3A_1414 = arith.constant 16 : i32
        %mul3A_1415 = arith.muli %scan3A_1245, %mul3A_1414 : i32
        %get3A_1416 = arith.constant 1 : i32
        %get3A_1417 = arith.constant 37 : i32
        %get3A_1418 = arith.index_cast %get3A_1416 : i32 to index
        %get3A_1419 = arith.index_cast %get3A_1417 : i32 to index
        %get3A_1420 = arith.index_cast %mul3A_1415 : i32 to index
        %get3A_1421 = tpu.vector_load %arg11[%get3A_1418, %get3A_1419, %get3A_1420] {strides = array<i32>} : memref<2x40x1024xf32, #tpu.memory_space<vmem>>, vector<16xf32>,
        %mul3A_1422 = arith.constant 16 : i32
        %mul3A_1423 = arith.muli %scan3A_1245, %mul3A_1422 : i32
        %get3A_1424 = arith.constant 1 : i32
        %get3A_1425 = arith.constant 38 : i32
        %get3A_1426 = arith.index_cast %get3A_1424 : i32 to index
        %get3A_1427 = arith.index_cast %get3A_1425 : i32 to index
        %get3A_1428 = arith.index_cast %mul3A_1423 : i32 to index
        %get3A_1429 = tpu.vector_load %arg11[%get3A_1426, %get3A_1427, %get3A_1428] {strides = array<i32>} : memref<2x40x1024xf32, #tpu.memory_space<vmem>>, vector<16xf32>,
        %mul3A_1430 = arith.constant 16 : i32
        %mul3A_1431 = arith.muli %scan3A_1245, %mul3A_1430 : i32
        %get3A_1432 = arith.constant 1 : i32
        %get3A_1433 = arith.constant 39 : i32
        %get3A_1434 = arith.index_cast %get3A_1432 : i32 to index
        %get3A_1435 = arith.index_cast %get3A_1433 : i32 to index
        %get3A_1436 = arith.index_cast %mul3A_1431 : i32 to index
        %get3A_1437 = tpu.vector_load %arg11[%get3A_1434, %get3A_1435, %get3A_1436] {strides = array<i32>} : memref<2x40x1024xf32, #tpu.memory_space<vmem>>, vector<16xf32>,
        %mul3A_1438 = arith.constant 16 : i32
        %mul3A_1439 = arith.muli %scan3A_1245, %mul3A_1438 : i32
        %get3A_1440 = arith.index_cast %add3A_1210 : i32 to index
        %get3A_1441 = arith.index_cast %mul3A_1439 : i32 to index
        %get3A_1442 = tpu.vector_load %arg12[%get3A_1440, %get3A_1441] {strides = array<i32>} : memref<16x1024xf32, #tpu.memory_space<vmem>>, vector<16xf32>,
        %max3A_1443 = arith.maximumf %get3A_1253, %get3A_1261 : vector<16xf32>
        %max3A_1444 = arith.maximumf %get3A_1269, %get3A_1277 : vector<16xf32>
        %max3A_1445 = arith.maximumf %get3A_1285, %get3A_1293 : vector<16xf32>
        %max3A_1446 = arith.maximumf %get3A_1301, %get3A_1309 : vector<16xf32>
        %max3A_1447 = arith.maximumf %get3A_1317, %get3A_1325 : vector<16xf32>
        %max3A_1448 = arith.maximumf %get3A_1333, %get3A_1341 : vector<16xf32>
        %max3A_1449 = arith.maximumf %get3A_1349, %get3A_1357 : vector<16xf32>
        %max3A_1450 = arith.maximumf %get3A_1365, %get3A_1373 : vector<16xf32>
        %max3A_1451 = arith.maximumf %get3A_1381, %get3A_1389 : vector<16xf32>
        %max3A_1452 = arith.maximumf %get3A_1397, %get3A_1405 : vector<16xf32>
        %max3A_1453 = arith.maximumf %get3A_1413, %get3A_1421 : vector<16xf32>
        %max3A_1454 = arith.maximumf %get3A_1429, %get3A_1437 : vector<16xf32>
        %max3A_1455 = arith.maximumf %max3A_1443, %max3A_1444 : vector<16xf32>
        %max3A_1456 = arith.maximumf %max3A_1445, %max3A_1446 : vector<16xf32>
        %max3A_1457 = arith.maximumf %max3A_1447, %max3A_1448 : vector<16xf32>
        %max3A_1458 = arith.maximumf %max3A_1449, %max3A_1450 : vector<16xf32>
        %max3A_1459 = arith.maximumf %max3A_1451, %max3A_1452 : vector<16xf32>
        %max3A_1460 = arith.maximumf %max3A_1453, %max3A_1454 : vector<16xf32>
        %max3A_1461 = arith.maximumf %max3A_1455, %max3A_1456 : vector<16xf32>
        %max3A_1462 = arith.maximumf %max3A_1457, %max3A_1458 : vector<16xf32>
        %max3A_1463 = arith.maximumf %max3A_1459, %max3A_1460 : vector<16xf32>
        %max3A_1464 = arith.maximumf %max3A_1461, %max3A_1462 : vector<16xf32>
        %max3A_1465 = arith.maximumf %max3A_1463, %get3A_1442 : vector<16xf32>
        %max3A_1466 = arith.maximumf %max3A_1464, %max3A_1465 : vector<16xf32>
        %mul3A_1467 = arith.constant 16 : i32
        %mul3A_1468 = arith.muli %scan3A_1245, %mul3A_1467 : i32
        %swap3A = arith.index_cast %add3A_1210 : i32 to index
        %swap3A_1469 = arith.index_cast %mul3A_1468 : i32 to index
        %swap3A_1470 = tpu.vector_load %arg12[%swap3A, %swap3A_1469] {strides = array<i32>} : memref<16x1024xf32, #tpu.memory_space<vmem>>, vector<16xf32>,
        tpu.vector_store %arg12[%swap3A, %swap3A_1469], %max3A_1466 {strides = array<i32>} : memref<16x1024xf32, #tpu.memory_space<vmem>>, vector<16xf32>,
      }
      %scan3A_1244 = arith.constant 64 : i32
    }
    %scan3A_1146 = arith.constant 8 : i32
    "tpu.region"() ({
      %run_scoped3A = tpu.sem_alloc : memref<!tpu.dma_semaphore, #tpu.memory_space<semaphore_mem>>
      %dma_start3A_1147 = arith.constant 0 : i32
      %dma_start3A_1148 = tpu.memref_slice %arg6[%mul3A_2, %dma_start3A_1147] : memref<512x1024xf32, #tpu.memory_space<hbm>> -> memref<16x1024xf32, #tpu.memory_space<hbm>>
      %dma_start3A_1149 = arith.constant 0 : i32
      %dma_start3A_1150 = tpu.memref_slice %arg6[%mul3A_2, %dma_start3A_1149] : memref<512x1024xf32, #tpu.memory_space<hbm>> -> memref<16x1024xf32, #tpu.memory_space<hbm>>
      tpu.enqueue_dma source(%arg12 : memref<16x1024xf32, #tpu.memory_space<vmem>>) target(%dma_start3A_1150 : memref<16x1024xf32, #tpu.memory_space<hbm>>) target_semaphore(%run_scoped3A : memref<!tpu.dma_semaphore, #tpu.memory_space<semaphore_mem>>)
      %dma_wait3A = arith.constant 0 : i32
      %dma_wait3A_1151 = tpu.memref_slice %arg6[%mul3A_2, %dma_wait3A] : memref<512x1024xf32, #tpu.memory_space<hbm>> -> memref<16x1024xf32, #tpu.memory_space<hbm>>
      %dma_wait3A_1152 = arith.constant 0 : i32
      %dma_wait3A_1153 = tpu.memref_slice %arg6[%mul3A_2, %dma_wait3A_1152] : memref<512x1024xf32, #tpu.memory_space<hbm>> -> memref<16x1024xf32, #tpu.memory_space<hbm>>
      tpu.wait_dma2 semaphore(%run_scoped3A : memref<!tpu.dma_semaphore, #tpu.memory_space<semaphore_mem>>) src(%arg12 : memref<16x1024xf32, #tpu.memory_space<vmem>>) dst(%dma_wait3A_1153 : memref<16x1024xf32, #tpu.memory_space<hbm>>)
      tpu.yield
    }) : () -> ()
    return
  }
}

module attributes {stable_mosaic.version = 14 : i64} {
  func.func @_mlp_body(%arg0: i32, %arg1: memref<128x1024xf32, #tpu.memory_space<vmem>>, %arg2: memref<1024x1024xf32, #tpu.memory_space<vmem>>, %arg3: memref<1x1024xf32, #tpu.memory_space<vmem>>, %arg4: memref<1x1024xf32, #tpu.memory_space<vmem>>, %arg5: memref<1x1xf32, #tpu.memory_space<vmem>>, %arg6: memref<1x1024xf32, #tpu.memory_space<vmem>>, %arg7: memref<1x1024xf32, #tpu.memory_space<vmem>>, %arg8: memref<1x1024xf32, #tpu.memory_space<vmem>>, %arg9: memref<1x1024xf32, #tpu.memory_space<vmem>>, %arg10: memref<1x128xf32, #tpu.memory_space<vmem>>) attributes {dimension_semantics = [#tpu.dimension_semantics<arbitrary>], iteration_bounds = array<i64: 4>, scalar_prefetch = 0 : i64, scratch_operands = 0 : i64, tpu.core_type = #tpu.core_type<tc>, window_params = [{transform_indices = @transform_0, window_bounds = array<i64: 128, 1024>}, {pipeline_mode = #tpu.pipeline_mode<synchronous>, transform_indices = @transform_1, window_bounds = array<i64: 1024, 1024>}, {pipeline_mode = #tpu.pipeline_mode<synchronous>, transform_indices = @transform_2, window_bounds = array<i64: 1, 1024>}, {pipeline_mode = #tpu.pipeline_mode<synchronous>, transform_indices = @transform_3, window_bounds = array<i64: 1, 1024>}, {pipeline_mode = #tpu.pipeline_mode<synchronous>, transform_indices = @transform_4, window_bounds = array<i64: 1, 1>}, {pipeline_mode = #tpu.pipeline_mode<synchronous>, transform_indices = @transform_5, window_bounds = array<i64: 1, 1024>}, {pipeline_mode = #tpu.pipeline_mode<synchronous>, transform_indices = @transform_6, window_bounds = array<i64: 1, 1024>}, {pipeline_mode = #tpu.pipeline_mode<synchronous>, transform_indices = @transform_7, window_bounds = array<i64: 1, 1024>}, {pipeline_mode = #tpu.pipeline_mode<synchronous>, transform_indices = @transform_8, window_bounds = array<i64: 1, 1024>}, {transform_indices = @transform_9, window_bounds = array<i64: 1, 128>}]} {
    %get3A = arith.constant 0 : index
    %get3A_0 = arith.constant 0 : index
    %get3A_1 = vector.load %arg1[%get3A, %get3A_0] : memref<128x1024xf32, #tpu.memory_space<vmem>>, vector<128x1024xf32>
    %get3A_2 = arith.constant 0 : index
    %get3A_3 = arith.constant 0 : index
    %get3A_4 = vector.load %arg6[%get3A_2, %get3A_3] : memref<1x1024xf32, #tpu.memory_space<vmem>>, vector<1x1024xf32>
    %get3A_5 = arith.constant 0 : index
    %get3A_6 = arith.constant 0 : index
    %get3A_7 = vector.load %arg7[%get3A_5, %get3A_6] : memref<1x1024xf32, #tpu.memory_space<vmem>>, vector<1x1024xf32>
    %reduce_sum3A = arith.constant dense<0.000000e+00> : vector<128xf32>
    %reduce_sum3A_8 = vector.multi_reduction <add>, %get3A_1, %reduce_sum3A [1] : vector<128x1024xf32> to vector<128xf32>
    %broadcast_in_dim3A = vector.shape_cast %reduce_sum3A_8 : vector<128xf32> to vector<128x1xf32>
    %div3A = arith.constant 1.024000e+03 : f32
    %div3A_9 = vector.broadcast %div3A : f32 to vector<128x1xf32>
    %div3A_10 = arith.divf %broadcast_in_dim3A, %div3A_9 : vector<128x1xf32>
    %sub3A = vector.broadcast %div3A_10 : vector<128x1xf32> to vector<128x1024xf32>
    %sub3A_11 = arith.subf %get3A_1, %sub3A : vector<128x1024xf32>
    %integer_pow3A = arith.mulf %sub3A_11, %sub3A_11 : vector<128x1024xf32>
    %reduce_sum3A_12 = arith.constant dense<0.000000e+00> : vector<128xf32>
    %reduce_sum3A_13 = vector.multi_reduction <add>, %integer_pow3A, %reduce_sum3A_12 [1] : vector<128x1024xf32> to vector<128xf32>
    %broadcast_in_dim3A_14 = vector.shape_cast %reduce_sum3A_13 : vector<128xf32> to vector<128x1xf32>
    %div3A_15 = arith.constant 1.024000e+03 : f32
    %div3A_16 = vector.broadcast %div3A_15 : f32 to vector<128x1xf32>
    %div3A_17 = arith.divf %broadcast_in_dim3A_14, %div3A_16 : vector<128x1xf32>
    %sub3A_18 = vector.broadcast %div3A_10 : vector<128x1xf32> to vector<128x1024xf32>
    %sub3A_19 = arith.subf %get3A_1, %sub3A_18 : vector<128x1024xf32>
    %add3A = arith.constant 9.99999997E-7 : f32
    %add3A_20 = vector.broadcast %add3A : f32 to vector<128x1xf32>
    %add3A_21 = arith.addf %div3A_17, %add3A_20 : vector<128x1xf32>
    %sqrt3A = math.sqrt %add3A_21 : vector<128x1xf32>
    %div3A_22 = vector.broadcast %sqrt3A : vector<128x1xf32> to vector<128x1024xf32>
    %div3A_23 = arith.divf %sub3A_19, %div3A_22 : vector<128x1024xf32>
    %mul3A = vector.broadcast %get3A_4 : vector<1x1024xf32> to vector<128x1024xf32>
    %mul3A_24 = arith.mulf %div3A_23, %mul3A : vector<128x1024xf32>
    %add3A_25 = vector.broadcast %get3A_7 : vector<1x1024xf32> to vector<128x1024xf32>
    %add3A_26 = arith.addf %mul3A_24, %add3A_25 : vector<128x1024xf32>
    %get3A_27 = arith.constant 0 : index
    %get3A_28 = arith.constant 0 : index
    %get3A_29 = vector.load %arg2[%get3A_27, %get3A_28] : memref<1024x1024xf32, #tpu.memory_space<vmem>>, vector<1024x1024xf32>
    %dot_general3A = arith.constant dense<0.000000e+00> : vector<128x1024xf32>
    %dot_general3A_30 = tpu.matmul %add3A_26, %get3A_29, %dot_general3A {dimension_numbers = #tpu.dot_dimension_numbers<[1], [0], [0], [1], [0, 0, 1, 1], [], []>, transpose_lhs_hint = false} : vector<128x1024xf32>, vector<1024x1024xf32>, vector<128x1024xf32> -> vector<128x1024xf32>
    %get3A_31 = arith.constant 0 : index
    %get3A_32 = arith.constant 0 : index
    %get3A_33 = vector.load %arg3[%get3A_31, %get3A_32] : memref<1x1024xf32, #tpu.memory_space<vmem>>, vector<1x1024xf32>
    %add3A_34 = vector.broadcast %get3A_33 : vector<1x1024xf32> to vector<128x1024xf32>
    %add3A_35 = arith.addf %dot_general3A_30, %add3A_34 : vector<128x1024xf32>
    %max3A = arith.constant 0.000000e+00 : f32
    %max3A_36 = vector.broadcast %max3A : f32 to vector<128x1024xf32>
    %max3A_37 = arith.maximumf %add3A_35, %max3A_36 : vector<128x1024xf32>
    %get3A_38 = arith.constant 0 : index
    %get3A_39 = arith.constant 0 : index
    %get3A_40 = vector.load %arg8[%get3A_38, %get3A_39] : memref<1x1024xf32, #tpu.memory_space<vmem>>, vector<1x1024xf32>
    %get3A_41 = arith.constant 0 : index
    %get3A_42 = arith.constant 0 : index
    %get3A_43 = vector.load %arg9[%get3A_41, %get3A_42] : memref<1x1024xf32, #tpu.memory_space<vmem>>, vector<1x1024xf32>
    %reduce_sum3A_44 = arith.constant dense<0.000000e+00> : vector<128xf32>
    %reduce_sum3A_45 = vector.multi_reduction <add>, %max3A_37, %reduce_sum3A_44 [1] : vector<128x1024xf32> to vector<128xf32>
    %broadcast_in_dim3A_46 = vector.shape_cast %reduce_sum3A_45 : vector<128xf32> to vector<128x1xf32>
    %div3A_47 = arith.constant 1.024000e+03 : f32
    %div3A_48 = vector.broadcast %div3A_47 : f32 to vector<128x1xf32>
    %div3A_49 = arith.divf %broadcast_in_dim3A_46, %div3A_48 : vector<128x1xf32>
    %sub3A_50 = vector.broadcast %div3A_49 : vector<128x1xf32> to vector<128x1024xf32>
    %sub3A_51 = arith.subf %max3A_37, %sub3A_50 : vector<128x1024xf32>
    %integer_pow3A_52 = arith.mulf %sub3A_51, %sub3A_51 : vector<128x1024xf32>
    %reduce_sum3A_53 = arith.constant dense<0.000000e+00> : vector<128xf32>
    %reduce_sum3A_54 = vector.multi_reduction <add>, %integer_pow3A_52, %reduce_sum3A_53 [1] : vector<128x1024xf32> to vector<128xf32>
    %broadcast_in_dim3A_55 = vector.shape_cast %reduce_sum3A_54 : vector<128xf32> to vector<128x1xf32>
    %div3A_56 = arith.constant 1.024000e+03 : f32
    %div3A_57 = vector.broadcast %div3A_56 : f32 to vector<128x1xf32>
    %div3A_58 = arith.divf %broadcast_in_dim3A_55, %div3A_57 : vector<128x1xf32>
    %sub3A_59 = vector.broadcast %div3A_49 : vector<128x1xf32> to vector<128x1024xf32>
    %sub3A_60 = arith.subf %max3A_37, %sub3A_59 : vector<128x1024xf32>
    %add3A_61 = arith.constant 9.99999997E-7 : f32
    %add3A_62 = vector.broadcast %add3A_61 : f32 to vector<128x1xf32>
    %add3A_63 = arith.addf %div3A_58, %add3A_62 : vector<128x1xf32>
    %sqrt3A_64 = math.sqrt %add3A_63 : vector<128x1xf32>
    %div3A_65 = vector.broadcast %sqrt3A_64 : vector<128x1xf32> to vector<128x1024xf32>
    %div3A_66 = arith.divf %sub3A_60, %div3A_65 : vector<128x1024xf32>
    %mul3A_67 = vector.broadcast %get3A_40 : vector<1x1024xf32> to vector<128x1024xf32>
    %mul3A_68 = arith.mulf %div3A_66, %mul3A_67 : vector<128x1024xf32>
    %add3A_69 = vector.broadcast %get3A_43 : vector<1x1024xf32> to vector<128x1024xf32>
    %add3A_70 = arith.addf %mul3A_68, %add3A_69 : vector<128x1024xf32>
    %get3A_71 = arith.constant 0 : index
    %get3A_72 = arith.constant 0 : index
    %get3A_73 = vector.load %arg4[%get3A_71, %get3A_72] : memref<1x1024xf32, #tpu.memory_space<vmem>>, vector<1x1024xf32>
    %mul3A_74 = vector.broadcast %get3A_73 : vector<1x1024xf32> to vector<128x1024xf32>
    %mul3A_75 = arith.mulf %add3A_70, %mul3A_74 : vector<128x1024xf32>
    %reduce_sum3A_76 = arith.constant dense<0.000000e+00> : vector<128xf32>
    %reduce_sum3A_77 = vector.multi_reduction <add>, %mul3A_75, %reduce_sum3A_76 [1] : vector<128x1024xf32> to vector<128xf32>
    %get3A_78 = arith.constant 0 : index
    %get3A_79 = arith.constant 0 : index
    %get3A_80 = vector.load %arg5[%get3A_78, %get3A_79] : memref<1x1xf32, #tpu.memory_space<vmem>>, vector<1x1xf32>
    %get3A_81 = vector.extract %get3A_80[0, 0] : f32 from vector<1x1xf32>
    %add3A_82 = vector.broadcast %get3A_81 : f32 to vector<128xf32>
    %add3A_83 = arith.addf %reduce_sum3A_77, %add3A_82 : vector<128xf32>
    %logistic3A = arith.negf %add3A_83 : vector<128xf32>
    %logistic3A_84 = math.exp %logistic3A : vector<128xf32>
    %logistic3A_85 = arith.constant 1.000000e+00 : f32
    %logistic3A_86 = vector.broadcast %logistic3A_85 : f32 to vector<128xf32>
    %logistic3A_87 = arith.addf %logistic3A_86, %logistic3A_84 : vector<128xf32>
    %logistic3A_88 = arith.divf %logistic3A_86, %logistic3A_87 : vector<128xf32>
    %broadcast_in_dim3A_89 = vector.shape_cast %logistic3A_88 : vector<128xf32> to vector<1x128xf32>
    %swap3A = arith.constant 0 : index
    %swap3A_90 = arith.constant 0 : index
    %swap3A_91 = vector.load %arg10[%swap3A, %swap3A_90] : memref<1x128xf32, #tpu.memory_space<vmem>>, vector<1x128xf32>
    tpu.vector_store %arg10[%swap3A, %swap3A_90], %broadcast_in_dim3A_89 {strides = array<i32>} : memref<1x128xf32, #tpu.memory_space<vmem>>, vector<1x128xf32>,
    return
  }
  func.func @transform_0(%arg0: i32) -> (i32, i32) {
    %c0_i32 = arith.constant 0 : i32
    %c0_i32_0 = arith.constant 0 : i32
    return %arg0, %c0_i32 : i32, i32
  }
  func.func @transform_1(%arg0: i32) -> (i32, i32) {
    %c0_i32 = arith.constant 0 : i32
    %c0_i32_0 = arith.constant 0 : i32
    %c0_i32_1 = arith.constant 0 : i32
    return %c0_i32, %c0_i32_0 : i32, i32
  }
  func.func @transform_2(%arg0: i32) -> (i32, i32) {
    %c0_i32 = arith.constant 0 : i32
    %c0_i32_0 = arith.constant 0 : i32
    %c0_i32_1 = arith.constant 0 : i32
    return %c0_i32, %c0_i32_0 : i32, i32
  }
  func.func @transform_3(%arg0: i32) -> (i32, i32) {
    %c0_i32 = arith.constant 0 : i32
    %c0_i32_0 = arith.constant 0 : i32
    %c0_i32_1 = arith.constant 0 : i32
    return %c0_i32, %c0_i32_0 : i32, i32
  }
  func.func @transform_4(%arg0: i32) -> (i32, i32) {
    %c0_i32 = arith.constant 0 : i32
    %c0_i32_0 = arith.constant 0 : i32
    %c0_i32_1 = arith.constant 0 : i32
    return %c0_i32, %c0_i32_0 : i32, i32
  }
  func.func @transform_5(%arg0: i32) -> (i32, i32) {
    %c0_i32 = arith.constant 0 : i32
    %c0_i32_0 = arith.constant 0 : i32
    %c0_i32_1 = arith.constant 0 : i32
    return %c0_i32, %c0_i32_0 : i32, i32
  }
  func.func @transform_6(%arg0: i32) -> (i32, i32) {
    %c0_i32 = arith.constant 0 : i32
    %c0_i32_0 = arith.constant 0 : i32
    %c0_i32_1 = arith.constant 0 : i32
    return %c0_i32, %c0_i32_0 : i32, i32
  }
  func.func @transform_7(%arg0: i32) -> (i32, i32) {
    %c0_i32 = arith.constant 0 : i32
    %c0_i32_0 = arith.constant 0 : i32
    %c0_i32_1 = arith.constant 0 : i32
    return %c0_i32, %c0_i32_0 : i32, i32
  }
  func.func @transform_8(%arg0: i32) -> (i32, i32) {
    %c0_i32 = arith.constant 0 : i32
    %c0_i32_0 = arith.constant 0 : i32
    %c0_i32_1 = arith.constant 0 : i32
    return %c0_i32, %c0_i32_0 : i32, i32
  }
  func.func @transform_9(%arg0: i32) -> (i32, i32) {
    %c0_i32 = arith.constant 0 : i32
    %c0_i32_0 = arith.constant 0 : i32
    return %c0_i32, %arg0 : i32, i32
  }
}

module attributes {stable_mosaic.version = 14 : i64} {
  func.func @_build_body(%arg0: i32, %arg1: memref<16384x128xf32, #tpu.memory_space<vmem>>, %arg2: memref<7056x128xf32, #tpu.memory_space<vmem>>) attributes {dimension_semantics = [#tpu.dimension_semantics<arbitrary>], iteration_bounds = array<i64: 8>, scalar_prefetch = 0 : i64, scratch_operands = 0 : i64, tpu.core_type = #tpu.core_type<tc>, window_params = [{transform_indices = @transform_0, window_bounds = array<i64: 16384, 128>}, {transform_indices = @transform_1, window_bounds = array<i64: 7056, 128>}]} {
    %get3A = arith.constant 0 : index
    %get3A_0 = arith.constant 0 : index
    %get3A_1 = vector.load %arg1[%get3A, %get3A_0] : memref<16384x128xf32, #tpu.memory_space<vmem>>, vector<16384x128xf32>
    %reshape3A = vector.shape_cast %get3A_1 : vector<16384x128xf32> to vector<2048x8x128xf32>
    %reduce_max3A = arith.constant dense<0xFF800000> : vector<2048x128xf32>
    %reduce_max3A_2 = vector.multi_reduction <maximumf>, %reshape3A, %reduce_max3A [1] : vector<2048x8x128xf32> to vector<2048x128xf32>
    %reshape3A_3 = vector.shape_cast %reduce_max3A_2 : vector<2048x128xf32> to vector<256x8x128xf32>
    %slice3A = vector.extract_strided_slice %reshape3A_3 {offsets = [0, 0, 0], sizes = [256, 1, 128], strides = [1, 1, 1]} : vector<256x8x128xf32> to vector<256x1x128xf32>
    %squeeze3A = vector.shape_cast %slice3A : vector<256x1x128xf32> to vector<256x128xf32>
    %slice3A_4 = vector.extract_strided_slice %reshape3A_3 {offsets = [0, 1, 0], sizes = [256, 1, 128], strides = [1, 1, 1]} : vector<256x8x128xf32> to vector<256x1x128xf32>
    %squeeze3A_5 = vector.shape_cast %slice3A_4 : vector<256x1x128xf32> to vector<256x128xf32>
    %max3A = arith.maximumf %squeeze3A, %squeeze3A_5 : vector<256x128xf32>
    %slice3A_6 = vector.extract_strided_slice %reshape3A_3 {offsets = [0, 2, 0], sizes = [256, 1, 128], strides = [1, 1, 1]} : vector<256x8x128xf32> to vector<256x1x128xf32>
    %squeeze3A_7 = vector.shape_cast %slice3A_6 : vector<256x1x128xf32> to vector<256x128xf32>
    %max3A_8 = arith.maximumf %max3A, %squeeze3A_7 : vector<256x128xf32>
    %slice3A_9 = vector.extract_strided_slice %reshape3A_3 {offsets = [0, 3, 0], sizes = [256, 1, 128], strides = [1, 1, 1]} : vector<256x8x128xf32> to vector<256x1x128xf32>
    %squeeze3A_10 = vector.shape_cast %slice3A_9 : vector<256x1x128xf32> to vector<256x128xf32>
    %max3A_11 = arith.maximumf %max3A_8, %squeeze3A_10 : vector<256x128xf32>
    %slice3A_12 = vector.extract_strided_slice %reshape3A_3 {offsets = [0, 4, 0], sizes = [256, 1, 128], strides = [1, 1, 1]} : vector<256x8x128xf32> to vector<256x1x128xf32>
    %squeeze3A_13 = vector.shape_cast %slice3A_12 : vector<256x1x128xf32> to vector<256x128xf32>
    %max3A_14 = arith.maximumf %max3A_11, %squeeze3A_13 : vector<256x128xf32>
    %slice3A_15 = vector.extract_strided_slice %reshape3A_3 {offsets = [0, 5, 0], sizes = [256, 1, 128], strides = [1, 1, 1]} : vector<256x8x128xf32> to vector<256x1x128xf32>
    %squeeze3A_16 = vector.shape_cast %slice3A_15 : vector<256x1x128xf32> to vector<256x128xf32>
    %max3A_17 = arith.maximumf %max3A_14, %squeeze3A_16 : vector<256x128xf32>
    %slice3A_18 = vector.extract_strided_slice %reshape3A_3 {offsets = [0, 6, 0], sizes = [256, 1, 128], strides = [1, 1, 1]} : vector<256x8x128xf32> to vector<256x1x128xf32>
    %squeeze3A_19 = vector.shape_cast %slice3A_18 : vector<256x1x128xf32> to vector<256x128xf32>
    %max3A_20 = arith.maximumf %max3A_17, %squeeze3A_19 : vector<256x128xf32>
    %slice3A_21 = vector.extract_strided_slice %reshape3A_3 {offsets = [0, 7, 0], sizes = [256, 1, 128], strides = [1, 1, 1]} : vector<256x8x128xf32> to vector<256x1x128xf32>
    %squeeze3A_22 = vector.shape_cast %slice3A_21 : vector<256x1x128xf32> to vector<256x128xf32>
    %max3A_23 = arith.maximumf %max3A_20, %squeeze3A_22 : vector<256x128xf32>
    %slice3A_24 = vector.extract_strided_slice %reshape3A_3 {offsets = [0, 7, 0], sizes = [256, 1, 128], strides = [1, 1, 1]} : vector<256x8x128xf32> to vector<256x1x128xf32>
    %squeeze3A_25 = vector.shape_cast %slice3A_24 : vector<256x1x128xf32> to vector<256x128xf32>
    %slice3A_26 = vector.extract_strided_slice %reshape3A_3 {offsets = [0, 6, 0], sizes = [256, 1, 128], strides = [1, 1, 1]} : vector<256x8x128xf32> to vector<256x1x128xf32>
    %squeeze3A_27 = vector.shape_cast %slice3A_26 : vector<256x1x128xf32> to vector<256x128xf32>
    %max3A_28 = arith.maximumf %squeeze3A_25, %squeeze3A_27 : vector<256x128xf32>
    %slice3A_29 = vector.extract_strided_slice %reshape3A_3 {offsets = [0, 5, 0], sizes = [256, 1, 128], strides = [1, 1, 1]} : vector<256x8x128xf32> to vector<256x1x128xf32>
    %squeeze3A_30 = vector.shape_cast %slice3A_29 : vector<256x1x128xf32> to vector<256x128xf32>
    %max3A_31 = arith.maximumf %max3A_28, %squeeze3A_30 : vector<256x128xf32>
    %slice3A_32 = vector.extract_strided_slice %reshape3A_3 {offsets = [0, 4, 0], sizes = [256, 1, 128], strides = [1, 1, 1]} : vector<256x8x128xf32> to vector<256x1x128xf32>
    %squeeze3A_33 = vector.shape_cast %slice3A_32 : vector<256x1x128xf32> to vector<256x128xf32>
    %max3A_34 = arith.maximumf %max3A_31, %squeeze3A_33 : vector<256x128xf32>
    %slice3A_35 = vector.extract_strided_slice %reshape3A_3 {offsets = [0, 3, 0], sizes = [256, 1, 128], strides = [1, 1, 1]} : vector<256x8x128xf32> to vector<256x1x128xf32>
    %squeeze3A_36 = vector.shape_cast %slice3A_35 : vector<256x1x128xf32> to vector<256x128xf32>
    %max3A_37 = arith.maximumf %max3A_34, %squeeze3A_36 : vector<256x128xf32>
    %slice3A_38 = vector.extract_strided_slice %reshape3A_3 {offsets = [0, 2, 0], sizes = [256, 1, 128], strides = [1, 1, 1]} : vector<256x8x128xf32> to vector<256x1x128xf32>
    %squeeze3A_39 = vector.shape_cast %slice3A_38 : vector<256x1x128xf32> to vector<256x128xf32>
    %max3A_40 = arith.maximumf %max3A_37, %squeeze3A_39 : vector<256x128xf32>
    %slice3A_41 = vector.extract_strided_slice %reshape3A_3 {offsets = [0, 1, 0], sizes = [256, 1, 128], strides = [1, 1, 1]} : vector<256x8x128xf32> to vector<256x1x128xf32>
    %squeeze3A_42 = vector.shape_cast %slice3A_41 : vector<256x1x128xf32> to vector<256x128xf32>
    %max3A_43 = arith.maximumf %max3A_40, %squeeze3A_42 : vector<256x128xf32>
    %slice3A_44 = vector.extract_strided_slice %reshape3A_3 {offsets = [0, 0, 0], sizes = [256, 1, 128], strides = [1, 1, 1]} : vector<256x8x128xf32> to vector<256x1x128xf32>
    %squeeze3A_45 = vector.shape_cast %slice3A_44 : vector<256x1x128xf32> to vector<256x128xf32>
    %max3A_46 = arith.maximumf %max3A_43, %squeeze3A_45 : vector<256x128xf32>
    %stack3A = vector.shape_cast %squeeze3A : vector<256x128xf32> to vector<256x1x128xf32>
    %stack3A_47 = vector.shape_cast %max3A : vector<256x128xf32> to vector<256x1x128xf32>
    %stack3A_48 = vector.shape_cast %max3A_8 : vector<256x128xf32> to vector<256x1x128xf32>
    %stack3A_49 = vector.shape_cast %max3A_11 : vector<256x128xf32> to vector<256x1x128xf32>
    %stack3A_50 = vector.shape_cast %max3A_14 : vector<256x128xf32> to vector<256x1x128xf32>
    %stack3A_51 = vector.shape_cast %max3A_17 : vector<256x128xf32> to vector<256x1x128xf32>
    %stack3A_52 = vector.shape_cast %max3A_20 : vector<256x128xf32> to vector<256x1x128xf32>
    %stack3A_53 = vector.shape_cast %max3A_23 : vector<256x128xf32> to vector<256x1x128xf32>
    %stack3A_54 = tpu.concatenate %stack3A, %stack3A_47, %stack3A_48, %stack3A_49, %stack3A_50, %stack3A_51, %stack3A_52, %stack3A_53 in 1 : vector<256x1x128xf32>, vector<256x1x128xf32>, vector<256x1x128xf32>, vector<256x1x128xf32>, vector<256x1x128xf32>, vector<256x1x128xf32>, vector<256x1x128xf32>, vector<256x1x128xf32> -> vector<256x8x128xf32>
    %reshape3A_55 = vector.shape_cast %stack3A_54 : vector<256x8x128xf32> to vector<2048x128xf32>
    %stack3A_56 = vector.shape_cast %max3A_46 : vector<256x128xf32> to vector<256x1x128xf32>
    %stack3A_57 = vector.shape_cast %max3A_43 : vector<256x128xf32> to vector<256x1x128xf32>
    %stack3A_58 = vector.shape_cast %max3A_40 : vector<256x128xf32> to vector<256x1x128xf32>
    %stack3A_59 = vector.shape_cast %max3A_37 : vector<256x128xf32> to vector<256x1x128xf32>
    %stack3A_60 = vector.shape_cast %max3A_34 : vector<256x128xf32> to vector<256x1x128xf32>
    %stack3A_61 = vector.shape_cast %max3A_31 : vector<256x128xf32> to vector<256x1x128xf32>
    %stack3A_62 = vector.shape_cast %max3A_28 : vector<256x128xf32> to vector<256x1x128xf32>
    %stack3A_63 = vector.shape_cast %squeeze3A_25 : vector<256x128xf32> to vector<256x1x128xf32>
    %stack3A_64 = tpu.concatenate %stack3A_56, %stack3A_57, %stack3A_58, %stack3A_59, %stack3A_60, %stack3A_61, %stack3A_62, %stack3A_63 in 1 : vector<256x1x128xf32>, vector<256x1x128xf32>, vector<256x1x128xf32>, vector<256x1x128xf32>, vector<256x1x128xf32>, vector<256x1x128xf32>, vector<256x1x128xf32>, vector<256x1x128xf32> -> vector<256x8x128xf32>
    %reshape3A_65 = vector.shape_cast %stack3A_64 : vector<256x8x128xf32> to vector<2048x128xf32>
    %reshape3A_66 = vector.shape_cast %max3A_23 : vector<256x128xf32> to vector<32x8x128xf32>
    %slice3A_67 = vector.extract_strided_slice %reshape3A_66 {offsets = [0, 0, 0], sizes = [32, 1, 128], strides = [1, 1, 1]} : vector<32x8x128xf32> to vector<32x1x128xf32>
    %squeeze3A_68 = vector.shape_cast %slice3A_67 : vector<32x1x128xf32> to vector<32x128xf32>
    %slice3A_69 = vector.extract_strided_slice %reshape3A_66 {offsets = [0, 1, 0], sizes = [32, 1, 128], strides = [1, 1, 1]} : vector<32x8x128xf32> to vector<32x1x128xf32>
    %squeeze3A_70 = vector.shape_cast %slice3A_69 : vector<32x1x128xf32> to vector<32x128xf32>
    %max3A_71 = arith.maximumf %squeeze3A_68, %squeeze3A_70 : vector<32x128xf32>
    %slice3A_72 = vector.extract_strided_slice %reshape3A_66 {offsets = [0, 2, 0], sizes = [32, 1, 128], strides = [1, 1, 1]} : vector<32x8x128xf32> to vector<32x1x128xf32>
    %squeeze3A_73 = vector.shape_cast %slice3A_72 : vector<32x1x128xf32> to vector<32x128xf32>
    %max3A_74 = arith.maximumf %max3A_71, %squeeze3A_73 : vector<32x128xf32>
    %slice3A_75 = vector.extract_strided_slice %reshape3A_66 {offsets = [0, 3, 0], sizes = [32, 1, 128], strides = [1, 1, 1]} : vector<32x8x128xf32> to vector<32x1x128xf32>
    %squeeze3A_76 = vector.shape_cast %slice3A_75 : vector<32x1x128xf32> to vector<32x128xf32>
    %max3A_77 = arith.maximumf %max3A_74, %squeeze3A_76 : vector<32x128xf32>
    %slice3A_78 = vector.extract_strided_slice %reshape3A_66 {offsets = [0, 4, 0], sizes = [32, 1, 128], strides = [1, 1, 1]} : vector<32x8x128xf32> to vector<32x1x128xf32>
    %squeeze3A_79 = vector.shape_cast %slice3A_78 : vector<32x1x128xf32> to vector<32x128xf32>
    %max3A_80 = arith.maximumf %max3A_77, %squeeze3A_79 : vector<32x128xf32>
    %slice3A_81 = vector.extract_strided_slice %reshape3A_66 {offsets = [0, 5, 0], sizes = [32, 1, 128], strides = [1, 1, 1]} : vector<32x8x128xf32> to vector<32x1x128xf32>
    %squeeze3A_82 = vector.shape_cast %slice3A_81 : vector<32x1x128xf32> to vector<32x128xf32>
    %max3A_83 = arith.maximumf %max3A_80, %squeeze3A_82 : vector<32x128xf32>
    %slice3A_84 = vector.extract_strided_slice %reshape3A_66 {offsets = [0, 6, 0], sizes = [32, 1, 128], strides = [1, 1, 1]} : vector<32x8x128xf32> to vector<32x1x128xf32>
    %squeeze3A_85 = vector.shape_cast %slice3A_84 : vector<32x1x128xf32> to vector<32x128xf32>
    %max3A_86 = arith.maximumf %max3A_83, %squeeze3A_85 : vector<32x128xf32>
    %slice3A_87 = vector.extract_strided_slice %reshape3A_66 {offsets = [0, 7, 0], sizes = [32, 1, 128], strides = [1, 1, 1]} : vector<32x8x128xf32> to vector<32x1x128xf32>
    %squeeze3A_88 = vector.shape_cast %slice3A_87 : vector<32x1x128xf32> to vector<32x128xf32>
    %max3A_89 = arith.maximumf %max3A_86, %squeeze3A_88 : vector<32x128xf32>
    %slice3A_90 = vector.extract_strided_slice %reshape3A_66 {offsets = [0, 7, 0], sizes = [32, 1, 128], strides = [1, 1, 1]} : vector<32x8x128xf32> to vector<32x1x128xf32>
    %squeeze3A_91 = vector.shape_cast %slice3A_90 : vector<32x1x128xf32> to vector<32x128xf32>
    %slice3A_92 = vector.extract_strided_slice %reshape3A_66 {offsets = [0, 6, 0], sizes = [32, 1, 128], strides = [1, 1, 1]} : vector<32x8x128xf32> to vector<32x1x128xf32>
    %squeeze3A_93 = vector.shape_cast %slice3A_92 : vector<32x1x128xf32> to vector<32x128xf32>
    %max3A_94 = arith.maximumf %squeeze3A_91, %squeeze3A_93 : vector<32x128xf32>
    %slice3A_95 = vector.extract_strided_slice %reshape3A_66 {offsets = [0, 5, 0], sizes = [32, 1, 128], strides = [1, 1, 1]} : vector<32x8x128xf32> to vector<32x1x128xf32>
    %squeeze3A_96 = vector.shape_cast %slice3A_95 : vector<32x1x128xf32> to vector<32x128xf32>
    %max3A_97 = arith.maximumf %max3A_94, %squeeze3A_96 : vector<32x128xf32>
    %slice3A_98 = vector.extract_strided_slice %reshape3A_66 {offsets = [0, 4, 0], sizes = [32, 1, 128], strides = [1, 1, 1]} : vector<32x8x128xf32> to vector<32x1x128xf32>
    %squeeze3A_99 = vector.shape_cast %slice3A_98 : vector<32x1x128xf32> to vector<32x128xf32>
    %max3A_100 = arith.maximumf %max3A_97, %squeeze3A_99 : vector<32x128xf32>
    %slice3A_101 = vector.extract_strided_slice %reshape3A_66 {offsets = [0, 3, 0], sizes = [32, 1, 128], strides = [1, 1, 1]} : vector<32x8x128xf32> to vector<32x1x128xf32>
    %squeeze3A_102 = vector.shape_cast %slice3A_101 : vector<32x1x128xf32> to vector<32x128xf32>
    %max3A_103 = arith.maximumf %max3A_100, %squeeze3A_102 : vector<32x128xf32>
    %slice3A_104 = vector.extract_strided_slice %reshape3A_66 {offsets = [0, 2, 0], sizes = [32, 1, 128], strides = [1, 1, 1]} : vector<32x8x128xf32> to vector<32x1x128xf32>
    %squeeze3A_105 = vector.shape_cast %slice3A_104 : vector<32x1x128xf32> to vector<32x128xf32>
    %max3A_106 = arith.maximumf %max3A_103, %squeeze3A_105 : vector<32x128xf32>
    %slice3A_107 = vector.extract_strided_slice %reshape3A_66 {offsets = [0, 1, 0], sizes = [32, 1, 128], strides = [1, 1, 1]} : vector<32x8x128xf32> to vector<32x1x128xf32>
    %squeeze3A_108 = vector.shape_cast %slice3A_107 : vector<32x1x128xf32> to vector<32x128xf32>
    %max3A_109 = arith.maximumf %max3A_106, %squeeze3A_108 : vector<32x128xf32>
    %slice3A_110 = vector.extract_strided_slice %reshape3A_66 {offsets = [0, 0, 0], sizes = [32, 1, 128], strides = [1, 1, 1]} : vector<32x8x128xf32> to vector<32x1x128xf32>
    %squeeze3A_111 = vector.shape_cast %slice3A_110 : vector<32x1x128xf32> to vector<32x128xf32>
    %max3A_112 = arith.maximumf %max3A_109, %squeeze3A_111 : vector<32x128xf32>
    %stack3A_113 = vector.shape_cast %squeeze3A_68 : vector<32x128xf32> to vector<32x1x128xf32>
    %stack3A_114 = vector.shape_cast %max3A_71 : vector<32x128xf32> to vector<32x1x128xf32>
    %stack3A_115 = vector.shape_cast %max3A_74 : vector<32x128xf32> to vector<32x1x128xf32>
    %stack3A_116 = vector.shape_cast %max3A_77 : vector<32x128xf32> to vector<32x1x128xf32>
    %stack3A_117 = vector.shape_cast %max3A_80 : vector<32x128xf32> to vector<32x1x128xf32>
    %stack3A_118 = vector.shape_cast %max3A_83 : vector<32x128xf32> to vector<32x1x128xf32>
    %stack3A_119 = vector.shape_cast %max3A_86 : vector<32x128xf32> to vector<32x1x128xf32>
    %stack3A_120 = vector.shape_cast %max3A_89 : vector<32x128xf32> to vector<32x1x128xf32>
    %stack3A_121 = tpu.concatenate %stack3A_113, %stack3A_114, %stack3A_115, %stack3A_116, %stack3A_117, %stack3A_118, %stack3A_119, %stack3A_120 in 1 : vector<32x1x128xf32>, vector<32x1x128xf32>, vector<32x1x128xf32>, vector<32x1x128xf32>, vector<32x1x128xf32>, vector<32x1x128xf32>, vector<32x1x128xf32>, vector<32x1x128xf32> -> vector<32x8x128xf32>
    %reshape3A_122 = vector.shape_cast %stack3A_121 : vector<32x8x128xf32> to vector<256x128xf32>
    %stack3A_123 = vector.shape_cast %max3A_112 : vector<32x128xf32> to vector<32x1x128xf32>
    %stack3A_124 = vector.shape_cast %max3A_109 : vector<32x128xf32> to vector<32x1x128xf32>
    %stack3A_125 = vector.shape_cast %max3A_106 : vector<32x128xf32> to vector<32x1x128xf32>
    %stack3A_126 = vector.shape_cast %max3A_103 : vector<32x128xf32> to vector<32x1x128xf32>
    %stack3A_127 = vector.shape_cast %max3A_100 : vector<32x128xf32> to vector<32x1x128xf32>
    %stack3A_128 = vector.shape_cast %max3A_97 : vector<32x128xf32> to vector<32x1x128xf32>
    %stack3A_129 = vector.shape_cast %max3A_94 : vector<32x128xf32> to vector<32x1x128xf32>
    %stack3A_130 = vector.shape_cast %squeeze3A_91 : vector<32x128xf32> to vector<32x1x128xf32>
    %stack3A_131 = tpu.concatenate %stack3A_123, %stack3A_124, %stack3A_125, %stack3A_126, %stack3A_127, %stack3A_128, %stack3A_129, %stack3A_130 in 1 : vector<32x1x128xf32>, vector<32x1x128xf32>, vector<32x1x128xf32>, vector<32x1x128xf32>, vector<32x1x128xf32>, vector<32x1x128xf32>, vector<32x1x128xf32>, vector<32x1x128xf32> -> vector<32x8x128xf32>
    %reshape3A_132 = vector.shape_cast %stack3A_131 : vector<32x8x128xf32> to vector<256x128xf32>
    %reshape3A_133 = vector.shape_cast %max3A_89 : vector<32x128xf32> to vector<4x8x128xf32>
    %slice3A_134 = vector.extract_strided_slice %reshape3A_133 {offsets = [0, 0, 0], sizes = [4, 1, 128], strides = [1, 1, 1]} : vector<4x8x128xf32> to vector<4x1x128xf32>
    %squeeze3A_135 = vector.shape_cast %slice3A_134 : vector<4x1x128xf32> to vector<4x128xf32>
    %slice3A_136 = vector.extract_strided_slice %reshape3A_133 {offsets = [0, 1, 0], sizes = [4, 1, 128], strides = [1, 1, 1]} : vector<4x8x128xf32> to vector<4x1x128xf32>
    %squeeze3A_137 = vector.shape_cast %slice3A_136 : vector<4x1x128xf32> to vector<4x128xf32>
    %max3A_138 = arith.maximumf %squeeze3A_135, %squeeze3A_137 : vector<4x128xf32>
    %slice3A_139 = vector.extract_strided_slice %reshape3A_133 {offsets = [0, 2, 0], sizes = [4, 1, 128], strides = [1, 1, 1]} : vector<4x8x128xf32> to vector<4x1x128xf32>
    %squeeze3A_140 = vector.shape_cast %slice3A_139 : vector<4x1x128xf32> to vector<4x128xf32>
    %max3A_141 = arith.maximumf %max3A_138, %squeeze3A_140 : vector<4x128xf32>
    %slice3A_142 = vector.extract_strided_slice %reshape3A_133 {offsets = [0, 3, 0], sizes = [4, 1, 128], strides = [1, 1, 1]} : vector<4x8x128xf32> to vector<4x1x128xf32>
    %squeeze3A_143 = vector.shape_cast %slice3A_142 : vector<4x1x128xf32> to vector<4x128xf32>
    %max3A_144 = arith.maximumf %max3A_141, %squeeze3A_143 : vector<4x128xf32>
    %slice3A_145 = vector.extract_strided_slice %reshape3A_133 {offsets = [0, 4, 0], sizes = [4, 1, 128], strides = [1, 1, 1]} : vector<4x8x128xf32> to vector<4x1x128xf32>
    %squeeze3A_146 = vector.shape_cast %slice3A_145 : vector<4x1x128xf32> to vector<4x128xf32>
    %max3A_147 = arith.maximumf %max3A_144, %squeeze3A_146 : vector<4x128xf32>
    %slice3A_148 = vector.extract_strided_slice %reshape3A_133 {offsets = [0, 5, 0], sizes = [4, 1, 128], strides = [1, 1, 1]} : vector<4x8x128xf32> to vector<4x1x128xf32>
    %squeeze3A_149 = vector.shape_cast %slice3A_148 : vector<4x1x128xf32> to vector<4x128xf32>
    %max3A_150 = arith.maximumf %max3A_147, %squeeze3A_149 : vector<4x128xf32>
    %slice3A_151 = vector.extract_strided_slice %reshape3A_133 {offsets = [0, 6, 0], sizes = [4, 1, 128], strides = [1, 1, 1]} : vector<4x8x128xf32> to vector<4x1x128xf32>
    %squeeze3A_152 = vector.shape_cast %slice3A_151 : vector<4x1x128xf32> to vector<4x128xf32>
    %max3A_153 = arith.maximumf %max3A_150, %squeeze3A_152 : vector<4x128xf32>
    %slice3A_154 = vector.extract_strided_slice %reshape3A_133 {offsets = [0, 7, 0], sizes = [4, 1, 128], strides = [1, 1, 1]} : vector<4x8x128xf32> to vector<4x1x128xf32>
    %squeeze3A_155 = vector.shape_cast %slice3A_154 : vector<4x1x128xf32> to vector<4x128xf32>
    %max3A_156 = arith.maximumf %max3A_153, %squeeze3A_155 : vector<4x128xf32>
    %slice3A_157 = vector.extract_strided_slice %reshape3A_133 {offsets = [0, 7, 0], sizes = [4, 1, 128], strides = [1, 1, 1]} : vector<4x8x128xf32> to vector<4x1x128xf32>
    %squeeze3A_158 = vector.shape_cast %slice3A_157 : vector<4x1x128xf32> to vector<4x128xf32>
    %slice3A_159 = vector.extract_strided_slice %reshape3A_133 {offsets = [0, 6, 0], sizes = [4, 1, 128], strides = [1, 1, 1]} : vector<4x8x128xf32> to vector<4x1x128xf32>
    %squeeze3A_160 = vector.shape_cast %slice3A_159 : vector<4x1x128xf32> to vector<4x128xf32>
    %max3A_161 = arith.maximumf %squeeze3A_158, %squeeze3A_160 : vector<4x128xf32>
    %slice3A_162 = vector.extract_strided_slice %reshape3A_133 {offsets = [0, 5, 0], sizes = [4, 1, 128], strides = [1, 1, 1]} : vector<4x8x128xf32> to vector<4x1x128xf32>
    %squeeze3A_163 = vector.shape_cast %slice3A_162 : vector<4x1x128xf32> to vector<4x128xf32>
    %max3A_164 = arith.maximumf %max3A_161, %squeeze3A_163 : vector<4x128xf32>
    %slice3A_165 = vector.extract_strided_slice %reshape3A_133 {offsets = [0, 4, 0], sizes = [4, 1, 128], strides = [1, 1, 1]} : vector<4x8x128xf32> to vector<4x1x128xf32>
    %squeeze3A_166 = vector.shape_cast %slice3A_165 : vector<4x1x128xf32> to vector<4x128xf32>
    %max3A_167 = arith.maximumf %max3A_164, %squeeze3A_166 : vector<4x128xf32>
    %slice3A_168 = vector.extract_strided_slice %reshape3A_133 {offsets = [0, 3, 0], sizes = [4, 1, 128], strides = [1, 1, 1]} : vector<4x8x128xf32> to vector<4x1x128xf32>
    %squeeze3A_169 = vector.shape_cast %slice3A_168 : vector<4x1x128xf32> to vector<4x128xf32>
    %max3A_170 = arith.maximumf %max3A_167, %squeeze3A_169 : vector<4x128xf32>
    %slice3A_171 = vector.extract_strided_slice %reshape3A_133 {offsets = [0, 2, 0], sizes = [4, 1, 128], strides = [1, 1, 1]} : vector<4x8x128xf32> to vector<4x1x128xf32>
    %squeeze3A_172 = vector.shape_cast %slice3A_171 : vector<4x1x128xf32> to vector<4x128xf32>
    %max3A_173 = arith.maximumf %max3A_170, %squeeze3A_172 : vector<4x128xf32>
    %slice3A_174 = vector.extract_strided_slice %reshape3A_133 {offsets = [0, 1, 0], sizes = [4, 1, 128], strides = [1, 1, 1]} : vector<4x8x128xf32> to vector<4x1x128xf32>
    %squeeze3A_175 = vector.shape_cast %slice3A_174 : vector<4x1x128xf32> to vector<4x128xf32>
    %max3A_176 = arith.maximumf %max3A_173, %squeeze3A_175 : vector<4x128xf32>
    %slice3A_177 = vector.extract_strided_slice %reshape3A_133 {offsets = [0, 0, 0], sizes = [4, 1, 128], strides = [1, 1, 1]} : vector<4x8x128xf32> to vector<4x1x128xf32>
    %squeeze3A_178 = vector.shape_cast %slice3A_177 : vector<4x1x128xf32> to vector<4x128xf32>
    %max3A_179 = arith.maximumf %max3A_176, %squeeze3A_178 : vector<4x128xf32>
    %stack3A_180 = vector.shape_cast %squeeze3A_135 : vector<4x128xf32> to vector<4x1x128xf32>
    %stack3A_181 = vector.shape_cast %max3A_138 : vector<4x128xf32> to vector<4x1x128xf32>
    %stack3A_182 = vector.shape_cast %max3A_141 : vector<4x128xf32> to vector<4x1x128xf32>
    %stack3A_183 = vector.shape_cast %max3A_144 : vector<4x128xf32> to vector<4x1x128xf32>
    %stack3A_184 = vector.shape_cast %max3A_147 : vector<4x128xf32> to vector<4x1x128xf32>
    %stack3A_185 = vector.shape_cast %max3A_150 : vector<4x128xf32> to vector<4x1x128xf32>
    %stack3A_186 = vector.shape_cast %max3A_153 : vector<4x128xf32> to vector<4x1x128xf32>
    %stack3A_187 = vector.shape_cast %max3A_156 : vector<4x128xf32> to vector<4x1x128xf32>
    %stack3A_188 = tpu.concatenate %stack3A_180, %stack3A_181, %stack3A_182, %stack3A_183, %stack3A_184, %stack3A_185, %stack3A_186, %stack3A_187 in 1 : vector<4x1x128xf32>, vector<4x1x128xf32>, vector<4x1x128xf32>, vector<4x1x128xf32>, vector<4x1x128xf32>, vector<4x1x128xf32>, vector<4x1x128xf32>, vector<4x1x128xf32> -> vector<4x8x128xf32>
    %reshape3A_189 = vector.shape_cast %stack3A_188 : vector<4x8x128xf32> to vector<32x128xf32>
    %stack3A_190 = vector.shape_cast %max3A_179 : vector<4x128xf32> to vector<4x1x128xf32>
    %stack3A_191 = vector.shape_cast %max3A_176 : vector<4x128xf32> to vector<4x1x128xf32>
    %stack3A_192 = vector.shape_cast %max3A_173 : vector<4x128xf32> to vector<4x1x128xf32>
    %stack3A_193 = vector.shape_cast %max3A_170 : vector<4x128xf32> to vector<4x1x128xf32>
    %stack3A_194 = vector.shape_cast %max3A_167 : vector<4x128xf32> to vector<4x1x128xf32>
    %stack3A_195 = vector.shape_cast %max3A_164 : vector<4x128xf32> to vector<4x1x128xf32>
    %stack3A_196 = vector.shape_cast %max3A_161 : vector<4x128xf32> to vector<4x1x128xf32>
    %stack3A_197 = vector.shape_cast %squeeze3A_158 : vector<4x128xf32> to vector<4x1x128xf32>
    %stack3A_198 = tpu.concatenate %stack3A_190, %stack3A_191, %stack3A_192, %stack3A_193, %stack3A_194, %stack3A_195, %stack3A_196, %stack3A_197 in 1 : vector<4x1x128xf32>, vector<4x1x128xf32>, vector<4x1x128xf32>, vector<4x1x128xf32>, vector<4x1x128xf32>, vector<4x1x128xf32>, vector<4x1x128xf32>, vector<4x1x128xf32> -> vector<4x8x128xf32>
    %reshape3A_199 = vector.shape_cast %stack3A_198 : vector<4x8x128xf32> to vector<32x128xf32>
    %broadcast_in_dim3A = arith.constant 0xFF800000 : f32
    %broadcast_in_dim3A_200 = vector.broadcast %broadcast_in_dim3A : f32 to vector<8x128xf32>
    %swap3A = arith.constant 0 : index
    %swap3A_201 = arith.constant 0 : index
    %swap3A_202 = vector.load %arg2[%swap3A, %swap3A_201] : memref<7056x128xf32, #tpu.memory_space<vmem>>, vector<8x128xf32>
    tpu.vector_store %arg2[%swap3A, %swap3A_201], %broadcast_in_dim3A_200 {strides = array<i32>} : memref<7056x128xf32, #tpu.memory_space<vmem>>, vector<8x128xf32>,
    %swap3A_203 = arith.constant 8 : index
    %swap3A_204 = arith.constant 0 : index
    %swap3A_205 = vector.load %arg2[%swap3A_203, %swap3A_204] : memref<7056x128xf32, #tpu.memory_space<vmem>>, vector<2048x128xf32>
    tpu.vector_store %arg2[%swap3A_203, %swap3A_204], %reduce_max3A_2 {strides = array<i32>} : memref<7056x128xf32, #tpu.memory_space<vmem>>, vector<2048x128xf32>,
    %swap3A_206 = arith.constant 2056 : index
    %swap3A_207 = arith.constant 0 : index
    %swap3A_208 = vector.load %arg2[%swap3A_206, %swap3A_207] : memref<7056x128xf32, #tpu.memory_space<vmem>>, vector<2048x128xf32>
    tpu.vector_store %arg2[%swap3A_206, %swap3A_207], %reshape3A_65 {strides = array<i32>} : memref<7056x128xf32, #tpu.memory_space<vmem>>, vector<2048x128xf32>,
    %swap3A_209 = arith.constant 4104 : index
    %swap3A_210 = arith.constant 0 : index
    %swap3A_211 = vector.load %arg2[%swap3A_209, %swap3A_210] : memref<7056x128xf32, #tpu.memory_space<vmem>>, vector<2048x128xf32>
    tpu.vector_store %arg2[%swap3A_209, %swap3A_210], %reshape3A_55 {strides = array<i32>} : memref<7056x128xf32, #tpu.memory_space<vmem>>, vector<2048x128xf32>,
    %swap3A_212 = arith.constant 6152 : index
    %swap3A_213 = arith.constant 0 : index
    %swap3A_214 = vector.load %arg2[%swap3A_212, %swap3A_213] : memref<7056x128xf32, #tpu.memory_space<vmem>>, vector<256x128xf32>
    tpu.vector_store %arg2[%swap3A_212, %swap3A_213], %max3A_23 {strides = array<i32>} : memref<7056x128xf32, #tpu.memory_space<vmem>>, vector<256x128xf32>,
    %swap3A_215 = arith.constant 6408 : index
    %swap3A_216 = arith.constant 0 : index
    %swap3A_217 = vector.load %arg2[%swap3A_215, %swap3A_216] : memref<7056x128xf32, #tpu.memory_space<vmem>>, vector<256x128xf32>
    tpu.vector_store %arg2[%swap3A_215, %swap3A_216], %reshape3A_132 {strides = array<i32>} : memref<7056x128xf32, #tpu.memory_space<vmem>>, vector<256x128xf32>,
    %swap3A_218 = arith.constant 6664 : index
    %swap3A_219 = arith.constant 0 : index
    %swap3A_220 = vector.load %arg2[%swap3A_218, %swap3A_219] : memref<7056x128xf32, #tpu.memory_space<vmem>>, vector<256x128xf32>
    tpu.vector_store %arg2[%swap3A_218, %swap3A_219], %reshape3A_122 {strides = array<i32>} : memref<7056x128xf32, #tpu.memory_space<vmem>>, vector<256x128xf32>,
    %swap3A_221 = arith.constant 6920 : index
    %swap3A_222 = arith.constant 0 : index
    %swap3A_223 = vector.load %arg2[%swap3A_221, %swap3A_222] : memref<7056x128xf32, #tpu.memory_space<vmem>>, vector<32x128xf32>
    tpu.vector_store %arg2[%swap3A_221, %swap3A_222], %max3A_89 {strides = array<i32>} : memref<7056x128xf32, #tpu.memory_space<vmem>>, vector<32x128xf32>,
    %swap3A_224 = arith.constant 6952 : index
    %swap3A_225 = arith.constant 0 : index
    %swap3A_226 = vector.load %arg2[%swap3A_224, %swap3A_225] : memref<7056x128xf32, #tpu.memory_space<vmem>>, vector<32x128xf32>
    tpu.vector_store %arg2[%swap3A_224, %swap3A_225], %reshape3A_199 {strides = array<i32>} : memref<7056x128xf32, #tpu.memory_space<vmem>>, vector<32x128xf32>,
    %swap3A_227 = arith.constant 6984 : index
    %swap3A_228 = arith.constant 0 : index
    %swap3A_229 = vector.load %arg2[%swap3A_227, %swap3A_228] : memref<7056x128xf32, #tpu.memory_space<vmem>>, vector<32x128xf32>
    tpu.vector_store %arg2[%swap3A_227, %swap3A_228], %reshape3A_189 {strides = array<i32>} : memref<7056x128xf32, #tpu.memory_space<vmem>>, vector<32x128xf32>,
    %broadcast_in_dim3A_230 = arith.constant 0xFF800000 : f32
    %broadcast_in_dim3A_231 = vector.broadcast %broadcast_in_dim3A_230 : f32 to vector<36x128xf32>
    %concatenate3A = tpu.concatenate %max3A_156, %broadcast_in_dim3A_231 in 0 : vector<4x128xf32>, vector<36x128xf32> -> vector<40x128xf32>
    %swap3A_232 = arith.constant 7016 : index
    %swap3A_233 = arith.constant 0 : index
    %swap3A_234 = vector.load %arg2[%swap3A_232, %swap3A_233] : memref<7056x128xf32, #tpu.memory_space<vmem>>, vector<40x128xf32>
    tpu.vector_store %arg2[%swap3A_232, %swap3A_233], %concatenate3A {strides = array<i32>} : memref<7056x128xf32, #tpu.memory_space<vmem>>, vector<40x128xf32>,
    return
  }
  func.func @transform_0(%arg0: i32) -> (i32, i32) {
    %c0_i32 = arith.constant 0 : i32
    %c0_i32_0 = arith.constant 0 : i32
    return %c0_i32, %arg0 : i32, i32
  }
  func.func @transform_1(%arg0: i32) -> (i32, i32) {
    %c0_i32 = arith.constant 0 : i32
    %c0_i32_0 = arith.constant 0 : i32
    return %c0_i32, %arg0 : i32, i32
  }
}

</mosaic_0001>

<sc_bundles>
// kernel: kernel.5.cloned.1.call-start
scs
__scs_entry_jumppad:
0x0: {  	(pc) =	sbr.rel $0x88, $3  }
0x1: {  	(tag) =	ssettag $0x0;
	lr =	simm.s32 $0x1  }
0x2: {  	[smem:$0x3F97] =	sst lr;
	_ =	strace $0xD0000000  }
0x3: {  	_ = 	snop  }
0x4: {  	_ = 	snop  }
0x5: {  	_ = 	snop  }
0x6: {  	_ = 	snop  }
0x7: {  	_ = 	snop  }
__scs_overlays_trampoline_lowered:
0x8: {  	[smem:$0x3FA6] =	sst s0  }
0x9: {  	[smem:$0x3FA7] =	sst s1  }
0xa: {  	[smem:$0x3FA8] =	sst s2  }
0xb: {  	[smem:$0x3FA9] =	sst s3  }
0xc: {  	[smem:$0x3FAA] =	sst s4  }
0xd: {  	[smem:$0x3FAB] =	sst s5  }
0xe: {  	[smem:$0x3FAC] =	sst s6  }
0xf: {  	[smem:$0x3FAD] =	sst s7  }
0x10: {  	[smem:$0x3FAE] =	sst s8  }
0x11: {  	[smem:$0x3FAF] =	sst s9;
	s0 =	simm.s32 @!p0 $0x0  }
0x12: {  	s1 =	sld [smem:$0x3F95];
	s0 =	simm.s32 @p0 $0x1  }
0x13: {  	[smem:$0x3FB0] =	sst s0;
	s0 =	simm.s32 @!p1 $0x0  }
0x14: {  	s2 =	sld [smem:$0x3F94];
	s0 =	simm.s32 @p1 $0x1  }
0x15: {  	[smem:$0x3FB1] =	sst s0;
	s0 =	simm.s32 @!p2 $0x0  }
0x16: {  	s3 =	sld [smem:$0x3FDB];
	s0 =	simm.s32 @p2 $0x1  }
0x17: {  	s4 =	simm.s32 $0x1BF5;
	[smem:$0x3FB3] =	sst s0  }
0x18: {  	s0 =	sld [smem:$0x3F96];
	_ =	swait.ge [sflag:s4], $0x0  }
0x19: {  	s7 =	sld [smem:$0x3F97]  }
0x1a: {  	s8 =	sadd.s32 $0xFFFFE003, lr  }
0x1b: {  	s9 =	sadd.s32 $0xFFFFFEF7, lr;
	s5 =	simm.s32 $0xFFFFFFFF;
	p2 =	slt.u32 s8, $0xFFFFF086  }
0x1c: {  	p1 =	slt.u32 s9, $0xF7A;
	s5 =	simm.s32 @!p2 $0x0  }
0x1d: {  	s5 =	simm.s32 @p1 $0x1;
	p0 =	seq.s32 s7, s2  }
0x1e: {  	s7 =	smul.u32 @!p0 $0xF7A, s2;
	p2 =	seq.s32 @!p0 s5, $0x0  }
0x1f: {  	s9 =	smul.u32 $0xF7A, s1;
	s8 =	simm.s32 @!p0 $0x1BF5;
	p2 =	por !p2, p0  }
0x20: {  	[sflag:s8] =	ssyncset.s32 @!p0 $0xFFFFF086;
	s6 =	sadd.s32 @!p0 s3, s7;
	s7 =	simm.s32 @!p0 $0x108  }
0x21: {  	s3 =	sadd.s32 s3, s9;
	s6 =	sadd.s32 @!p0 $0x88, s6;
	s7 =	simm.s32 @p2 $0x1082  }
0x22: {  	[simem:s7], [sflag:s8] =	dma.local @!p0 [hbm:s6], $0xF7A  }
0x23: {  	s9 =	sor.u32 $0xD0000000, s2;
	s6 =	simm.s32 $0x108;
	_ =	swait.ge @!p0 [sflag:s8], $0x0  }
0x24: {  	s3 =	sadd.s32 $0x88, s3;
	s6 =	simm.s32 @!p1 $0x1082;
	[sflag:s4] =	ssyncset.s32 $0xFFFFF086  }
0x25: {  	[simem:s6], [sflag:s4] =	dma.local [hbm:s3], $0xF7A  }
0x26: {  	[smem:$0x3F97] =	sst s1;
	(tag) =	ssettag s2;
	_ =	strace s9  }
0x27: {  	s1 =	sld [smem:$0x3FA7]  }
0x28: {  	s2 =	sld [smem:$0x3FA8]  }
0x29: {  	s4 =	sld [smem:$0x3FAA]  }
0x2a: {  	p0 =	seq.s32 s5, $0x0;
	s5 =	sld [smem:$0x3FAB]  }
0x2b: {  	s6 =	sld [smem:$0x3FAC]  }
0x2c: {  	s7 =	sld [smem:$0x3FAD]  }
0x2d: {  	s3 =	simm.s32 $0x108;
	s8 =	sld [smem:$0x3FAE]  }
0x2e: {  	s3 =	simm.s32 @!p0 $0x1082;
	s9 =	sld [smem:$0x3FAF]  }
0x2f: {  	lr =	sadd.s32 s0, s3;
	s0 =	sld [smem:$0x3FA6]  }
0x30: {  	s3 =	sld [smem:$0x3FA9]  }
0x31: {  	[smem:$0x3FB2] =	sst s10  }
0x32: {  	s10 =	sld [smem:$0x3FB0];
	_ =	sdelay $0x3  }
0x33: {  	p0 =	seq.s32 s10, $0x1;
	s10 =	sld [smem:$0x3FB2];
	_ =	sdelay $0x3  }
0x34: {  	[smem:$0x3FB2] =	sst s10  }
0x35: {  	s10 =	sld [smem:$0x3FB1];
	_ =	sdelay $0x3  }
0x36: {  	p1 =	seq.s32 s10, $0x1;
	s10 =	sld [smem:$0x3FB2];
	_ =	sdelay $0x3  }
0x37: {  	[smem:$0x3FB2] =	sst s10  }
0x38: {  	s10 =	sld [smem:$0x3FB3]  }
0x39: {  	_ = 	snop;
	(pc) =	sbr.ind lr, $3  }
0x3a: {  	_ = 	snop  }
0x3b: {  	_ = 	snop  }
0x3c: {  	p2 =	seq.s32 s10, $0x1;
	s10 =	sld [smem:$0x3FB2]  }
0x3d: {  	_ =	shalt  }
0x3e: {  	_ =	shalt  }
0x3f: {  	_ =	shalt  }
0x40: {  	_ =	shalt  }
0x41: {  	_ =	shalt  }
0x42: {  	_ =	shalt  }
0x43: {  	_ =	shalt  }
0x44: {  	_ =	shalt  }
0x45: {  	_ =	shalt  }
0x46: {  	_ =	shalt  }
0x47: {  	_ =	shalt  }
0x48: {  	_ =	shalt  }
0x49: {  	_ =	shalt  }
0x4a: {  	_ =	shalt  }
0x4b: {  	_ =	shalt  }
0x4c: {  	_ =	shalt  }
0x4d: {  	_ =	shalt  }
0x4e: {  	_ =	shalt  }
0x4f: {  	_ =	shalt  }
0x50: {  	_ =	shalt  }
0x51: {  	_ =	shalt  }
0x52: {  	_ =	shalt  }
0x53: {  	_ =	shalt  }
0x54: {  	_ =	shalt  }
0x55: {  	_ =	shalt  }
0x56: {  	_ =	shalt  }
0x57: {  	_ =	shalt  }
0x58: {  	_ =	shalt  }
0x59: {  	_ =	shalt  }
0x5a: {  	_ =	shalt  }
0x5b: {  	_ =	shalt  }
0x5c: {  	_ =	shalt  }
0x5d: {  	_ =	shalt  }
0x5e: {  	_ =	shalt  }
0x5f: {  	_ =	shalt  }
0x60: {  	_ =	shalt  }
0x61: {  	_ =	shalt  }
0x62: {  	_ =	shalt  }
0x63: {  	_ =	shalt  }
0x64: {  	_ =	shalt  }
0x65: {  	_ =	shalt  }
0x66: {  	_ =	shalt  }
0x67: {  	_ =	shalt  }
0x68: {  	_ =	shalt  }
0x69: {  	_ =	shalt  }
0x6a: {  	_ =	shalt  }
0x6b: {  	_ =	shalt  }
0x6c: {  	_ =	shalt  }
0x6d: {  	_ =	shalt  }
0x6e: {  	_ =	shalt  }
0x6f: {  	_ =	shalt  }
0x70: {  	_ =	shalt  }
0x71: {  	_ =	shalt  }
0x72: {  	_ =	shalt  }
0x73: {  	_ =	shalt  }
0x74: {  	_ =	shalt  }
0x75: {  	_ =	shalt  }
0x76: {  	_ =	shalt  }
0x77: {  	_ =	shalt  }
0x78: {  	_ =	shalt  }
0x79: {  	_ =	shalt  }
0x7a: {  	_ =	shalt  }
0x7b: {  	_ =	shalt  }
0x7c: {  	_ =	shalt  }
0x7d: {  	_ =	shalt  }
0x7e: {  	_ =	shalt  }
0x7f: {  	_ =	shalt  }
0x80: {  	_ =	shalt  }
0x81: {  	_ =	shalt  }
0x82: {  	_ =	shalt  }
0x83: {  	_ =	shalt  }
0x84: {  	_ =	shalt  }
0x85: {  	_ =	shalt  }
0x86: {  	_ =	shalt  }
0x87: {  	_ =	shalt  }
.Lfunc_end0:
.L_simem_size_0:
called_computation_lowered:
.L_overlay_start_0:
0x88: {  	s2 =	sld [smem:$0x3FD9]  }
0x89: {  	s3 =	sld [smem:$0x3FFE];
	_ =	sdelay $0x1  }
0x8a: {  	s1 =	srdreg.scid  }
0x8b: {  	s0 =	sand.u32 $0x1, s1  }
0x8c: {  	s17 =	sshll.u32 s0, $0xA;
	s2 =	sadd.s32 s3, s2  }
0x8d: {  	s2 =	sadd.s32 s2, s17  }
0x8e: {  	[smem:$0x3FBE] =	sst s2  }
0x8f: {  	_ = 	snop  }
0x90: {  	s2 =	sld [smem:$0x3FC9]  }
0x91: {  	s18 =	sld [smem:$0x3FD0];
	(tm) =	ssettm $0x1  }
0x92: {  	s4 =	sld [smem:$0x3FFB];
	_ =	sdelay $0x3  }
0x93: {  	_ =	strace s4  }
0x94: {  	s4 =	sld [smem:$0x3FFC];
	_ =	sdelay $0x3  }
0x95: {  	_ =	strace s4  }
0x96: {  	s4 =	sld [smem:$0x3FFD];
	_ =	sdelay $0x3  }
0x97: {  	_ =	strace s4  }
0x98: {  	_ =	strace $0x8FFFFFFF  }
0x99: {  	s19 =	sld [smem:$0x3FDB];
	_ =	sdelay $0x1  }
0x9a: {  	s5 =	simm.s32 $_scs_section_size  }
0x9b: {  	s6 =	simm.s32 $_size__tile_overlayer_lowered;
	s7 =	simm.s32 $_tile_overlayer_lowered  }
0x9c: {  	s22 =	simm.s32 $0x1BFF;
	s21 =	sshll.u32 s7, $0x1;
	s4 =	sadd.s32 s5, s19  }
0x9d: {  	s8 =	simm.s32 $0x0;
	s20 =	sshll.u32 s6, $0x1;
	s6 =	sadd.s32 s21, s4  }
0x9e: {  	[timem:s8], [sflag:s22] =	dma.local [hbm:s6], s20  }
0x9f: {  	_ =	swait.ge [sflag:s22], s20  }
0xa0: {  	s5 =	ssub.s32 $0x0, s20;
	[sflag:s22] =	ssyncset.done $0x0  }
0xa1: {  	[sflag:s22] =	ssyncadd.s32 s5;
	_ =	sdelay $0x1  }
0xa2: {  	s23 =	simm.s32 $0x1B8B  }
0xa3: {  	_ =	swait.ge [sflag:s23], $0x1  }
0xa4: {  	[sflag:s23] =	ssyncset.done $0x0  }
0xa5: {  	s25 =	simm.s32 $0x1B8E;
	s24 =	sld [smem:$0x3FFE];
	[sflag:s23] =	ssyncadd.s32 $0xFFFFFFFF  }
0xa6: {  	s26 =	simm.s32 $execute0_lowered;
	[smem:$0x3FD2] =	sst s25  }
0xa7: {  	s6 =	sshll.u32 s26, $0x1;
	_ =	strace $0x80000046;
	[dreg:$0x1] =	wrdreg $0xFFFFFFFF  }
0xa8: {  	s28 =	simm.s32 $_size_execute0_lowered;
	s4 =	sadd.s32 s4, s6;
	[dreg:$0x0] =	wrdreg $0x0  }
0xa9: {  	s6 =	sshll.u32 s28, $0x1;
	[dreg:$0x2] =	wrdreg s4  }
0xaa: {  	[dreg:$0x3] =	wrdreg s6  }
0xab: {  	[dreg:$0x4] =	wrdreg $0xC0  }
0xac: {  	_ =	task [dreg:s8], $0x5FFFF  }
0xad: {  	[dreg:$0x1] =	wrdreg $0xFFFFFFFF  }
0xae: {  	[dreg:$0x0] =	wrdreg $0x60  }
0xaf: {  	[dreg:$0x2] =	wrdreg s2  }
0xb0: {  	[dreg:$0x3] =	wrdreg s24  }
0xb1: {  	[dreg:$0x4] =	wrdreg s18  }
0xb2: {  	[dreg:$0x5] =	wrdreg $0x9  }
0xb3: {  	_ =	task.clear_ibuf [dreg:s8], $0x6FFFF;
	_ =	strace $0x90000046  }
0xb4: {  	s29 =	simm.s32 $0x9;
	_ =	strace $0x80000048  }
0xb5: {  	_ =	swait.ge [sflag:s29], $0x1  }
0xb6: {  	[sflag:s29] =	ssyncadd.s32 $0xFFFFFFFF  }
0xb7: {  	_ =	strace $0x90000048  }
0xb8: {  	_ =	sfence  }
0xb9: {  	s30 =	sld [smem:$0x0];
	_ =	sdelay $0x2  }
0xba: {  	s31 =	sshll.u32 s1, $0xD;
	s1 =	sshrl.u32 s1, $0x2  }
0xbb: {  	s3 =	sand.u32 $0x4000, s31;
	s1 =	sadd.s32 s1, s30  }
0xbc: {  	s0 =	sor.u32 s3, s0;
	s1 =	sshll.u32 s1, $0x11  }
0xbd: {  	s0 =	sor.u32 s1, s0  }
0xbe: {  	s0 =	sadd.s32 $0x8F2B, s0  }
0xbf: {  	[sflag:s0] =	ssyncadd.remote.s32 $0x1  }
0xc0: {  	_ =	sfence.sel $0xFFFF  }
0xc1: {  	[dreg:$0x0] =	wrdreg $0xFFFFFFFF;
	(pc) =	sbr.abs _section_cstart, $3  }
0xc2: {  	[dreg:$0x1] =	wrdreg $0xFFFFFFFF  }
0xc3: {  	_ =	task.clear_ibuf [dreg:s8], $0x2FFFF;
	_ =	strace $0x9FFFFFFF  }
0xc4: {  	(tm) =	ssettm $0x7FFFFFFF  }
0xc5: {  	_ =	shalt  }
tec
execute0_lowered:
.L_overlay_start_1:
0x0: {  	(tag) =	ssettag $0x1  }
0x1: {  	v0 =	vlaneseq.u32  }
0x2: {  	v1 =	vmul.u32 $0x10, v0;
	_ =	sdelay $0x1  }
0x3: {  	v2 =	vor.u32 $0xF, v1  }
0x4: {  	v3 =	vor.u32 $0x5, v1;
	[tilespmem:$0x1FE50] =	vst v2  }
0x5: {  	v2 =	vor.u32 $0x1, v1;
	[tilespmem:$0x1FEE0] =	vst v3  }
0x6: {  	v3 =	vor.u32 $0xA, v1;
	[tilespmem:$0x1FE60] =	vst v2  }
0x7: {  	v2 =	vor.u32 $0xE, v1;
	[tilespmem:$0x1FEF0] =	vst v3  }
0x8: {  	v3 =	vor.u32 $0x6, v1;
	[tilespmem:$0x1FE70] =	vst v2  }
0x9: {  	v2 =	vor.u32 $0x2, v1;
	[tilespmem:$0x1FF00] =	vst v3  }
0xa: {  	[tilespmem:$0x1FE80] =	vst v2;
	v2 =	vor.u32 $0xD, v1  }
0xb: {  	[tilespmem:$0x1FE90] =	vst v2;
	v2 =	vor.u32 $0x3, v1  }
0xc: {  	[tilespmem:$0x1FEA0] =	vst v2;
	v2 =	vor.u32 $0xC, v1  }
0xd: {  	[tilespmem:$0x1FEB0] =	vst v2;
	v2 =	vor.u32 $0x4, v1  }
0xe: {  	[tilespmem:$0x1FEC0] =	vst v2;
	v2 =	vor.u32 $0xB, v1  }
0xf: {  	v3 =	vor.u32 $0x9, v1;
	[tilespmem:$0x1FED0] =	vst v2;
	v2 =	vand.u32 $0x3, v0  }
0x10: {  	[tilespmem:$0x1FF10] =	vst v3;
	v3 =	vor.u32 $0x7, v1;
	v2 =	vmul.u32 $0x8, v2  }
0x11: {  	[tilespmem:$0x1FF20] =	vst v3;
	v3 =	vor.u32 $0x8, v1  }
0x12: {  	v15 =	vmul.u32 $0x18, v0;
	[tilespmem:$0x1FF30] =	vst v3;
	v3 =	vadd.s32 $0x1B70, v2  }
0x13: {  	[tilespmem:$0x1FF40] =	vst v3;
	v3 =	vadd.s32 $0x1B71, v2  }
0x14: {  	[tilespmem:$0x1FF50] =	vst v3;
	v3 =	vor.u32 $0x1, v15  }
0x15: {  	vm0 =	vmmov $0xffff;
	[tilespmem:$0x1FF60] =	vst v3;
	v3 =	vadd.s32 $0x1B72, v2  }
0x16: {  	vm12 =	vcmask $0x300;
	vm11 =	vcmask $0x704;
	[tilespmem:$0x1FF70] =	vst v3;
	v3 =	vor.u32 $0x2, v15  }
0x17: {  	vm10 =	vcmask $0xB08;
	vm9 =	vcmask $0x1310;
	[tilespmem:$0x1FF80] =	vst v3;
	v3 =	vimm.s32 $0x1B70  }
0x18: {  	vm8 =	vcmask $0x1714;
	vm7 =	vcmask $0x1B18;
	v3 =	vsel vm12, $0x1B78, v3  }
0x19: {  	vm6 =	vcmask $0x2320;
	vm5 =	vcmask $0x2724;
	v3 =	vsel vm11, $0x1B80, v3  }
0x1a: {  	vm4 =	vcmask $0x2B28;
	vm3 =	vcmask $0x3330;
	v3 =	vsel vm10, $0x1B88, v3  }
0x1b: {  	vm2 =	vcmask $0x3734;
	vm1 =	vcmask $0x3B38;
	v3 =	vsel vm9, $0x1B78, v3  }
0x1c: {  	v58 =	vimm.s32 $0x1B72;
	v59 =	vimm.s32 $0x1B73;
	v3 =	vsel vm8, $0x1B80, v3  }
0x1d: {  	v60 =	vimm.s32 $0x1B76;
	v61 =	vimm.s32 $0x1B79;
	v3 =	vsel vm7, $0x1B88, v3  }
0x1e: {  	v4 =	vadd.s32 $0x1B73, v2;
	v53 =	vadd.s32 $0x1B74, v2;
	v3 =	vsel vm6, $0x1B78, v3  }
0x1f: {  	v55 =	vadd.s32 $0x1B75, v2;
	v57 =	vadd.s32 $0x1B76, v2;
	v3 =	vsel vm5, $0x1B80, v3  }
0x20: {  	v31 =	vadd.s32 $0x1B77, v2;
	v2 =	vsel vm4, $0x1B88, v3;
	v3 =	vimm.s32 $0x1B71  }
0x21: {  	v62 =	vimm.s32 $0x1B7C;
	v2 =	vsel vm3, $0x1B78, v2;
	v3 =	vsel vm12, $0x1B79, v3  }
0x22: {  	v63 =	vimm.s32 $0x1B7F;
	v2 =	vsel vm2, $0x1B80, v2;
	v3 =	vsel vm11, $0x1B81, v3  }
0x23: {  	v33 =	vsel vm1, $0x1B88, v2;
	v2 =	vsel vm10, $0x1B89, v3;
	v3 =	vsel vm12, $0x1B7A, v58  }
0x24: {  	v52 =	vor.u32 $0x3, v15;
	v2 =	vsel vm9, $0x1B79, v2;
	v3 =	vsel vm11, $0x1B82, v3  }
0x25: {  	[tilespmem:$0x1FF90] =	vst v4;
	v4 =	vsel vm12, $0x1B7B, v59;
	v2 =	vsel vm8, $0x1B81, v2;
	v3 =	vsel vm10, $0x1B8A, v3  }
0x26: {  	v4 =	vsel vm11, $0x1B83, v4;
	v2 =	vsel vm7, $0x1B89, v2;
	v3 =	vsel vm9, $0x1B7A, v3  }
0x27: {  	v4 =	vsel vm10, $0x1B8B, v4;
	v2 =	vsel vm6, $0x1B79, v2;
	v3 =	vsel vm8, $0x1B82, v3  }
0x28: {  	v4 =	vsel vm9, $0x1B7B, v4;
	v2 =	vsel vm5, $0x1B81, v2;
	v3 =	vsel vm7, $0x1B8A, v3  }
0x29: {  	v4 =	vsel vm8, $0x1B83, v4;
	v2 =	vsel vm4, $0x1B89, v2;
	v3 =	vsel vm6, $0x1B7A, v3  }
0x2a: {  	v4 =	vsel vm7, $0x1B8B, v4;
	v2 =	vsel vm3, $0x1B79, v2;
	v3 =	vsel vm5, $0x1B82, v3  }
0x2b: {  	v4 =	vsel vm6, $0x1B7B, v4;
	v2 =	vsel vm2, $0x1B81, v2;
	v3 =	vsel vm4, $0x1B8A, v3  }
0x2c: {  	v34 =	vsel vm1, $0x1B89, v2;
	v2 =	vsel vm3, $0x1B7A, v3;
	v3 =	vsel vm5, $0x1B83, v4  }
0x2d: {  	v54 =	vor.u32 $0x4, v15;
	v2 =	vsel vm2, $0x1B82, v2;
	v3 =	vsel vm4, $0x1B8B, v3  }
0x2e: {  	v56 =	vor.u32 $0x5, v15;
	v37 =	vsel vm1, $0x1B8A, v2;
	v2 =	vsel vm3, $0x1B7B, v3  }
0x2f: {  	v30 =	vor.u32 $0x6, v15;
	v3 =	vimm.s32 $0x1B74;
	v2 =	vsel vm2, $0x1B83, v2  }
0x30: {  	v39 =	vsel vm1, $0x1B8B, v2;
	v2 =	vsel vm12, $0x1B7C, v3;
	v3 =	vimm.s32 $0x1B75  }
0x31: {  	v32 =	vor.u32 $0x7, v15;
	v2 =	vsel vm11, $0x1B84, v2;
	v3 =	vsel vm12, $0x1B7D, v3  }
0x32: {  	v35 =	vadd.s32 $0x8, v15;
	v2 =	vsel vm10, $0x1B8C, v2;
	v3 =	vsel vm11, $0x1B85, v3  }
0x33: {  	v4 =	vsel vm12, $0x1B7E, v60;
	v2 =	vsel vm9, $0x1B7C, v2;
	v3 =	vsel vm10, $0x1B8D, v3  }
0x34: {  	v4 =	vsel vm11, $0x1B86, v4;
	v2 =	vsel vm8, $0x1B84, v2;
	v3 =	vsel vm9, $0x1B7D, v3  }
0x35: {  	v4 =	vsel vm10, $0x1B8E, v4;
	v2 =	vsel vm7, $0x1B8C, v2;
	v3 =	vsel vm8, $0x1B85, v3  }
0x36: {  	v4 =	vsel vm9, $0x1B7E, v4;
	v2 =	vsel vm6, $0x1B7C, v2;
	v3 =	vsel vm7, $0x1B8D, v3  }
0x37: {  	v4 =	vsel vm8, $0x1B86, v4;
	v2 =	vsel vm5, $0x1B84, v2;
	v3 =	vsel vm6, $0x1B7D, v3  }
0x38: {  	v4 =	vsel vm7, $0x1B8E, v4;
	v2 =	vsel vm4, $0x1B8C, v2;
	v3 =	vsel vm5, $0x1B85, v3  }
0x39: {  	v4 =	vsel vm6, $0x1B7E, v4;
	v2 =	vsel vm3, $0x1B7C, v2;
	v3 =	vsel vm4, $0x1B8D, v3  }
0x3a: {  	v4 =	vsel vm5, $0x1B86, v4;
	v2 =	vsel vm2, $0x1B84, v2;
	v3 =	vsel vm3, $0x1B7D, v3  }
0x3b: {  	v41 =	vsel vm1, $0x1B8C, v2;
	v2 =	vsel vm2, $0x1B85, v3;
	v3 =	vsel vm4, $0x1B8E, v4  }
0x3c: {  	v36 =	vadd.s32 $0x9, v15;
	v43 =	vsel vm1, $0x1B8D, v2;
	v2 =	vsel vm3, $0x1B7E, v3  }
0x3d: {  	v38 =	vadd.s32 $0xA, v15;
	v3 =	vimm.s32 $0x1B77;
	v2 =	vsel vm2, $0x1B86, v2  }
0x3e: {  	v40 =	vadd.s32 $0xB, v15;
	v45 =	vsel vm1, $0x1B8E, v2;
	v2 =	vsel vm12, $0x1B7F, v3  }
0x3f: {  	v42 =	vadd.s32 $0xC, v15;
	v3 =	vimm.s32 $0x1B78;
	v2 =	vsel vm11, $0x1B87, v2  }
0x40: {  	v44 =	vadd.s32 $0xD, v15;
	v3 =	vsel vm12, $0x1B80, v3;
	v2 =	vsel vm10, $0x1B8F, v2  }
0x41: {  	v4 =	vsel vm12, $0x1B81, v61;
	v3 =	vsel vm11, $0x1B88, v3;
	v2 =	vsel vm9, $0x1B7F, v2  }
0x42: {  	v4 =	vsel vm11, $0x1B89, v4;
	v3 =	vsel vm10, $0x1B70, v3;
	v2 =	vsel vm8, $0x1B87, v2  }
0x43: {  	v4 =	vsel vm10, $0x1B71, v4;
	v3 =	vsel vm9, $0x1B80, v3;
	v2 =	vsel vm7, $0x1B8F, v2  }
0x44: {  	v4 =	vsel vm9, $0x1B81, v4;
	v3 =	vsel vm8, $0x1B88, v3;
	v2 =	vsel vm6, $0x1B7F, v2  }
0x45: {  	v4 =	vsel vm8, $0x1B89, v4;
	v3 =	vsel vm7, $0x1B70, v3;
	v2 =	vsel vm5, $0x1B87, v2  }
0x46: {  	v4 =	vsel vm7, $0x1B71, v4;
	v3 =	vsel vm6, $0x1B80, v3;
	v2 =	vsel vm4, $0x1B8F, v2  }
0x47: {  	v4 =	vsel vm6, $0x1B81, v4;
	v3 =	vsel vm5, $0x1B88, v3;
	v2 =	vsel vm3, $0x1B7F, v2  }
0x48: {  	v4 =	vsel vm5, $0x1B89, v4;
	v3 =	vsel vm4, $0x1B70, v3;
	v2 =	vsel vm2, $0x1B87, v2  }
0x49: {  	v4 =	vsel vm4, $0x1B71, v4;
	v47 =	vsel vm1, $0x1B8F, v2;
	v2 =	vsel vm3, $0x1B80, v3  }
0x4a: {  	v46 =	vadd.s32 $0xE, v15;
	v3 =	vsel vm3, $0x1B81, v4;
	v2 =	vsel vm2, $0x1B88, v2  }
0x4b: {  	v3 =	vsel vm2, $0x1B89, v3;
	v49 =	vsel vm1, $0x1B70, v2;
	v2 =	vimm.s32 $0x1B7A  }
0x4c: {  	v50 =	vsel vm1, $0x1B71, v3;
	v3 =	vimm.s32 $0x1B7B;
	v2 =	vsel vm12, $0x1B82, v2  }
0x4d: {  	v48 =	vadd.s32 $0xF, v15;
	v3 =	vsel vm12, $0x1B83, v3;
	v2 =	vsel vm11, $0x1B8A, v2  }
0x4e: {  	v51 =	vadd.s32 $0x10, v15;
	v3 =	vsel vm11, $0x1B8B, v3;
	v2 =	vsel vm10, $0x1B72, v2  }
0x4f: {  	v4 =	vsel vm12, $0x1B84, v62;
	v3 =	vsel vm10, $0x1B73, v3;
	v2 =	vsel vm9, $0x1B82, v2  }
0x50: {  	v4 =	vsel vm11, $0x1B8C, v4;
	v3 =	vsel vm9, $0x1B83, v3;
	v2 =	vsel vm8, $0x1B8A, v2  }
0x51: {  	v4 =	vsel vm10, $0x1B74, v4;
	v3 =	vsel vm8, $0x1B8B, v3;
	v2 =	vsel vm7, $0x1B72, v2  }
0x52: {  	v4 =	vsel vm9, $0x1B84, v4;
	v3 =	vsel vm7, $0x1B73, v3;
	v2 =	vsel vm6, $0x1B82, v2  }
0x53: {  	v4 =	vsel vm8, $0x1B8C, v4;
	v3 =	vsel vm6, $0x1B83, v3;
	v2 =	vsel vm5, $0x1B8A, v2  }
0x54: {  	v4 =	vsel vm7, $0x1B74, v4;
	v3 =	vsel vm5, $0x1B8B, v3;
	v2 =	vsel vm4, $0x1B72, v2  }
0x55: {  	[tilespmem:$0x1FFA0] =	vst v52;
	v4 =	vsel vm6, $0x1B84, v4;
	v3 =	vsel vm4, $0x1B73, v3;
	v2 =	vsel vm3, $0x1B82, v2  }
0x56: {  	[tilespmem:$0x1FFC0] =	vst v54;
	v4 =	vsel vm5, $0x1B8C, v4;
	v3 =	vsel vm3, $0x1B83, v3;
	v2 =	vsel vm2, $0x1B8A, v2  }
0x57: {  	s0 =	rddreg [dreg:$0x0];
	[tilespmem:$0x1FFB0] =	vst v53;
	v53 =	vsel vm1, $0x1B72, v2;
	v2 =	vsel vm2, $0x1B8B, v3;
	v3 =	vsel vm4, $0x1B74, v4  }
0x58: {  	s1 =	rddreg [dreg:$0x1];
	v52 =	vadd.s32 $0x11, v15;
	[tilespmem:$0x1FFD0] =	vst v55;
	v55 =	vsel vm1, $0x1B73, v2;
	v2 =	vsel vm3, $0x1B84, v3  }
0x59: {  	s3 =	rddreg [dreg:$0x2];
	s2 =	simm.s32 $0x0;
	s4 =	srdreg.scid;
	[tilespmem:$0x1FFE0] =	vst v56;
	v54 =	vadd.s32 $0x12, v15;
	v3 =	vimm.s32 $0x1B7D;
	v2 =	vsel vm2, $0x1B8C, v2  }
0x5a: {  	s6 =	stileid.u32;
	s21 =	simm.s32 $0x5;
	s16 =	simm.s32 $0x11B80;
	v56 =	vadd.s32 $0x13, v15;
	[tilespmem:$0x1FFF0] =	vst v57;
	v57 =	vsel vm1, $0x1B74, v2;
	v2 =	vsel vm12, $0x1B85, v3  }
0x5b: {  	s13 =	simm.s32 $0x13380;
	s14 =	simm.s32 $0x13B80;
	s15 =	simm.s32 $0x1;
	v58 =	vadd.s32 $0x14, v15;
	v3 =	vimm.s32 $0x1B7E;
	v2 =	vsel vm11, $0x1B8D, v2  }
0x5c: {  	s18 =	simm.s32 $0x2;
	s17 =	simm.s32 $0x3;
	s19 =	simm.s32 $0x4;
	v4 =	vsel vm12, $0x1B87, v63;
	v3 =	vsel vm12, $0x1B86, v3;
	v2 =	vsel vm10, $0x1B75, v2  }
0x5d: {  	s22 =	simm.s32 $0x0;
	[smem:$0x7FF] =	sst s2;
	s5 =	sand.u32 $0x1, s4;
	v4 =	vsel vm11, $0x1B8F, v4;
	v3 =	vsel vm11, $0x1B8E, v3;
	v2 =	vsel vm9, $0x1B85, v2  }
0x5e: {  	s6 =	sshll.u32 s6, $0x5;
	s4 =	sadd.s32 $0x1800, s1;
	s10 =	sadd.s32 $0x1900, s1;
	v4 =	vsel vm10, $0x1B77, v4;
	v3 =	vsel vm10, $0x1B76, v3;
	v2 =	vsel vm8, $0x1B8D, v2  }
0x5f: {  	s11 =	sadd.s32 $0x1A00, s1;
	s7 =	sshll.u32 s5, $0x4;
	s5 =	ssub.s32 $0x2, s5;
	v4 =	vsel vm9, $0x1B87, v4;
	v3 =	vsel vm9, $0x1B86, v3;
	v2 =	vsel vm7, $0x1B75, v2  }
0x60: {  	s12 =	sadd.s32 $0x1B00, s1;
	s6 =	sor.u32 s7, s6;
	s8 =	sshrl.u32 s5, $0x1;
	v4 =	vsel vm8, $0x1B8F, v4;
	v3 =	vsel vm8, $0x1B8E, v3;
	v2 =	vsel vm6, $0x1B85, v2  }
0x61: {  	s7 =	sshrl.u32 s6, $0x3;
	s6 =	sshll.u32 s6, $0x7;
	s5 =	ssub.s32 s5, s8;
	v4 =	vsel vm7, $0x1B77, v4;
	v3 =	vsel vm7, $0x1B76, v3;
	v2 =	vsel vm5, $0x1B8D, v2  }
0x62: {  	s8 =	sadd.s32 $0x200, s0;
	s9 =	sadd.s32 s7, s1;
	s6 =	sadd.s32 s6, s1;
	v4 =	vsel vm6, $0x1B87, v4;
	v3 =	vsel vm6, $0x1B86, v3;
	v2 =	vsel vm4, $0x1B75, v2  }
0x63: {  	s3 =	sadd.s32 s3, s7;
	s7 =	sadd.s32 $0x100, s0;
	s29 =	sadd.s32 $0x1600, s9;
	v4 =	vsel vm5, $0x1B8F, v4;
	v3 =	vsel vm5, $0x1B8E, v3;
	v2 =	vsel vm3, $0x1B85, v2  }
0x64: {  	s31 =	smax.u32 s5, $0x1;
	_ =	strace $0x80000047;
	[dreg:$0x4] =	wrdreg s29;
	v4 =	vsel vm4, $0x1B77, v4;
	v3 =	vsel vm4, $0x1B76, v3;
	v2 =	vsel vm2, $0x1B8D, v2  }
0x65: {  	s1 =	simm.s32 $0x10B80;
	s30 =	sadd.s32 $0xDE000, s6;
	[dreg:$0x5] =	wrdreg s3;
	v59 =	vsel vm1, $0x1B75, v2;
	v2 =	vsel vm3, $0x1B86, v3;
	v3 =	vsel vm3, $0x1B87, v4  }
0x66: {  	s5 =	simm.s32 $0x12380;
	s9 =	sadd.s32 $0x300, s0;
	[dreg:$0x6] =	wrdreg s30;
	v60 =	vadd.s32 $0x15, v15;
	v2 =	vsel vm2, $0x1B8E, v2;
	v3 =	vsel vm2, $0x1B8F, v3  }
0x67: {  	s6 =	simm.s32 $0x12B80;
	[dreg:$0x7] =	wrdreg s31;
	s3 =	simm.s32 $0x11380;
	v62 =	vadd.s32 $0x16, v15;
	v61 =	vsel vm1, $0x1B76, v2;
	v63 =	vsel vm1, $0x1B77, v3  }
.LBB2_1:
0x68: {  	[dreg:$0x8] =	wrdreg s22  }
0x69: {  	s20 =	rddreg [dreg:$0x4]  }
0x6a: {  	[tilespmem:s2], [sflag:$0x5] =	stream.linear.gather [hbm4b:s20+s2], $0x10, $0x38;
	[tilespmem:$0x18380] =	vst v63  }
0x6b: {  	_ =	swait.ge [sflag:s21], $0x10  }
0x6c: {  	[sflag:s21] =	ssyncset.done $0x0  }
0x6d: {  	s29 =	simm.s32 $0x80;
	s28 =	rddreg [dreg:$0x5];
	[sflag:s21] =	ssyncadd.s32 $0xFFFFFFF0  }
0x6e: {  	[tilespmem:s29], [sflag:$0x5] =	stream.linear.gather [hbm4b:s28+s2], $0x10, $0x38;
	[tilespmem:$0x18380] =	vst v63  }
0x6f: {  	_ =	swait.ge [sflag:s21], $0x10  }
0x70: {  	[sflag:s21] =	ssyncset.done $0x0  }
0x71: {  	[sflag:s21] =	ssyncadd.s32 $0xFFFFFFF0  }
0x72: {  	v2 =	vld [tilespmem:$0x0]  }
0x73: {  	v3 =	vld [tilespmem:$0x80];
	_ =	sdelay $0x4  }
0x74: {  	vm1 =	vlt.s32 v2, v3  }
0x75: {  	v4 =	vadd.s32 $0x1, v2;
	v7 =	vadd.s32 $0xFFFFFFFF, v3;
	v8 =	vadd.s32 $0x2, v2  }
0x76: {  	v9 =	vadd.s32 $0xFFFFFFFE, v3;
	v10 =	vadd.s32 $0x3, v2;
	v11 =	vadd.s32 $0xFFFFFFFD, v3  }
0x77: {  	v12 =	vadd.s32 $0x4, v2;
	v13 =	vadd.s32 $0xFFFFFFFC, v3;
	v14 =	vadd.s32 $0x5, v2  }
0x78: {  	v16 =	vadd.s32 $0xFFFFFFFB, v3;
	v17 =	vadd.s32 $0x6, v2;
	v18 =	vadd.s32 $0xFFFFFFFA, v3  }
0x79: {  	v19 =	vadd.s32 $0x7, v2;
	v21 =	vadd.s32 $0x1, v3;
	v22 =	vadd.s32 $0xFFFFFFF9, v3  }
0x7a: {  	v5 =	vsel vm1, v2, v3;
	vm1 =	vgt.s32 v3, v2;
	vm2 =	vlt.s32 v4, v3  }
0x7b: {  	v21 =	vshra.s32 v21, $0x3;
	v6 =	vsel vm1, v3, v2;
	v4 =	vsel vm2, v4, v3  }
0x7c: {  	vm1 =	vgt.s32 v7, v2;
	vm2 =	vgt.s32 v9, v2;
	v23 =	vadd.s32 $0xFFFFFFFF, v21  }
0x7d: {  	v7 =	vsel vm1, v7, v2;
	vm1 =	vlt.s32 v8, v3;
	v9 =	vsel vm2, v9, v2  }
0x7e: {  	vm2 =	vlt.s32 v12, v3;
	v8 =	vsel vm1, v8, v3;
	vm1 =	vlt.s32 v10, v3  }
0x7f: {  	v12 =	vsel vm2, v12, v3;
	v10 =	vsel vm1, v10, v3;
	vm1 =	vgt.s32 v11, v2  }
0x80: {  	vm2 =	vgt.s32 v16, v2;
	v11 =	vsel vm1, v11, v2;
	vm1 =	vgt.s32 v13, v2  }
0x81: {  	v16 =	vsel vm2, v16, v2;
	v13 =	vsel vm1, v13, v2;
	vm1 =	vlt.s32 v14, v3  }
0x82: {  	vm2 =	vlt.s32 v19, v3;
	v14 =	vsel vm1, v14, v3;
	vm1 =	vlt.s32 v17, v3  }
0x83: {  	v20 =	vsel vm2, v19, v3;
	v17 =	vsel vm1, v17, v3;
	v3 =	vshra.s32 v19, $0x6  }
0x84: {  	v25 =	vand.u32 $0xFFFFFFF8, v23;
	vm1 =	vgt.s32 v18, v2;
	v24 =	vshll.u32 v3, $0x3  }
0x85: {  	v19 =	vshra.s32 v19, $0x3;
	v18 =	vsel vm1, v18, v2;
	v24 =	vor.u32 $0x7, v24  }
0x86: {  	v28 =	vld [tilespmem:$0x1FF90];
	vm2 =	vlt.s32 v19, v21;
	vm4 =	vge.s32 v25, v19;
	vm3 =	vlt.s32 v24, v21  }
0x87: {  	vm1 =	vgt.s32 v22, v2;
	v25 =	vld [tilespmem:$0x1FF40];
	vm4 =	vmand vm2, vm4;
	vm3 =	vmand vm2, vm3  }
0x88: {  	v26 =	vld [tilespmem:$0x1FF50];
	v22 =	vsel vm1, v22, v2;
	vm1 =	vmor vm3, vm4  }
0x89: {  	vm1 =	vmxor vm2, vm1;
	vm2 =	vlt.s32 v19, v23  }
0x8a: {  	v24 =	vshra.s32 v23, $0x3;
	v23 =	vadd.s32 $0x9, v19;
	vm2 =	vmand vm2, vm1  }
0x8b: {  	v2 =	vadd.s32 $0x808, v19;
	v23 =	vsel vm2, v23, v28;
	v28 =	vld [tilespmem:$0x1FFB0]  }
0x8c: {  	v29 =	vld [tilespmem:$0x1FFD0];
	v25 =	vsel vm3, v2, v25;
	v2 =	vadd.s32 $0x1007, v21  }
0x8d: {  	v26 =	vsel vm4, v2, v26;
	v2 =	vadd.s32 $0x2, v19  }
0x8e: {  	v27 =	vadd.s32 $0x3, v19;
	vm3 =	vlt.s32 v2, v21  }
0x8f: {  	v2 =	vadd.s32 $0xA, v19;
	vm2 =	vlt.s32 v27, v21;
	vm3 =	vmand vm3, vm1  }
0x90: {  	vm2 =	vmand vm2, vm1;
	v28 =	vsel vm3, v2, v28;
	v2 =	vadd.s32 $0xB, v19  }
0x91: {  	v29 =	vsel vm2, v2, v29;
	v2 =	vadd.s32 $0x5, v19  }
0x92: {  	vm3 =	vlt.s32 v2, v21;
	v2 =	vld [tilespmem:$0x1FE50];
	_ =	sdelay $0x5  }
0x93: {  	s30 =	simm.s32 $0x100  }
0x94: {  	[tilespmem:v1+s30+$0x0] =	vst.idx.msk $0xffff, v5  }
0x95: {  	[tilespmem:v2+s30+$0x0] =	vst.idx.msk $0xffff, v6;
	v6 =	vld [tilespmem:$0x1FE60];
	_ =	sdelay $0x7  }
0x96: {  	[tilespmem:v6+s30+$0x0] =	vst.idx.msk $0xffff, v4;
	v4 =	vld [tilespmem:$0x1FE70];
	_ =	sdelay $0x2  }
0x97: {  	v5 =	vadd.s32 $0x1, v3  }
0x98: {  	v2 =	vshra.s32 v5, $0x3;
	v5 =	vor.u32 $0x7, v5  }
0x99: {  	vm6 =	vlt.s32 v5, v24;
	v5 =	vadd.s32 $0x2, v3  }
0x9a: {  	v27 =	vadd.s32 $0x4, v19;
	vm8 =	vlt.s32 v5, v24;
	v5 =	vld [tilespmem:$0x1FE80]  }
0x9b: {  	vm2 =	vlt.s32 v27, v21;
	v27 =	vadd.s32 $0xFFFFFFFF, v24;
	v21 =	vld [tilespmem:$0x1FE90]  }
0x9c: {  	vm7 =	vlt.s32 v3, v27;
	v6 =	vand.u32 $0xFFFFFFF8, v27;
	[tilespmem:v4+s30+$0x0] =	vst.idx.msk $0xffff, v7;
	v4 =	vshra.s32 v27, $0x3;
	v27 =	vld [tilespmem:$0x1FEA0];
	_ =	sdelay $0x5  }
0x9d: {  	[tilespmem:v5+s30+$0x0] =	vst.idx.msk $0xffff, v8  }
0x9e: {  	[tilespmem:v21+s30+$0x0] =	vst.idx.msk $0xffff, v9;
	v21 =	vld [tilespmem:$0x1FEB0]  }
0x9f: {  	[tilespmem:v27+s30+$0x0] =	vst.idx.msk $0xffff, v10;
	v27 =	vld [tilespmem:$0x1FEC0];
	_ =	sdelay $0x6  }
0xa0: {  	[tilespmem:v21+s30+$0x0] =	vst.idx.msk $0xffff, v11;
	v21 =	vld [tilespmem:$0x1FED0]  }
0xa1: {  	[tilespmem:v27+s30+$0x0] =	vst.idx.msk $0xffff, v12;
	v27 =	vld [tilespmem:$0x1FEE0];
	_ =	sdelay $0x6  }
0xa2: {  	[tilespmem:v21+s30+$0x0] =	vst.idx.msk $0xffff, v13;
	v21 =	vld [tilespmem:$0x1FFF0]  }
0xa3: {  	vm2 =	vmand vm2, vm1;
	[tilespmem:v27+s30+$0x0] =	vst.idx.msk $0xffff, v14;
	v27 =	vld [tilespmem:$0x1FEF0]  }
0xa4: {  	vm10 =	vgt.s32 v6, v3;
	v6 =	vadd.s32 $0x1, v2;
	v5 =	vadd.s32 $0x3, v3  }
0xa5: {  	v7 =	vadd.s32 $0xFFFFFFFF, v4;
	v8 =	vadd.s32 $0xC, v19;
	vm9 =	vlt.s32 v5, v24  }
0xa6: {  	vm11 =	vlt.s32 v2, v7;
	v5 =	vor.u32 $0x7, v6;
	v6 =	vshra.s32 v6, $0x3  }
0xa7: {  	vm4 =	vlt.s32 v5, v4;
	v5 =	vand.u32 $0xFFFFFFF8, v7;
	v8 =	vsel vm2, v8, v21;
	v21 =	vld [tilespmem:$0x1FF70]  }
0xa8: {  	v7 =	vshra.s32 v7, $0x3;
	vm12 =	vgt.s32 v5, v2;
	v5 =	vadd.s32 $0x2, v6  }
0xa9: {  	vm13 =	vlt.s32 v5, v7;
	v5 =	vadd.s32 $0x3, v6  }
0xaa: {  	vm5 =	vlt.s32 v5, v7;
	v5 =	vadd.s32 $0x4, v6  }
0xab: {  	vm2 =	vlt.s32 v5, v7;
	v5 =	vadd.s32 $0x8, v19;
	[tilespmem:v27+s30+$0x0] =	vst.idx.msk $0xffff, v16;
	v27 =	vadd.s32 $0xD, v19;
	v19 =	vld [tilespmem:$0x1FF00]  }
0xac: {  	v5 =	vsel vm1, v5, v21;
	v21 =	vld [tilespmem:$0x1FF10]  }
0xad: {  	vm1 =	vmand vm3, vm1  }
0xae: {  	v9 =	vsel vm1, v27, v31;
	v27 =	vld [tilespmem:$0x1FF20];
	_ =	sdelay $0x4  }
0xaf: {  	[tilespmem:v19+s30+$0x0] =	vst.idx.msk $0xffff, v17  }
0xb0: {  	[tilespmem:v21+s30+$0x0] =	vst.idx.msk $0xffff, v18;
	v18 =	vld [tilespmem:$0x1FF30];
	_ =	sdelay $0x1  }
0xb1: {  	[tilespmem:v27+s30+$0x0] =	vst.idx.msk $0xffff, v20;
	v20 =	vld [tilespmem:$0x1FF60];
	_ =	sdelay $0x5  }
0xb2: {  	s31 =	simm.s32 $0x200;
	[tilespmem:v18+s30+$0x0] =	vst.idx.msk $0xffff, v22;
	v22 =	vld [tilespmem:$0x1FF80]  }
0xb3: {  	vm10 =	vmand vm7, vm10;
	[tilespmem:v15+s31+$0x0] =	vst.idx.msk $0xffff, v25;
	v25 =	vld [tilespmem:$0x1FFA0]  }
0xb4: {  	v7 =	vadd.s32 $0xFFFFFFFF, v7;
	vm3 =	vmand vm4, vm11;
	vm4 =	vmand vm11, vm12;
	[tilespmem:v20+s31+$0x0] =	vst.idx.msk $0xffff, v26;
	v26 =	vld [tilespmem:$0x1FFC0]  }
0xb5: {  	vm12 =	vmand vm6, vm7;
	vm6 =	vlt.s32 v6, v7;
	v7 =	vadd.s32 $0x2, v2;
	v18 =	vld [tilespmem:$0x1FFE0]  }
0xb6: {  	vm13 =	vmand vm13, vm6;
	vm5 =	vmand vm5, vm6;
	vm1 =	vmor vm3, vm4  }
0xb7: {  	vm1 =	vmxor vm11, vm1;
	vm11 =	vlt.s32 v7, v4;
	v7 =	vadd.s32 $0x1B6A, v6  }
0xb8: {  	vm11 =	vmand vm11, vm1;
	v7 =	vsel vm13, v7, v55;
	v19 =	vadd.s32 $0x1B0A, v2  }
0xb9: {  	vm2 =	vmand vm2, vm6;
	v7 =	vsel vm11, v19, v7;
	v21 =	vadd.s32 $0x4, v3  }
0xba: {  	vm11 =	vmor vm12, vm10;
	v19 =	vadd.s32 $0x180A, v3;
	vm13 =	vlt.s32 v21, v24;
	[tilespmem:v22+s31+$0x0] =	vst.idx.msk $0xffff, v5  }
0xbb: {  	vm7 =	vmxor vm7, vm11;
	v27 =	vadd.s32 $0x1A07, v24;
	v21 =	vadd.s32 $0x180C, v3;
	[tilespmem:v25+s31+$0x0] =	vst.idx.msk $0xffff, v23  }
0xbc: {  	v10 =	vsel vm10, v27, v34;
	vm8 =	vmand vm8, vm7;
	v5 =	vadd.s32 $0x5, v3;
	[tilespmem:v26+s31+$0x0] =	vst.idx.msk $0xffff, v28  }
0xbd: {  	vm9 =	vmand vm9, vm7;
	vm11 =	vlt.s32 v5, v24;
	v5 =	vadd.s32 $0x6, v3;
	[tilespmem:v18+s31+$0x0] =	vst.idx.msk $0xffff, v29  }
0xbe: {  	vm15 =	vmand vm13, vm7;
	vm14 =	vlt.s32 v5, v24;
	v5 =	vadd.s32 $0x1909, v3;
	[tilespmem:v30+s31+$0x0] =	vst.idx.msk $0xffff, v8  }
0xbf: {  	v27 =	vadd.s32 $0x17, v15;
	v20 =	vadd.s32 $0x180B, v3;
	v5 =	vsel vm12, v5, v33;
	[tilespmem:v32+s31+$0x0] =	vst.idx.msk $0xffff, v9  }
0xc0: {  	v11 =	vsel vm9, v20, v41;
	v22 =	vadd.s32 $0x3, v2;
	[tilespmem:v35+s31+$0x0] =	vst.idx.msk $0xffff, v5;
	v5 =	vadd.s32 $0x1809, v3  }
0xc1: {  	vm13 =	vlt.s32 v22, v4;
	v23 =	vadd.s32 $0x1B6B, v6;
	[tilespmem:v36+s31+$0x0] =	vst.idx.msk $0xffff, v10;
	v5 =	vsel vm7, v5, v37  }
0xc2: {  	v25 =	vadd.s32 $0x4, v2;
	v24 =	vadd.s32 $0x1B0B, v2;
	v8 =	vsel vm8, v19, v39;
	[tilespmem:v38+s31+$0x0] =	vst.idx.msk $0xffff, v5  }
0xc3: {  	v26 =	vadd.s32 $0x1B69, v6;
	v6 =	vadd.s32 $0x1B6C, v6;
	vm12 =	vmand vm11, vm7;
	[tilespmem:v40+s31+$0x0] =	vst.idx.msk $0xffff, v8  }
0xc4: {  	v9 =	vsel vm15, v21, v43;
	vm15 =	vlt.s32 v25, v4;
	v5 =	vadd.s32 $0x180D, v3;
	[tilespmem:v42+s31+$0x0] =	vst.idx.msk $0xffff, v11  }
0xc5: {  	vm7 =	vmand vm14, vm7;
	v3 =	vadd.s32 $0x180E, v3;
	v5 =	vsel vm12, v5, v45;
	[tilespmem:v44+s31+$0x0] =	vst.idx.msk $0xffff, v9  }
0xc6: {  	vm14 =	vmand vm13, vm1;
	v3 =	vsel vm7, v3, v47;
	[tilespmem:v46+s31+$0x0] =	vst.idx.msk $0xffff, v5;
	v5 =	vadd.s32 $0x1B29, v2  }
0xc7: {  	v8 =	vsel vm5, v23, v57;
	[tilespmem:v48+s31+$0x0] =	vst.idx.msk $0xffff, v3;
	v3 =	vadd.s32 $0x1B47, v4;
	v5 =	vsel vm3, v5, v49  }
0xc8: {  	v9 =	vsel vm6, v26, v53;
	v3 =	vsel vm4, v3, v50;
	[tilespmem:v51+s31+$0x0] =	vst.idx.msk $0xffff, v5;
	v5 =	vadd.s32 $0x1B09, v2  }
0xc9: {  	v8 =	vsel vm14, v24, v8;
	vm3 =	vmand vm15, vm1;
	[tilespmem:v52+s31+$0x0] =	vst.idx.msk $0xffff, v3;
	v3 =	vsel vm1, v5, v9  }
0xca: {  	v5 =	vsel vm2, v6, v59;
	v6 =	vadd.s32 $0x5, v2;
	[tilespmem:v54+s31+$0x0] =	vst.idx.msk $0xffff, v3;
	v3 =	vadd.s32 $0x1B0C, v2  }
0xcb: {  	vm2 =	vlt.s32 v6, v4;
	[tilespmem:v56+s31+$0x0] =	vst.idx.msk $0xffff, v7;
	v3 =	vsel vm3, v3, v5;
	v5 =	vadd.s32 $0x6, v2  }
0xcc: {  	vm2 =	vmand vm2, vm1;
	[tilespmem:v58+s31+$0x0] =	vst.idx.msk $0xffff, v8;
	vm3 =	vlt.s32 v5, v4;
	v4 =	vadd.s32 $0x1B0D, v2  }
0xcd: {  	v2 =	vadd.s32 $0x1B0E, v2;
	[tilespmem:v60+s31+$0x0] =	vst.idx.msk $0xffff, v3;
	v3 =	vsel vm2, v4, v61;
	vm1 =	vmand vm3, vm1  }
0xce: {  	[tilespmem:v62+s31+$0x0] =	vst.idx.msk $0xffff, v3;
	v2 =	vsel vm1, v2, v63  }
0xcf: {  	[tilespmem:v27+s31+$0x0] =	vst.idx.msk $0xffff, v2  }
0xd0: {  	v2 =	vld [tilespmem:$0x100];
	_ =	sdelay $0x4  }
0xd1: {  	v3 =	vshll.u32 v2, $0x3  }
0xd2: {  	v2 =	vand.u32 $0x7, v2;
	v3 =	vand.u32 $0xFFFFFFC0, v3  }
0xd3: {  	v5 =	vor.u32 v2, v3;
	v2 =	vand.u32 $0x7, v0;
	v3 =	vshrl.u32 v0, $0x3  }
0xd4: {  	v4 =	vperm.xlane v5, v2;
	v3 =	vmul.u32 $0x8, v3;
	_ =	sdelay $0x1  }
0xd5: {  	v6 =	vadd.s32 v3, v4;
	_ =	sdelay $0x3  }
0xd6: {  	s21 =	simm.s32 $0x380  }
0xd7: {  	v4 =	vor.u32 $0x8, v0;
	[tilespmem:s21], [sflag:$0x1] =	stream.indirect_vreg.gather [hbm4b:s0+s2], $0x80, v6, vm0, $0xb8;
	[tilespmem:$0x18380] =	vst v63  }
0xd8: {  	s22 =	simm.s32 $0xB80;
	v5 =	vperm.xlane v5, v4  }
0xd9: {  	[tilespmem:s22], [sflag:$0x1] =	stream.indirect_vreg.gather [hbm4b:s7+s2], $0x80, v6, vm0, $0xb8;
	[tilespmem:$0x18380] =	vst v63  }
0xda: {  	s23 =	simm.s32 $0x1380;
	v5 =	vadd.s32 v3, v5  }
0xdb: {  	[tilespmem:s23], [sflag:$0x1] =	stream.indirect_vreg.gather [hbm4b:s8+s2], $0x80, v6, vm0, $0xb8;
	[tilespmem:$0x18380] =	vst v63  }
0xdc: {  	s24 =	simm.s32 $0x1B80  }
0xdd: {  	[tilespmem:s24], [sflag:$0x1] =	stream.indirect_vreg.gather [hbm4b:s9+s2], $0x80, v6, vm0, $0xb8;
	[tilespmem:$0x18380] =	vst v63  }
0xde: {  	s25 =	simm.s32 $0x2380  }
0xdf: {  	[tilespmem:s25], [sflag:$0x1] =	stream.indirect_vreg.gather [hbm4b:s0+s2], $0x80, v5, vm0, $0xb8;
	[tilespmem:$0x18380] =	vst v63  }
0xe0: {  	s26 =	simm.s32 $0x2B80  }
0xe1: {  	[tilespmem:s26], [sflag:$0x1] =	stream.indirect_vreg.gather [hbm4b:s7+s2], $0x80, v5, vm0, $0xb8;
	[tilespmem:$0x18380] =	vst v63  }
0xe2: {  	s28 =	simm.s32 $0x3380  }
0xe3: {  	[tilespmem:s28], [sflag:$0x1] =	stream.indirect_vreg.gather [hbm4b:s8+s2], $0x80, v5, vm0, $0xb8;
	[tilespmem:$0x18380] =	vst v63  }
0xe4: {  	s29 =	simm.s32 $0x3B80  }
0xe5: {  	[tilespmem:s29], [sflag:$0x1] =	stream.indirect_vreg.gather [hbm4b:s9+s2], $0x80, v5, vm0, $0xb8;
	[tilespmem:$0x18380] =	vst v63  }
0xe6: {  	v5 =	vld [tilespmem:$0x200];
	_ =	sdelay $0x4  }
0xe7: {  	v6 =	vshll.u32 v5, $0x3  }
0xe8: {  	v5 =	vand.u32 $0x7, v5;
	v6 =	vand.u32 $0xFFFFFFC0, v6  }
0xe9: {  	v5 =	vor.u32 v5, v6  }
0xea: {  	v6 =	vperm.xlane v5, v2;
	_ =	sdelay $0x1  }
0xeb: {  	v6 =	vadd.s32 v3, v6;
	_ =	sdelay $0x3  }
0xec: {  	s30 =	simm.s32 $0x4380  }
0xed: {  	[tilespmem:s30], [sflag:$0x2] =	stream.indirect_vreg.gather [hbm4b:s4+s2], $0x80, v6, vm0, $0xb8;
	[tilespmem:$0x18380] =	vst v63  }
0xee: {  	s31 =	simm.s32 $0x4B80;
	v5 =	vperm.xlane v5, v4  }
0xef: {  	[tilespmem:s31], [sflag:$0x2] =	stream.indirect_vreg.gather [hbm4b:s10+s2], $0x80, v6, vm0, $0xb8;
	[tilespmem:$0x18380] =	vst v63  }
0xf0: {  	s21 =	simm.s32 $0x5380;
	v5 =	vadd.s32 v3, v5  }
0xf1: {  	[tilespmem:s21], [sflag:$0x2] =	stream.indirect_vreg.gather [hbm4b:s11+s2], $0x80, v6, vm0, $0xb8;
	[tilespmem:$0x18380] =	vst v63  }
0xf2: {  	s22 =	simm.s32 $0x5B80  }
0xf3: {  	[tilespmem:s22], [sflag:$0x2] =	stream.indirect_vreg.gather [hbm4b:s12+s2], $0x80, v6, vm0, $0xb8;
	[tilespmem:$0x18380] =	vst v63  }
0xf4: {  	s23 =	simm.s32 $0x6380  }
0xf5: {  	[tilespmem:s23], [sflag:$0x2] =	stream.indirect_vreg.gather [hbm4b:s4+s2], $0x80, v5, vm0, $0xb8;
	[tilespmem:$0x18380] =	vst v63  }
0xf6: {  	s24 =	simm.s32 $0x6B80  }
0xf7: {  	[tilespmem:s24], [sflag:$0x2] =	stream.indirect_vreg.gather [hbm4b:s10+s2], $0x80, v5, vm0, $0xb8;
	[tilespmem:$0x18380] =	vst v63  }
0xf8: {  	s25 =	simm.s32 $0x7380  }
0xf9: {  	[tilespmem:s25], [sflag:$0x2] =	stream.indirect_vreg.gather [hbm4b:s11+s2], $0x80, v5, vm0, $0xb8;
	[tilespmem:$0x18380] =	vst v63  }
0xfa: {  	s26 =	simm.s32 $0x7B80  }
0xfb: {  	[tilespmem:s26], [sflag:$0x2] =	stream.indirect_vreg.gather [hbm4b:s12+s2], $0x80, v5, vm0, $0xb8;
	[tilespmem:$0x18380] =	vst v63  }
0xfc: {  	v5 =	vld.msk [tilespmem:$0x210], $0xff;
	_ =	sdelay $0x4  }
0xfd: {  	v6 =	vshll.u32 v5, $0x3  }
0xfe: {  	v5 =	vand.u32 $0x7, v5;
	v6 =	vand.u32 $0xFFFFFFC0, v6  }
0xff: {  	v5 =	vor.u32 v5, v6  }
0x100: {  	v5 =	vperm.xlane v5, v2;
	_ =	sdelay $0x1  }
0x101: {  	v5 =	vadd.s32 v3, v5;
	_ =	sdelay $0x3  }
0x102: {  	s28 =	simm.s32 $0x8380  }
0x103: {  	[tilespmem:s28], [sflag:$0x2] =	stream.indirect_vreg.gather [hbm4b:s4+s2], $0x80, v5, vm0, $0xb8;
	[tilespmem:$0x18380] =	vst v63  }
0x104: {  	s29 =	simm.s32 $0x8B80  }
0x105: {  	[tilespmem:s29], [sflag:$0x2] =	stream.indirect_vreg.gather [hbm4b:s10+s2], $0x80, v5, vm0, $0xb8;
	[tilespmem:$0x18380] =	vst v63  }
0x106: {  	s30 =	simm.s32 $0x9380  }
0x107: {  	[tilespmem:s30], [sflag:$0x2] =	stream.indirect_vreg.gather [hbm4b:s11+s2], $0x80, v5, vm0, $0xb8;
	[tilespmem:$0x18380] =	vst v63  }
0x108: {  	s20 =	simm.s32 $0x0;
	s31 =	simm.s32 $0x9B80  }
0x109: {  	[tilespmem:s31], [sflag:$0x2] =	stream.indirect_vreg.gather [hbm4b:s12+s2], $0x80, v5, vm0, $0xb8;
	[tilespmem:$0x18380] =	vst v63  }
.LBB2_2:
0x10a: {  	s21 =	sshllo.u32 s20, $0x1  }
0x10b: {  	s22 =	sshll.u32 s21, $0x4  }
0x10c: {  	s22 =	sand.u32 $0x3FFFFFF0, s22  }
0x10d: {  	v5 =	vld [tilespmem:s22+$0x100];
	_ =	sdelay $0x4  }
0x10e: {  	v6 =	vshll.u32 v5, $0x3  }
0x10f: {  	v5 =	vand.u32 $0x7, v5;
	v6 =	vand.u32 $0xFFFFFFC0, v6  }
0x110: {  	v5 =	vor.u32 v5, v6  }
0x111: {  	v6 =	vperm.xlane v5, v2;
	_ =	sdelay $0x1  }
0x112: {  	v6 =	vadd.s32 v3, v6;
	_ =	sdelay $0x3  }
0x113: {  	s25 =	simm.s32 $0x0;
	s26 =	simm.s32 $0xA380  }
0x114: {  	[tilespmem:s26], [sflag:$0x3] =	stream.indirect_vreg.gather [hbm4b:s0+s25], $0x80, v6, vm0, $0xb8;
	[tilespmem:$0x18380] =	vst v63  }
0x115: {  	s31 =	simm.s32 $0xAB80;
	v5 =	vperm.xlane v5, v4  }
0x116: {  	[tilespmem:s31], [sflag:$0x3] =	stream.indirect_vreg.gather [hbm4b:s7+s25], $0x80, v6, vm0, $0xb8;
	[tilespmem:$0x18380] =	vst v63  }
0x117: {  	s23 =	simm.s32 $0xB380;
	v5 =	vadd.s32 v3, v5  }
0x118: {  	[tilespmem:s23], [sflag:$0x3] =	stream.indirect_vreg.gather [hbm4b:s8+s25], $0x80, v6, vm0, $0xb8;
	[tilespmem:$0x18380] =	vst v63  }
0x119: {  	s24 =	simm.s32 $0xBB80  }
0x11a: {  	[tilespmem:s24], [sflag:$0x3] =	stream.indirect_vreg.gather [hbm4b:s9+s25], $0x80, v6, vm0, $0xb8;
	[tilespmem:$0x18380] =	vst v63  }
0x11b: {  	s26 =	simm.s32 $0xC380  }
0x11c: {  	[tilespmem:s26], [sflag:$0x3] =	stream.indirect_vreg.gather [hbm4b:s0+s25], $0x80, v5, vm0, $0xb8;
	[tilespmem:$0x18380] =	vst v63  }
0x11d: {  	s31 =	simm.s32 $0xCB80  }
0x11e: {  	[tilespmem:s31], [sflag:$0x3] =	stream.indirect_vreg.gather [hbm4b:s7+s25], $0x80, v5, vm0, $0xb8;
	[tilespmem:$0x18380] =	vst v63  }
0x11f: {  	s23 =	simm.s32 $0xD380;
	s24 =	smul.u32 $0x60, s21  }
0x120: {  	[tilespmem:s23], [sflag:$0x3] =	stream.indirect_vreg.gather [hbm4b:s8+s25], $0x80, v5, vm0, $0xb8;
	[tilespmem:$0x18380] =	vst v63  }
0x121: {  	s22 =	sshra.s32 s24, $0x2;
	s23 =	simm.s32 $0xDB80  }
0x122: {  	[tilespmem:s23], [sflag:$0x3] =	stream.indirect_vreg.gather [hbm4b:s9+s25], $0x80, v5, vm0, $0xb8;
	[tilespmem:$0x18380] =	vst v63  }
0x123: {  	v5 =	vld [tilespmem:s22+$0x200];
	_ =	sdelay $0x4  }
0x124: {  	v6 =	vshll.u32 v5, $0x3  }
0x125: {  	v5 =	vand.u32 $0x7, v5;
	v6 =	vand.u32 $0xFFFFFFC0, v6  }
0x126: {  	v5 =	vor.u32 v5, v6  }
0x127: {  	v6 =	vperm.xlane v5, v2;
	_ =	sdelay $0x1  }
0x128: {  	v6 =	vadd.s32 v3, v6;
	_ =	sdelay $0x3  }
0x129: {  	s26 =	simm.s32 $0xE380  }
0x12a: {  	[tilespmem:s26], [sflag:$0x4] =	stream.indirect_vreg.gather [hbm4b:s4+s25], $0x80, v6, vm0, $0xb8;
	[tilespmem:$0x18380] =	vst v63  }
0x12b: {  	s31 =	simm.s32 $0xEB80;
	v5 =	vperm.xlane v5, v4  }
0x12c: {  	[tilespmem:s31], [sflag:$0x4] =	stream.indirect_vreg.gather [hbm4b:s10+s25], $0x80, v6, vm0, $0xb8;
	[tilespmem:$0x18380] =	vst v63  }
0x12d: {  	s24 =	simm.s32 $0xF380;
	v5 =	vadd.s32 v3, v5  }
0x12e: {  	[tilespmem:s24], [sflag:$0x4] =	stream.indirect_vreg.gather [hbm4b:s11+s25], $0x80, v6, vm0, $0xb8;
	[tilespmem:$0x18380] =	vst v63  }
0x12f: {  	s26 =	simm.s32 $0xFB80  }
0x130: {  	[tilespmem:s26], [sflag:$0x4] =	stream.indirect_vreg.gather [hbm4b:s12+s25], $0x80, v6, vm0, $0xb8;
	[tilespmem:$0x18380] =	vst v63  }
0x131: {  	s31 =	simm.s32 $0x10380  }
0x132: {  	[tilespmem:s31], [sflag:$0x4] =	stream.indirect_vreg.gather [hbm4b:s4+s25], $0x80, v5, vm0, $0xb8;
	[tilespmem:$0x18380] =	vst v63  }
0x133: {  	_ = 	snop  }
0x134: {  	[tilespmem:s1], [sflag:$0x4] =	stream.indirect_vreg.gather [hbm4b:s10+s25], $0x80, v5, vm0, $0xb8;
	[tilespmem:$0x18380] =	vst v63  }
0x135: {  	_ = 	snop  }
0x136: {  	[tilespmem:s3], [sflag:$0x4] =	stream.indirect_vreg.gather [hbm4b:s11+s25], $0x80, v5, vm0, $0xb8;
	[tilespmem:$0x18380] =	vst v63  }
0x137: {  	_ = 	snop  }
0x138: {  	[tilespmem:s16], [sflag:$0x4] =	stream.indirect_vreg.gather [hbm4b:s12+s25], $0x80, v5, vm0, $0xb8;
	[tilespmem:$0x18380] =	vst v63  }
0x139: {  	v5 =	vld.msk [tilespmem:s22+$0x210], $0xff;
	_ =	sdelay $0x4  }
0x13a: {  	v6 =	vshll.u32 v5, $0x3  }
0x13b: {  	v5 =	vand.u32 $0x7, v5;
	v6 =	vand.u32 $0xFFFFFFC0, v6  }
0x13c: {  	v5 =	vor.u32 v5, v6  }
0x13d: {  	v5 =	vperm.xlane v5, v2;
	_ =	sdelay $0x1  }
0x13e: {  	v5 =	vadd.s32 v3, v5;
	_ =	sdelay $0x4  }
0x13f: {  	[tilespmem:s5], [sflag:$0x4] =	stream.indirect_vreg.gather [hbm4b:s4+s25], $0x80, v5, vm0, $0xb8;
	[tilespmem:$0x18380] =	vst v63  }
0x140: {  	_ = 	snop  }
0x141: {  	[tilespmem:s6], [sflag:$0x4] =	stream.indirect_vreg.gather [hbm4b:s10+s25], $0x80, v5, vm0, $0xb8;
	[tilespmem:$0x18380] =	vst v63  }
0x142: {  	_ = 	snop  }
0x143: {  	[tilespmem:s13], [sflag:$0x4] =	stream.indirect_vreg.gather [hbm4b:s11+s25], $0x80, v5, vm0, $0xb8;
	[tilespmem:$0x18380] =	vst v63  }
0x144: {  	_ = 	snop  }
0x145: {  	[tilespmem:s14], [sflag:$0x4] =	stream.indirect_vreg.gather [hbm4b:s12+s25], $0x80, v5, vm0, $0xb8;
	[tilespmem:$0x18380] =	vst v63  }
0x146: {  	_ =	swait.ge [sflag:s15], $0x4000  }
0x147: {  	s28 =	sand.u32 $0x1C00, s25;
	s26 =	sand.u32 $0x70, s25;
	[sflag:s15] =	ssyncset.done $0x0  }
0x148: {  	s30 =	sor.u32 s26, s28;
	[sflag:s15] =	ssyncadd.s32 $0xFFFFC000  }
0x149: {  	v5 =	vld [tilespmem:s30+$0x400]  }
0x14a: {  	v6 =	vld [tilespmem:s30+$0x380]  }
0x14b: {  	v7 =	vld [tilespmem:s30+$0x480]  }
0x14c: {  	v9 =	vld [tilespmem:s30+$0x500]  }
0x14d: {  	v8 =	vld [tilespmem:s30+$0x580]  }
0x14e: {  	s23 =	sor.u32 s25, s25;
	v10 =	vld [tilespmem:s30+$0x600]  }
0x14f: {  	s22 =	sor.u32 $0x380, s23;
	v11 =	vld [tilespmem:s30+$0x680]  }
0x150: {  	v12 =	vld [tilespmem:s22+$0x380]  }
0x151: {  	v13 =	vld [tilespmem:s30+$0x2380]  }
0x152: {  	v14 =	vld [tilespmem:s30+$0x2400]  }
0x153: {  	s24 =	sshll.u32 s20, $0xB;
	v16 =	vld [tilespmem:s30+$0x2480]  }
0x154: {  	s31 =	sshll.u32 s20, $0x8;
	s22 =	sand.u32 $0x2000, s24;
	v17 =	vld [tilespmem:s30+$0x2500]  }
0x155: {  	s24 =	sand.u32 $0x300, s31;
	v18 =	vld [tilespmem:s30+$0x2580];
	s22 =	sor.u32 $0x14380, s22  }
0x156: {  	s29 =	simm.s32 $0x10;
	s23 =	sshll.u32 s20, $0x1;
	v19 =	vld [tilespmem:s30+$0x2600];
	s24 =	sadd.s32 s24, s22  }
.LBB2_3:
0x157: {  	p0 =	sne.s32 s29, $0x3F0;
	v20 =	vld [tilespmem:s30+$0x2680]  }
0x158: {  	v21 =	vld [tilespmem:s30+$0x2700];
	_ =	sdelay $0x1  }
0x159: {  	v5 =	vmax.f32 v6, v5;
	v6 =	vmax.f32 v7, v9  }
0x15a: {  	v5 =	vmax.f32 v5, v6  }
0x15b: {  	v7 =	vmax.f32 v11, v12;
	v6 =	vmax.f32 v8, v10;
	v8 =	vmax.f32 v13, v14  }
0x15c: {  	v9 =	vmax.f32 v16, v17;
	v10 =	vmax.f32 v18, v19;
	v11 =	vmax.f32 v20, v21  }
0x15d: {  	v6 =	vmax.f32 v6, v7;
	v7 =	vmax.f32 v8, v9;
	v8 =	vmax.f32 v10, v11  }
0x15e: {  	s25 =	sadd.s32 $0x80, s25;
	s30 =	sadd.s32 s28, s24;
	v5 =	vmax.f32 v5, v6;
	v6 =	vmax.f32 v7, v8  }
0x15f: {  	s28 =	sand.u32 $0x1C00, s25;
	s31 =	sadd.s32 s26, s30;
	s26 =	sand.u32 $0x70, s29;
	v5 =	vmax.f32 v5, v6  }
0x160: {  	s30 =	sor.u32 s26, s28;
	[tilespmem:s31+$0x0] =	vst v5  }
0x161: {  	v5 =	vld [tilespmem:s30+$0x400]  }
0x162: {  	v6 =	vld [tilespmem:s30+$0x380]  }
0x163: {  	v7 =	vld [tilespmem:s30+$0x480]  }
0x164: {  	v9 =	vld [tilespmem:s30+$0x500]  }
0x165: {  	v8 =	vld [tilespmem:s30+$0x580]  }
0x166: {  	s31 =	sor.u32 s25, s29;
	v10 =	vld [tilespmem:s30+$0x600]  }
0x167: {  	s31 =	sor.u32 $0x380, s31;
	v11 =	vld [tilespmem:s30+$0x680]  }
0x168: {  	v12 =	vld [tilespmem:s31+$0x380]  }
0x169: {  	v13 =	vld [tilespmem:s30+$0x2380]  }
.Ltmp0:
0x16a: {  	v14 =	vld [tilespmem:s30+$0x2400];
	(pc) =	sbr.rel @p0 .LBB2_3-.Ltmp0, $4  }
0x16b: {  	v16 =	vld [tilespmem:s30+$0x2480]  }
0x16c: {  	v17 =	vld [tilespmem:s30+$0x2500]  }
0x16d: {  	v18 =	vld [tilespmem:s30+$0x2580]  }
0x16e: {  	s29 =	sadd.s32 $0x10, s29;
	v19 =	vld [tilespmem:s30+$0x2600]  }
0x16f: {  	v20 =	vld [tilespmem:s30+$0x2680]  }
0x170: {  	v21 =	vld [tilespmem:s30+$0x2700];
	_ =	sdelay $0x2  }
0x171: {  	v5 =	vmax.f32 v6, v5;
	v6 =	vmax.f32 v7, v9;
	v7 =	vmax.f32 v11, v12  }
0x172: {  	v5 =	vmax.f32 v5, v6;
	v6 =	vmax.f32 v8, v10;
	v8 =	vmax.f32 v13, v14  }
0x173: {  	v9 =	vmax.f32 v16, v17;
	v10 =	vmax.f32 v18, v19;
	v11 =	vmax.f32 v20, v21  }
0x174: {  	v6 =	vmax.f32 v6, v7;
	v7 =	vmax.f32 v8, v9;
	v8 =	vmax.f32 v10, v11  }
0x175: {  	s25 =	sadd.s32 s28, s24;
	v5 =	vmax.f32 v5, v6;
	v6 =	vmax.f32 v7, v8  }
0x176: {  	s25 =	sadd.s32 s26, s25;
	v5 =	vmax.f32 v5, v6  }
0x177: {  	[tilespmem:s25+$0x0] =	vst v5  }
0x178: {  	s25 =	simm.s32 $0x0;
	_ =	swait.ge [sflag:s18], $0x6000  }
0x179: {  	s26 =	sand.u32 $0x70, s25;
	s29 =	sand.u32 $0x1C00, s25;
	[sflag:s18] =	ssyncset.done $0x0  }
0x17a: {  	s30 =	sor.u32 s26, s29;
	[sflag:s18] =	ssyncadd.s32 $0xFFFFA000  }
0x17b: {  	v5 =	vld [tilespmem:s30+$0x4400]  }
0x17c: {  	v6 =	vld [tilespmem:s30+$0x4380]  }
0x17d: {  	v7 =	vld [tilespmem:s30+$0x4480]  }
0x17e: {  	v8 =	vld [tilespmem:s30+$0x4500]  }
0x17f: {  	v9 =	vld [tilespmem:s30+$0x4580]  }
0x180: {  	v11 =	vld [tilespmem:s30+$0x4600]  }
0x181: {  	v10 =	vld [tilespmem:s30+$0x4680]  }
0x182: {  	v13 =	vld [tilespmem:s30+$0x4700]  }
0x183: {  	v14 =	vld [tilespmem:s30+$0x6380]  }
0x184: {  	v18 =	vld [tilespmem:s30+$0x6400]  }
0x185: {  	v19 =	vld [tilespmem:s30+$0x6480]  }
0x186: {  	v22 =	vld [tilespmem:s30+$0x6500]  }
0x187: {  	v12 =	vld [tilespmem:s30+$0x6580]  }
0x188: {  	v16 =	vld [tilespmem:s30+$0x6600]  }
0x189: {  	v17 =	vld [tilespmem:s30+$0x6680]  }
0x18a: {  	v20 =	vld [tilespmem:s30+$0x6700]  }
0x18b: {  	v21 =	vld [tilespmem:s30+$0x8380]  }
0x18c: {  	v23 =	vld [tilespmem:s30+$0x8400]  }
0x18d: {  	v24 =	vld [tilespmem:s30+$0x8480]  }
0x18e: {  	v25 =	vld [tilespmem:s30+$0x8500]  }
0x18f: {  	v26 =	vld [tilespmem:s30+$0x8580]  }
0x190: {  	s28 =	simm.s32 $0x10;
	v27 =	vld [tilespmem:s30+$0x8600]  }
.LBB2_5:
0x191: {  	p0 =	sne.s32 s28, $0x3F0;
	v28 =	vld [tilespmem:s30+$0x8680]  }
0x192: {  	v29 =	vld [tilespmem:s30+$0x8700]  }
0x193: {  	s29 =	sadd.s32 s29, s24;
	v5 =	vmax.f32 v6, v5;
	v6 =	vmax.f32 v7, v8;
	v7 =	vmax.f32 v9, v11  }
0x194: {  	v8 =	vmax.f32 v10, v13;
	v9 =	vmax.f32 v14, v18;
	v10 =	vmax.f32 v19, v22;
	s31 =	sadd.s32 s26, s29  }
0x195: {  	v5 =	vmax.f32 v5, v6;
	v6 =	vmax.f32 v7, v8;
	v7 =	vmax.f32 v9, v10;
	v11 =	vld [tilespmem:s31+$0x0]  }
0x196: {  	v8 =	vmax.f32 v12, v16;
	v9 =	vmax.f32 v17, v20;
	v10 =	vmax.f32 v21, v23  }
0x197: {  	v12 =	vmax.f32 v24, v25;
	v13 =	vmax.f32 v26, v27;
	v14 =	vmax.f32 v28, v29  }
0x198: {  	v8 =	vmax.f32 v8, v9;
	v9 =	vmax.f32 v10, v12;
	v10 =	vmax.f32 v13, v14  }
0x199: {  	v5 =	vmax.f32 v5, v6;
	v6 =	vmax.f32 v7, v8;
	v7 =	vmax.f32 v9, v10  }
0x19a: {  	s25 =	sadd.s32 $0x80, s25;
	v5 =	vmax.f32 v5, v6;
	v6 =	vmax.f32 v7, v11  }
0x19b: {  	s26 =	sand.u32 $0x70, s28;
	s29 =	sand.u32 $0x1C00, s25;
	v5 =	vmax.f32 v5, v6  }
0x19c: {  	s30 =	sor.u32 s26, s29;
	[tilespmem:s31+$0x0] =	vst v5  }
0x19d: {  	v5 =	vld [tilespmem:s30+$0x4400]  }
0x19e: {  	v6 =	vld [tilespmem:s30+$0x4380]  }
0x19f: {  	v7 =	vld [tilespmem:s30+$0x4480]  }
0x1a0: {  	v8 =	vld [tilespmem:s30+$0x4500]  }
0x1a1: {  	v9 =	vld [tilespmem:s30+$0x4580]  }
0x1a2: {  	v11 =	vld [tilespmem:s30+$0x4600]  }
0x1a3: {  	v10 =	vld [tilespmem:s30+$0x4680]  }
0x1a4: {  	v13 =	vld [tilespmem:s30+$0x4700]  }
0x1a5: {  	v14 =	vld [tilespmem:s30+$0x6380]  }
0x1a6: {  	v18 =	vld [tilespmem:s30+$0x6400]  }
0x1a7: {  	v19 =	vld [tilespmem:s30+$0x6480]  }
0x1a8: {  	v22 =	vld [tilespmem:s30+$0x6500]  }
0x1a9: {  	v12 =	vld [tilespmem:s30+$0x6580]  }
0x1aa: {  	v16 =	vld [tilespmem:s30+$0x6600]  }
0x1ab: {  	v17 =	vld [tilespmem:s30+$0x6680]  }
0x1ac: {  	v20 =	vld [tilespmem:s30+$0x6700]  }
0x1ad: {  	v21 =	vld [tilespmem:s30+$0x8380]  }
.Ltmp1:
0x1ae: {  	v23 =	vld [tilespmem:s30+$0x8400];
	(pc) =	sbr.rel @p0 .LBB2_5-.Ltmp1, $4  }
0x1af: {  	v24 =	vld [tilespmem:s30+$0x8480]  }
0x1b0: {  	v25 =	vld [tilespmem:s30+$0x8500]  }
0x1b1: {  	v26 =	vld [tilespmem:s30+$0x8580]  }
0x1b2: {  	s28 =	sadd.s32 $0x10, s28;
	v27 =	vld [tilespmem:s30+$0x8600]  }
0x1b3: {  	v28 =	vld [tilespmem:s30+$0x8680]  }
0x1b4: {  	v29 =	vld [tilespmem:s30+$0x8700]  }
0x1b5: {  	s24 =	sadd.s32 s29, s24;
	v5 =	vmax.f32 v6, v5;
	v6 =	vmax.f32 v7, v8;
	v7 =	vmax.f32 v9, v11  }
0x1b6: {  	v8 =	vmax.f32 v10, v13;
	v9 =	vmax.f32 v14, v18;
	v22 =	vmax.f32 v19, v22;
	s24 =	sadd.s32 s26, s24  }
0x1b7: {  	v19 =	vmax.f32 v12, v16;
	v23 =	vmax.f32 v21, v23;
	v5 =	vmax.f32 v5, v6;
	v18 =	vld [tilespmem:s24+$0x0]  }
0x1b8: {  	v6 =	vmax.f32 v7, v8;
	v7 =	vmax.f32 v9, v22;
	v22 =	vmax.f32 v17, v20  }
0x1b9: {  	p0 =	seq.s32 s20, $0x7;
	v12 =	vmax.f32 v24, v25;
	v13 =	vmax.f32 v26, v27;
	v14 =	vmax.f32 v28, v29  }
.Ltmp2:
0x1ba: {  	v8 =	vmax.f32 v19, v22;
	v26 =	vmax.f32 v23, v12;
	v27 =	vmax.f32 v13, v14;
	(pc) =	sbr.rel @p0 .LBB2_8-.Ltmp2, $4  }
0x1bb: {  	v5 =	vmax.f32 v5, v6;
	v6 =	vmax.f32 v7, v8;
	v7 =	vmax.f32 v26, v27  }
0x1bc: {  	v5 =	vmax.f32 v5, v6;
	v6 =	vmax.f32 v7, v18  }
0x1bd: {  	v5 =	vmax.f32 v5, v6  }
0x1be: {  	[tilespmem:s24+$0x0] =	vst v5  }
0x1bf: {  	s23 =	sadd.s32 $0x2, s23  }
0x1c0: {  	s24 =	sshll.u32 s23, $0x4  }
0x1c1: {  	s24 =	sand.u32 $0x3FFFFFF0, s24  }
0x1c2: {  	v5 =	vld [tilespmem:s24+$0x100];
	_ =	sdelay $0x4  }
0x1c3: {  	v6 =	vshll.u32 v5, $0x3  }
0x1c4: {  	v5 =	vand.u32 $0x7, v5;
	v6 =	vand.u32 $0xFFFFFFC0, v6  }
0x1c5: {  	v5 =	vor.u32 v5, v6  }
0x1c6: {  	v6 =	vperm.xlane v5, v2;
	_ =	sdelay $0x1  }
0x1c7: {  	v6 =	vadd.s32 v3, v6;
	_ =	sdelay $0x3  }
0x1c8: {  	s30 =	simm.s32 $0x380  }
0x1c9: {  	[tilespmem:s30], [sflag:$0x1] =	stream.indirect_vreg.gather [hbm4b:s0+s2], $0x80, v6, vm0, $0xb8;
	[tilespmem:$0x18380] =	vst v63  }
0x1ca: {  	s31 =	simm.s32 $0xB80;
	v5 =	vperm.xlane v5, v4  }
0x1cb: {  	[tilespmem:s31], [sflag:$0x1] =	stream.indirect_vreg.gather [hbm4b:s7+s2], $0x80, v6, vm0, $0xb8;
	[tilespmem:$0x18380] =	vst v63  }
0x1cc: {  	s25 =	simm.s32 $0x1380;
	v5 =	vadd.s32 v3, v5  }
0x1cd: {  	[tilespmem:s25], [sflag:$0x1] =	stream.indirect_vreg.gather [hbm4b:s8+s2], $0x80, v6, vm0, $0xb8;
	[tilespmem:$0x18380] =	vst v63  }
0x1ce: {  	s26 =	simm.s32 $0x1B80  }
0x1cf: {  	[tilespmem:s26], [sflag:$0x1] =	stream.indirect_vreg.gather [hbm4b:s9+s2], $0x80, v6, vm0, $0xb8;
	[tilespmem:$0x18380] =	vst v63  }
0x1d0: {  	s28 =	simm.s32 $0x2380  }
0x1d1: {  	[tilespmem:s28], [sflag:$0x1] =	stream.indirect_vreg.gather [hbm4b:s0+s2], $0x80, v5, vm0, $0xb8;
	[tilespmem:$0x18380] =	vst v63  }
0x1d2: {  	s29 =	simm.s32 $0x2B80  }
0x1d3: {  	[tilespmem:s29], [sflag:$0x1] =	stream.indirect_vreg.gather [hbm4b:s7+s2], $0x80, v5, vm0, $0xb8;
	[tilespmem:$0x18380] =	vst v63  }
0x1d4: {  	s23 =	smul.u32 $0x60, s23;
	s30 =	simm.s32 $0x3380  }
0x1d5: {  	[tilespmem:s30], [sflag:$0x1] =	stream.indirect_vreg.gather [hbm4b:s8+s2], $0x80, v5, vm0, $0xb8;
	[tilespmem:$0x18380] =	vst v63  }
0x1d6: {  	s23 =	sshra.s32 s23, $0x2;
	s31 =	simm.s32 $0x3B80  }
0x1d7: {  	[tilespmem:s31], [sflag:$0x1] =	stream.indirect_vreg.gather [hbm4b:s9+s2], $0x80, v5, vm0, $0xb8;
	[tilespmem:$0x18380] =	vst v63  }
0x1d8: {  	v5 =	vld [tilespmem:s23+$0x200];
	_ =	sdelay $0x4  }
0x1d9: {  	v6 =	vshll.u32 v5, $0x3  }
0x1da: {  	v5 =	vand.u32 $0x7, v5;
	v6 =	vand.u32 $0xFFFFFFC0, v6  }
0x1db: {  	v5 =	vor.u32 v5, v6  }
0x1dc: {  	v6 =	vperm.xlane v5, v2;
	_ =	sdelay $0x1  }
0x1dd: {  	v6 =	vadd.s32 v3, v6;
	_ =	sdelay $0x3  }
0x1de: {  	s25 =	simm.s32 $0x4380  }
0x1df: {  	[tilespmem:s25], [sflag:$0x2] =	stream.indirect_vreg.gather [hbm4b:s4+s2], $0x80, v6, vm0, $0xb8;
	[tilespmem:$0x18380] =	vst v63  }
0x1e0: {  	s26 =	simm.s32 $0x4B80;
	v5 =	vperm.xlane v5, v4  }
0x1e1: {  	[tilespmem:s26], [sflag:$0x2] =	stream.indirect_vreg.gather [hbm4b:s10+s2], $0x80, v6, vm0, $0xb8;
	[tilespmem:$0x18380] =	vst v63  }
0x1e2: {  	s28 =	simm.s32 $0x5380;
	v5 =	vadd.s32 v3, v5  }
0x1e3: {  	[tilespmem:s28], [sflag:$0x2] =	stream.indirect_vreg.gather [hbm4b:s11+s2], $0x80, v6, vm0, $0xb8;
	[tilespmem:$0x18380] =	vst v63  }
0x1e4: {  	s29 =	simm.s32 $0x5B80  }
0x1e5: {  	[tilespmem:s29], [sflag:$0x2] =	stream.indirect_vreg.gather [hbm4b:s12+s2], $0x80, v6, vm0, $0xb8;
	[tilespmem:$0x18380] =	vst v63  }
0x1e6: {  	s30 =	simm.s32 $0x6380  }
0x1e7: {  	[tilespmem:s30], [sflag:$0x2] =	stream.indirect_vreg.gather [hbm4b:s4+s2], $0x80, v5, vm0, $0xb8;
	[tilespmem:$0x18380] =	vst v63  }
0x1e8: {  	s31 =	simm.s32 $0x6B80  }
0x1e9: {  	[tilespmem:s31], [sflag:$0x2] =	stream.indirect_vreg.gather [hbm4b:s10+s2], $0x80, v5, vm0, $0xb8;
	[tilespmem:$0x18380] =	vst v63  }
0x1ea: {  	s25 =	simm.s32 $0x7380  }
0x1eb: {  	[tilespmem:s25], [sflag:$0x2] =	stream.indirect_vreg.gather [hbm4b:s11+s2], $0x80, v5, vm0, $0xb8;
	[tilespmem:$0x18380] =	vst v63  }
0x1ec: {  	s26 =	simm.s32 $0x7B80  }
0x1ed: {  	[tilespmem:s26], [sflag:$0x2] =	stream.indirect_vreg.gather [hbm4b:s12+s2], $0x80, v5, vm0, $0xb8;
	[tilespmem:$0x18380] =	vst v63  }
0x1ee: {  	v5 =	vld.msk [tilespmem:s23+$0x210], $0xff;
	_ =	sdelay $0x4  }
0x1ef: {  	v6 =	vshll.u32 v5, $0x3  }
0x1f0: {  	v5 =	vand.u32 $0x7, v5;
	v6 =	vand.u32 $0xFFFFFFC0, v6  }
0x1f1: {  	v5 =	vor.u32 v5, v6  }
0x1f2: {  	v5 =	vperm.xlane v5, v2;
	_ =	sdelay $0x1  }
0x1f3: {  	v5 =	vadd.s32 v3, v5;
	_ =	sdelay $0x3  }
0x1f4: {  	s28 =	simm.s32 $0x8380  }
0x1f5: {  	[tilespmem:s28], [sflag:$0x2] =	stream.indirect_vreg.gather [hbm4b:s4+s2], $0x80, v5, vm0, $0xb8;
	[tilespmem:$0x18380] =	vst v63  }
0x1f6: {  	s29 =	simm.s32 $0x8B80  }
0x1f7: {  	[tilespmem:s29], [sflag:$0x2] =	stream.indirect_vreg.gather [hbm4b:s10+s2], $0x80, v5, vm0, $0xb8;
	[tilespmem:$0x18380] =	vst v63  }
0x1f8: {  	s30 =	simm.s32 $0x9380  }
0x1f9: {  	[tilespmem:s30], [sflag:$0x2] =	stream.indirect_vreg.gather [hbm4b:s11+s2], $0x80, v5, vm0, $0xb8;
	[tilespmem:$0x18380] =	vst v63  }
0x1fa: {  	s31 =	simm.s32 $0x9B80  }
0x1fb: {  	[tilespmem:s31], [sflag:$0x2] =	stream.indirect_vreg.gather [hbm4b:s12+s2], $0x80, v5, vm0, $0xb8;
	[tilespmem:$0x18380] =	vst v63  }
.LBB2_8:
0x1fc: {  	_ =	swait.ge [sflag:s17], $0x4000;
	s25 =	simm.s32 $0x0  }
0x1fd: {  	[sflag:s17] =	ssyncset.done $0x0;
	s23 =	sand.u32 $0x70, s25;
	s24 =	sand.u32 $0x1C00, s25  }
0x1fe: {  	[sflag:s17] =	ssyncadd.s32 $0xFFFFC000;
	s26 =	sor.u32 s23, s24  }
0x1ff: {  	v5 =	vld [tilespmem:s26+$0xA400]  }
0x200: {  	v6 =	vld [tilespmem:s26+$0xA380]  }
0x201: {  	v7 =	vld [tilespmem:s26+$0xA480]  }
0x202: {  	v9 =	vld [tilespmem:s26+$0xA500]  }
0x203: {  	v8 =	vld [tilespmem:s26+$0xA580]  }
0x204: {  	v10 =	vld [tilespmem:s26+$0xA600]  }
0x205: {  	v11 =	vld [tilespmem:s26+$0xA680]  }
0x206: {  	v12 =	vld [tilespmem:s26+$0xA700]  }
0x207: {  	v13 =	vld [tilespmem:s26+$0xC380]  }
0x208: {  	v14 =	vld [tilespmem:s26+$0xC400]  }
0x209: {  	v16 =	vld [tilespmem:s26+$0xC480]  }
0x20a: {  	s21 =	sshll.u32 s21, $0x7;
	v17 =	vld [tilespmem:s26+$0xC500]  }
0x20b: {  	s21 =	sand.u32 $0x380, s21;
	v18 =	vld [tilespmem:s26+$0xC580]  }
0x20c: {  	s21 =	sadd.s32 s21, s22;
	s22 =	simm.s32 $0x10;
	v19 =	vld [tilespmem:s26+$0xC600]  }
.LBB2_9:
0x20d: {  	p0 =	sne.s32 s22, $0x3F0;
	v20 =	vld [tilespmem:s26+$0xC680]  }
0x20e: {  	v21 =	vld [tilespmem:s26+$0xC700];
	_ =	sdelay $0x1  }
0x20f: {  	v5 =	vmax.f32 v6, v5;
	v6 =	vmax.f32 v7, v9  }
0x210: {  	v5 =	vmax.f32 v5, v6  }
0x211: {  	v7 =	vmax.f32 v11, v12;
	v6 =	vmax.f32 v8, v10;
	v8 =	vmax.f32 v13, v14  }
0x212: {  	v9 =	vmax.f32 v16, v17;
	v10 =	vmax.f32 v18, v19;
	v11 =	vmax.f32 v20, v21  }
0x213: {  	v6 =	vmax.f32 v6, v7;
	v7 =	vmax.f32 v8, v9;
	v8 =	vmax.f32 v10, v11  }
0x214: {  	s25 =	sadd.s32 $0x80, s25;
	s26 =	sadd.s32 s24, s21;
	v5 =	vmax.f32 v5, v6;
	v6 =	vmax.f32 v7, v8  }
0x215: {  	s24 =	sand.u32 $0x1C00, s25;
	s28 =	sadd.s32 s23, s26;
	s23 =	sand.u32 $0x70, s22;
	v5 =	vmax.f32 v5, v6  }
0x216: {  	s26 =	sor.u32 s23, s24;
	[tilespmem:s28+$0x0] =	vst v5  }
0x217: {  	v5 =	vld [tilespmem:s26+$0xA400]  }
0x218: {  	v6 =	vld [tilespmem:s26+$0xA380]  }
0x219: {  	v7 =	vld [tilespmem:s26+$0xA480]  }
0x21a: {  	v9 =	vld [tilespmem:s26+$0xA500]  }
0x21b: {  	v8 =	vld [tilespmem:s26+$0xA580]  }
0x21c: {  	v10 =	vld [tilespmem:s26+$0xA600]  }
0x21d: {  	v11 =	vld [tilespmem:s26+$0xA680]  }
0x21e: {  	v12 =	vld [tilespmem:s26+$0xA700]  }
0x21f: {  	v13 =	vld [tilespmem:s26+$0xC380]  }
.Ltmp3:
0x220: {  	v14 =	vld [tilespmem:s26+$0xC400];
	(pc) =	sbr.rel @p0 .LBB2_9-.Ltmp3, $4  }
0x221: {  	v16 =	vld [tilespmem:s26+$0xC480]  }
0x222: {  	v17 =	vld [tilespmem:s26+$0xC500]  }
0x223: {  	v18 =	vld [tilespmem:s26+$0xC580]  }
0x224: {  	s22 =	sadd.s32 $0x10, s22;
	v19 =	vld [tilespmem:s26+$0xC600]  }
0x225: {  	v20 =	vld [tilespmem:s26+$0xC680]  }
0x226: {  	v21 =	vld [tilespmem:s26+$0xC700];
	_ =	sdelay $0x2  }
0x227: {  	v5 =	vmax.f32 v6, v5;
	v6 =	vmax.f32 v7, v9;
	v7 =	vmax.f32 v11, v12  }
0x228: {  	v5 =	vmax.f32 v5, v6;
	v6 =	vmax.f32 v8, v10;
	v8 =	vmax.f32 v13, v14  }
0x229: {  	v9 =	vmax.f32 v16, v17;
	v10 =	vmax.f32 v18, v19;
	v11 =	vmax.f32 v20, v21  }
0x22a: {  	v6 =	vmax.f32 v6, v7;
	v7 =	vmax.f32 v8, v9;
	v8 =	vmax.f32 v10, v11  }
0x22b: {  	s22 =	sadd.s32 s24, s21;
	v5 =	vmax.f32 v5, v6;
	v6 =	vmax.f32 v7, v8  }
0x22c: {  	s22 =	sadd.s32 s23, s22;
	v5 =	vmax.f32 v5, v6  }
0x22d: {  	[tilespmem:s22+$0x0] =	vst v5  }
0x22e: {  	s22 =	simm.s32 $0x0;
	_ =	swait.ge [sflag:s19], $0x6000  }
0x22f: {  	s23 =	sand.u32 $0x70, s22;
	s25 =	sand.u32 $0x1C00, s22;
	[sflag:s19] =	ssyncset.done $0x0  }
0x230: {  	s26 =	sor.u32 s23, s25;
	[sflag:s19] =	ssyncadd.s32 $0xFFFFA000  }
0x231: {  	v5 =	vld [tilespmem:s26+$0xE400]  }
0x232: {  	v6 =	vld [tilespmem:s26+$0xE380]  }
0x233: {  	v7 =	vld [tilespmem:s26+$0xE480]  }
0x234: {  	v8 =	vld [tilespmem:s26+$0xE500]  }
0x235: {  	v9 =	vld [tilespmem:s26+$0xE580]  }
0x236: {  	v11 =	vld [tilespmem:s26+$0xE600]  }
0x237: {  	v10 =	vld [tilespmem:s26+$0xE680]  }
0x238: {  	v13 =	vld [tilespmem:s26+$0xE700]  }
0x239: {  	v14 =	vld [tilespmem:s26+$0x10380]  }
0x23a: {  	v18 =	vld [tilespmem:s26+$0x10400]  }
0x23b: {  	v19 =	vld [tilespmem:s26+$0x10480]  }
0x23c: {  	v22 =	vld [tilespmem:s26+$0x10500]  }
0x23d: {  	v12 =	vld [tilespmem:s26+$0x10580]  }
0x23e: {  	v16 =	vld [tilespmem:s26+$0x10600]  }
0x23f: {  	v17 =	vld [tilespmem:s26+$0x10680]  }
0x240: {  	v20 =	vld [tilespmem:s26+$0x10700]  }
0x241: {  	v21 =	vld [tilespmem:s26+$0x12380]  }
0x242: {  	v23 =	vld [tilespmem:s26+$0x12400]  }
0x243: {  	v24 =	vld [tilespmem:s26+$0x12480]  }
0x244: {  	v25 =	vld [tilespmem:s26+$0x12500]  }
0x245: {  	v26 =	vld [tilespmem:s26+$0x12580]  }
0x246: {  	s24 =	simm.s32 $0x10;
	v27 =	vld [tilespmem:s26+$0x12600]  }
.LBB2_11:
0x247: {  	p0 =	sne.s32 s24, $0x3F0;
	v28 =	vld [tilespmem:s26+$0x12680]  }
0x248: {  	v29 =	vld [tilespmem:s26+$0x12700]  }
0x249: {  	s25 =	sadd.s32 s25, s21;
	v5 =	vmax.f32 v6, v5;
	v6 =	vmax.f32 v7, v8;
	v7 =	vmax.f32 v9, v11  }
0x24a: {  	v8 =	vmax.f32 v10, v13;
	v9 =	vmax.f32 v14, v18;
	v10 =	vmax.f32 v19, v22;
	s28 =	sadd.s32 s23, s25  }
0x24b: {  	v5 =	vmax.f32 v5, v6;
	v6 =	vmax.f32 v7, v8;
	v7 =	vmax.f32 v9, v10;
	v11 =	vld [tilespmem:s28+$0x0]  }
0x24c: {  	v8 =	vmax.f32 v12, v16;
	v9 =	vmax.f32 v17, v20;
	v10 =	vmax.f32 v21, v23  }
0x24d: {  	v12 =	vmax.f32 v24, v25;
	v13 =	vmax.f32 v26, v27;
	v14 =	vmax.f32 v28, v29  }
0x24e: {  	v8 =	vmax.f32 v8, v9;
	v9 =	vmax.f32 v10, v12;
	v10 =	vmax.f32 v13, v14  }
0x24f: {  	v5 =	vmax.f32 v5, v6;
	v6 =	vmax.f32 v7, v8;
	v7 =	vmax.f32 v9, v10  }
0x250: {  	s22 =	sadd.s32 $0x80, s22;
	v5 =	vmax.f32 v5, v6;
	v6 =	vmax.f32 v7, v11  }
0x251: {  	s23 =	sand.u32 $0x70, s24;
	s25 =	sand.u32 $0x1C00, s22;
	v5 =	vmax.f32 v5, v6  }
0x252: {  	s26 =	sor.u32 s23, s25;
	[tilespmem:s28+$0x0] =	vst v5  }
0x253: {  	v5 =	vld [tilespmem:s26+$0xE400]  }
0x254: {  	v6 =	vld [tilespmem:s26+$0xE380]  }
0x255: {  	v7 =	vld [tilespmem:s26+$0xE480]  }
0x256: {  	v8 =	vld [tilespmem:s26+$0xE500]  }
0x257: {  	v9 =	vld [tilespmem:s26+$0xE580]  }
0x258: {  	v11 =	vld [tilespmem:s26+$0xE600]  }
0x259: {  	v10 =	vld [tilespmem:s26+$0xE680]  }
0x25a: {  	v13 =	vld [tilespmem:s26+$0xE700]  }
0x25b: {  	v14 =	vld [tilespmem:s26+$0x10380]  }
0x25c: {  	v18 =	vld [tilespmem:s26+$0x10400]  }
0x25d: {  	v19 =	vld [tilespmem:s26+$0x10480]  }
0x25e: {  	v22 =	vld [tilespmem:s26+$0x10500]  }
0x25f: {  	v12 =	vld [tilespmem:s26+$0x10580]  }
0x260: {  	v16 =	vld [tilespmem:s26+$0x10600]  }
0x261: {  	v17 =	vld [tilespmem:s26+$0x10680]  }
0x262: {  	v20 =	vld [tilespmem:s26+$0x10700]  }
0x263: {  	v21 =	vld [tilespmem:s26+$0x12380]  }
.Ltmp4:
0x264: {  	v23 =	vld [tilespmem:s26+$0x12400];
	(pc) =	sbr.rel @p0 .LBB2_11-.Ltmp4, $4  }
0x265: {  	v24 =	vld [tilespmem:s26+$0x12480]  }
0x266: {  	v25 =	vld [tilespmem:s26+$0x12500]  }
0x267: {  	v26 =	vld [tilespmem:s26+$0x12580]  }
0x268: {  	s24 =	sadd.s32 $0x10, s24;
	v27 =	vld [tilespmem:s26+$0x12600]  }
0x269: {  	v28 =	vld [tilespmem:s26+$0x12680]  }
0x26a: {  	v29 =	vld [tilespmem:s26+$0x12700]  }
0x26b: {  	s21 =	sadd.s32 s25, s21;
	v5 =	vmax.f32 v6, v5;
	v6 =	vmax.f32 v7, v8;
	v7 =	vmax.f32 v9, v11  }
0x26c: {  	v8 =	vmax.f32 v10, v13;
	v9 =	vmax.f32 v14, v18;
	v22 =	vmax.f32 v19, v22;
	s21 =	sadd.s32 s23, s21  }
0x26d: {  	v19 =	vmax.f32 v12, v16;
	v23 =	vmax.f32 v21, v23;
	v5 =	vmax.f32 v5, v6;
	v18 =	vld [tilespmem:s21+$0x0]  }
0x26e: {  	s20 =	sadd.s32 $0x1, s20;
	v6 =	vmax.f32 v7, v8;
	v7 =	vmax.f32 v9, v22;
	v22 =	vmax.f32 v17, v20  }
0x26f: {  	p0 =	sne.s32 s20, $0x8;
	v12 =	vmax.f32 v24, v25;
	v13 =	vmax.f32 v26, v27;
	v14 =	vmax.f32 v28, v29  }
.Ltmp5:
0x270: {  	v8 =	vmax.f32 v19, v22;
	v26 =	vmax.f32 v23, v12;
	v27 =	vmax.f32 v13, v14;
	(pc) =	sbr.rel @p0 .LBB2_2-.Ltmp5, $4  }
0x271: {  	v5 =	vmax.f32 v5, v6;
	v6 =	vmax.f32 v7, v8;
	v7 =	vmax.f32 v26, v27  }
0x272: {  	v5 =	vmax.f32 v5, v6;
	v6 =	vmax.f32 v7, v18  }
0x273: {  	v5 =	vmax.f32 v5, v6  }
0x274: {  	[tilespmem:s21+$0x0] =	vst v5  }
0x275: {  	s20 =	rddreg [dreg:$0x6];
	s21 =	simm.s32 $0x14380  }
0x276: {  	[hbm4b:s20+s2] =	stream.linear.scatter [tilespmem:s21], [sflag:$0x5], $0x4000, $0x38;
	[tilespmem:$0x18380] =	vst v63  }
0x277: {  	s21 =	simm.s32 $0x5  }
0x278: {  	_ =	swait.ge [sflag:s21], $0x4000  }
0x279: {  	s22 =	rddreg [dreg:$0x8]  }
0x27a: {  	s31 =	rddreg [dreg:$0x7];
	s22 =	sadd.s32 $0x1, s22  }
0x27b: {  	p0 =	sne.s32 s22, s31  }
.Ltmp6:
0x27c: {  	_ = 	snop;
	(pc) =	sbr.rel @p0 .LBB2_1-.Ltmp6, $3  }
0x27d: {  	_ =	sdelay $0x1  }
0x27e: {  	[sflag:s21] =	ssyncset.done $0x0  }
0x27f: {  	[sflag:s21] =	ssyncadd.s32 $0xFFFFC000  }
0x280: {  	_ =	sfence.sel $0x180000  }
0x281: {  	[bflag:$0x0] =	sbarrier.arrive $0xFFFF  }
0x282: {  	_ =	strace $0x90000047  }
0x283: {  	s0 =	stileid.u32;
	[bflag:$0x2] =	sbarrier.arrive $0xFFFF  }
0x284: {  	p0 =	sne.s32 s0, $0x0;
	s0 =	rddreg [dreg:$0x3]  }
0x285: {  	s0 =	sadd.s32 @!p0 $0x100000, s0  }
0x286: {  	[sflag:s0] =	ssyncadd.tile.s32 @!p0 $0x1;
	_ =	shalt  }
.Lfunc_end2:
_tile_overlayer_lowered:
.L_overlay_start_2:
0x287: {  	(tag) =	ssettag $0x2  }
0x288: {  	s0 =	rddreg [dreg:$0x0];
	s2 =	stileid.u32  }
0x289: {  	s1 =	rddreg [dreg:$0x1];
	p0 =	sne.s32 s2, $0x0  }
0x28a: {  	s3 =	rddreg [dreg:$0x2];
	[bflag:$0x3] =	sbarrier.arrive $0xFFFF;
	s2 =	simm.s32 @!p0 $0x1C05  }
0x28b: {  	[timem:s3], [sflag:s2] =	dma.local @!p0 [hbm:s0], s1  }
0x28c: {  	s0 =	simm.s32 @!p0 $0x5  }
0x28d: {  	_ =	swait.ge @!p0 [sflag:s0], s1  }
0x28e: {  	s1 =	ssub.s32 @!p0 $0x0, s1;
	[sflag:s0] =	ssyncset.done @!p0 $0x0  }
0x28f: {  	[sflag:s0] =	ssyncadd.s32 @!p0 s1  }
0x290: {  	[bflag:$0x3] =	sbarrier.arrive $0xFFFF  }
0x291: {  	_ =	shalt  }

</sc_bundles>
